<compile_context>
chip_gen: v7x
topology: tpu7x:2x2x1
jax: 0.10.2.dev20260603
libtpu: 0.0.44.dev20260713+nightly
codegen_flags: <defaults>
</compile_context>

<pallas_src>
import functools

import jax
import jax.numpy as jnp
from jax import lax
from jax.experimental import pallas as pl
from jax.experimental.pallas import tpu as pltpu
from jax.experimental.pallas import tpu_sc as plsc

N = 10000
D = 128
DH = D // 2
E = 320000

NC = 2
NS = 16
NW = NC * NS
CHUNK = 128
NCH = 80
EPW = CHUNK * NCH
E_PAD = EPW * NW
NP = 10240
RPT = NP // NS
BR = 512
CW = 8


M = 4
NSUP = NCH // M
K = 2


def _sc_body(*refs):
    (x0q_hbm, x1q_hbm, src_hbm, dst_hbm, z_hbm,
     p_hbm,
     sidx, didx, *rest) = refs
    bufs, rest = rest[:K], rest[K:]
    qbufs, rest = rest[:K], rest[K:]
    agg_sh, *sems = rest
    gsem, ssem = sems[:K], sems[K:]

    c = lax.axis_index("c")
    s = lax.axis_index("s")
    wid = c * NS + s
    row0 = s * RPT

    pltpu.sync_copy(src_hbm.at[wid], sidx)
    pltpu.sync_copy(dst_hbm.at[wid], didx)

    for half, xh_hbm in enumerate((x0q_hbm, x1q_hbm)):
        pltpu.sync_copy(z_hbm, agg_sh.at[pl.ds(row0, RPT)])
        plsc.subcore_barrier()

        def gs_start(q, k):
            for m in range(M):
                pltpu.make_async_copy(
                    xh_hbm.at[sidx.at[q * M + m]],
                    qbufs[k].at[m], gsem[k]).start()

        def gs_wait(q, k):
            for m in range(M):
                pltpu.make_async_copy(
                    xh_hbm.at[sidx.at[q * M + m]],
                    qbufs[k].at[m], gsem[k]).wait()

        def ss_start(q, k):
            return
            for m in range(M):
                pltpu.async_copy(
                    bufs[k].at[m], agg_sh.at[didx.at[q * M + m]],
                    ssem[k], add=True)

        def ss_wait(q, k):
            return
            for m in range(M):
                pltpu.make_async_copy(
                    bufs[k].at[m], agg_sh.at[didx.at[q * M + m]],
                    ssem[k]).wait()

        gs_start(0, 0)

        def q_body(q_r, carry):
            for k in range(K):
                q = q_r * K + k
                kn = (k + 1) % K

                @pl.when(q + 1 < NSUP)
                def _():
                    @pl.when(q >= 1)
                    def _():
                        ss_wait(q - 1, kn)
                    gs_start(q + 1, kn)

                gs_wait(q, k)
                ss_start(q, k)
            return carry

        lax.fori_loop(0, NSUP // K, q_body, 0)
        ss_wait(NSUP - 2, (NSUP - 2) % K)
        ss_wait(NSUP - 1, (NSUP - 1) % K)

        plsc.subcore_barrier()
        pltpu.sync_copy(agg_sh.at[pl.ds(row0, RPT)],
                        p_hbm.at[c, half, pl.ds(row0, RPT)])


def _make_sc():
    mesh = plsc.VectorSubcoreMesh(core_axis_name="c", subcore_axis_name="s")
    scratch = [
        pltpu.VMEM((NCH, CHUNK), jnp.int32),
        pltpu.VMEM((NCH, CHUNK), jnp.int32),
    ] + [pltpu.VMEM((M, CHUNK, DH), jnp.float32)] * K + [
    ] + [pltpu.VMEM((M, CHUNK, DH // 2), jnp.float32)] * K + [
        pltpu.VMEM_SHARED((NP, DH), jnp.float32),
    ] + [pltpu.SemaphoreType.DMA] * (2 * K)
    return pl.kernel(
        _sc_body,
        out_type=jax.ShapeDtypeStruct((NC, 2, NP, DH), jnp.float32),
        scratch_types=scratch,
        mesh=mesh,
        compiler_params=pltpu.CompilerParams(use_tc_tiling_on_sc=False),
    )


MC = 4


def _cnt_body(dst_hbm, z8_hbm, ones_hbm, cnt_hbm,
              didx, ones_v, cnt_sh, sem0, sem1):
    c = lax.axis_index("c")
    s = lax.axis_index("s")
    wid = c * NS + s
    row0 = s * RPT

    pltpu.sync_copy(dst_hbm.at[wid], didx)
    pltpu.sync_copy(ones_hbm, ones_v)
    pltpu.sync_copy(z8_hbm, cnt_sh.at[pl.ds(row0, RPT)])
    plsc.subcore_barrier()

    sems = (sem0, sem1)

    def fire(q, k):
        for m in range(MC):
            pltpu.async_copy(
                ones_v, cnt_sh.at[didx.at[q * MC + m]], sems[k], add=True)

    def drain(q, k):
        for m in range(MC):
            pltpu.make_async_copy(
                ones_v, cnt_sh.at[didx.at[q * MC + m]], sems[k]).wait()

    nsup = NCH // MC

    def q_body(j, carry):
        pltpu.async_copy(ones_v, cnt_sh.at[didx.at[j]], sem0, add=True)
        pltpu.make_async_copy(ones_v, cnt_sh.at[didx.at[j]], sem0).wait()
        return carry

    lax.fori_loop(0, NCH, q_body, 0)

    plsc.subcore_barrier()
    pltpu.sync_copy(cnt_sh.at[pl.ds(row0, RPT)],
                    cnt_hbm.at[c, pl.ds(row0, RPT)])


def _make_cnt():
    mesh = plsc.VectorSubcoreMesh(core_axis_name="c", subcore_axis_name="s")
    scratch = [
        pltpu.VMEM((NCH, CHUNK), jnp.int32),
        pltpu.VMEM((CHUNK, CW), jnp.float32),
        pltpu.VMEM_SHARED((NP, CW), jnp.float32),
        pltpu.SemaphoreType.DMA, pltpu.SemaphoreType.DMA,
    ]
    return pl.kernel(
        _cnt_body,
        out_type=jax.ShapeDtypeStruct((NC, NP, CW), jnp.float32),
        scratch_types=scratch,
        mesh=mesh,
        compiler_params=pltpu.CompilerParams(use_tc_tiling_on_sc=False),
    )


def _tc_body(relu, p_ref, cnt_ref, x0_ref, x1_ref, wl_ref, wr_ref, b_ref,
             *o_refs):
    cnt = cnt_ref[0] + cnt_ref[1]
    inv = 1.0 / jnp.maximum(cnt[:, 0:1], 1.0)
    f32 = jnp.float32
    acc = jnp.dot((p_ref[0, 0] + p_ref[1, 0]) * inv, wl_ref[0:DH, :],
                  preferred_element_type=f32)
    acc = acc + jnp.dot((p_ref[0, 1] + p_ref[1, 1]) * inv, wl_ref[DH:D, :],
                        preferred_element_type=f32)
    acc = acc + jnp.dot(x0_ref[...], wr_ref[0:DH, :],
                        preferred_element_type=f32)
    acc = acc + jnp.dot(x1_ref[...], wr_ref[DH:D, :],
                        preferred_element_type=f32)
    acc = acc + b_ref[...]
    if relu:
        acc = jnp.maximum(acc, 0.0)
    if len(o_refs) == 2:
        o_refs[0][...] = acc[:, 0:DH]
        o_refs[1][...] = acc[:, DH:D]
    else:
        o_refs[0][...] = acc


def _make_tc(relu, split_out):
    if split_out:
        out_shape = [jax.ShapeDtypeStruct((NP, DH), jnp.float32)] * 2
        out_specs = [pl.BlockSpec((BR, DH), lambda i: (i, 0))] * 2
    else:
        out_shape = jax.ShapeDtypeStruct((NP, D), jnp.float32)
        out_specs = pl.BlockSpec((BR, D), lambda i: (i, 0))
    return pl.pallas_call(
        functools.partial(_tc_body, relu),
        grid=(NP // BR,),
        in_specs=[
            pl.BlockSpec((NC, 2, BR, DH), lambda i: (0, 0, i, 0)),
            pl.BlockSpec((NC, BR, CW), lambda i: (0, i, 0)),
            pl.BlockSpec((BR, DH), lambda i: (i, 0)),
            pl.BlockSpec((BR, DH), lambda i: (i, 0)),
            pl.BlockSpec((D, D), lambda i: (0, 0)),
            pl.BlockSpec((D, D), lambda i: (0, 0)),
            pl.BlockSpec((1, D), lambda i: (0, 0)),
        ],
        out_specs=out_specs,
        out_shape=out_shape,
    )


_sc_agg = _make_sc()
_sc_cnt = _make_cnt()
_tc_l1 = _make_tc(True, True)
_tc_l2 = _make_tc(False, False)


def kernel(x, edge_index, W1l, b1l, W1r, W2l, b2l, W2r):
    pad = E_PAD - E
    src = jnp.concatenate([edge_index[0], jnp.zeros((pad,), jnp.int32)])
    dst = jnp.concatenate([edge_index[1], jnp.full((pad,), N, jnp.int32)])
    src3 = src.reshape(NW, NCH, CHUNK)
    dst3 = dst.reshape(NW, NCH, CHUNK)

    zeros = jnp.zeros((RPT, DH), jnp.float32)
    zeros8 = jnp.zeros((RPT, CW), jnp.float32)
    ones = jnp.ones((CHUNK, CW), jnp.float32)
    rpad = jnp.zeros((NP - N, DH), jnp.float32)
    x0 = jnp.concatenate([x[:, 0:DH], rpad])
    x1 = jnp.concatenate([x[:, DH:D], rpad])

    cnt = _sc_cnt(dst3, zeros8, ones)
    p1 = _sc_agg(x0[:, 0:DH // 2], x1[:, 0:DH // 2],
                 src3, dst3, zeros)
    h0, h1 = _tc_l1(p1, cnt, x0, x1, W1l.T, W1r.T, b1l.reshape(1, D))
    p2 = _sc_agg(h0[:, 0:DH // 2], h1[:, 0:DH // 2],
                 src3, dst3, zeros)
    out = _tc_l2(p2, cnt, h0, h1, W2l.T, W2r.T, b2l.reshape(1, D))
    return out[:N]

# --- scband reference (transcript-rebuilt; emitter-appended) ---
"""Pipeline reference for scband-gs-16243566314085 (READ-ONLY COPY).

The authoritative reference and input builder live on the scoring server;
editing this copy changes nothing except your own understanding.
"""

import jax, jax.numpy as jnp
import numpy as np

N = 10000
E = 320000
D = 128


def setup_inputs(seed: int = 0) -> dict:
    key = jax.random.key(seed)
    ks = jax.random.split(key, 9)
    x = jax.random.normal(ks[0], (N, D), dtype=jnp.float32)
    edge_index = jax.random.randint(ks[1], (2, E), 0, N, dtype=jnp.int32)
    s = 1.0 / np.sqrt(D)
    W1l = jax.random.normal(ks[2], (D, D), dtype=jnp.float32) * s
    b1l = jnp.zeros((D,), dtype=jnp.float32)
    W1r = jax.random.normal(ks[3], (D, D), dtype=jnp.float32) * s
    W2l = jax.random.normal(ks[4], (D, D), dtype=jnp.float32) * s
    b2l = jnp.zeros((D,), dtype=jnp.float32)
    W2r = jax.random.normal(ks[5], (D, D), dtype=jnp.float32) * s
    return {"x": x, "edge_index": edge_index, "W1l": W1l, "b1l": b1l, "W1r": W1r, "W2l": W2l, "b2l": b2l, "W2r": W2r}


def _sage_conv(x, edge_index, Wl, bl, Wr):
    # PyG SAGEConv: out = lin_l(mean_{j in N(i)} x_j) + lin_r(x_i)
    src = edge_index[0]
    dst = edge_index[1]
    msgs = jnp.take(x, src, axis=0)
    agg = jnp.zeros_like(x).at[dst].add(msgs)
    cnt = jnp.zeros((x.shape[0],), dtype=x.dtype).at[dst].add(1.0)
    mean = agg / jnp.clip(cnt, 1.0, None)[:, None]
    return mean @ Wl.T + bl + x @ Wr.T


def reference(x, edge_index, W1l, b1l, W1r, W2l, b2l, W2r):
    h = _sage_conv(x, edge_index, W1l, b1l, W1r)
    h = jax.nn.relu(h)
    out = _sage_conv(h, edge_index, W2l, b2l, W2r)
    return out

if __name__ == "__main__":
    import jax
    _d = setup_inputs()
    print(jax.jit(kernel)(*tuple(_d.values())))

</pallas_src>

<mosaic_0001>
#map = affine_map<(d0, d1) -> (0, 0, 0)>
#map1 = affine_map<(d0, d1) -> (0, 0)>
module attributes {stable_mosaic.version = 14 : i64} {
  func.func @_cnt_body(%arg0: i32, %arg1: i32, %arg2: memref<32x80x128xi32, #tpu.memory_space<hbm>>, %arg3: memref<640x8xf32, #tpu.memory_space<hbm>>, %arg4: memref<128x8xf32, #tpu.memory_space<hbm>>, %arg5: memref<2x10240x8xf32, #tpu.memory_space<hbm>>, %arg6: memref<80x128xi32, #tpu.memory_space<vmem>>, %arg7: memref<128x8xf32, #tpu.memory_space<vmem>>, %arg8: memref<10240x8xf32, #tpu.memory_space<vmem_shared>>, %arg9: memref<!tpu.dma_semaphore, #tpu.memory_space<semaphore_mem>>, %arg10: memref<!tpu.dma_semaphore, #tpu.memory_space<semaphore_mem>>) attributes {dimension_semantics = [#tpu.dimension_semantics<core_parallel>, #tpu.dimension_semantics<subcore_parallel>], iteration_bounds = array<i64: 2, 16>, scalar_prefetch = 0 : i64, scratch_operands = 5 : i64, tpu.core_type = #tpu.core_type<sc_vector_subcore>, window_params = [{transform_indices = #map}, {transform_indices = #map1}, {transform_indices = #map1}, {transform_indices = #map}]} {
    %mul3A = arith.constant 16 : i32
    %mul3A_0 = arith.muli %arg0, %mul3A : i32
    %add3A = arith.addi %mul3A_0, %arg1 : i32
    %mul3A_1 = arith.constant 640 : i32
    %mul3A_2 = arith.muli %arg1, %mul3A_1 : i32
    "tpu.region"() ({
      %run_scoped3A = tpu.sem_alloc : memref<!tpu.dma_semaphore, #tpu.memory_space<semaphore_mem>>
      %dma_start3A = arith.constant 0 : i32
      %dma_start3A_9 = arith.constant 0 : i32
      %dma_start3A_10 = tpu.memref_slice %arg2[%add3A, %dma_start3A, %dma_start3A_9] : memref<32x80x128xi32, #tpu.memory_space<hbm>> -> memref<1x80x128xi32, #tpu.memory_space<hbm>>
      %dma_start3A_11 = tpu.memref_squeeze %dma_start3A_10 : memref<1x80x128xi32, #tpu.memory_space<hbm>> -> memref<80x128xi32, #tpu.memory_space<hbm>>
      %dma_start3A_12 = arith.constant 0 : i32
      %dma_start3A_13 = arith.constant 0 : i32
      %dma_start3A_14 = tpu.memref_slice %arg2[%add3A, %dma_start3A_12, %dma_start3A_13] : memref<32x80x128xi32, #tpu.memory_space<hbm>> -> memref<1x80x128xi32, #tpu.memory_space<hbm>>
      %dma_start3A_15 = tpu.memref_squeeze %dma_start3A_14 : memref<1x80x128xi32, #tpu.memory_space<hbm>> -> memref<80x128xi32, #tpu.memory_space<hbm>>
      tpu.enqueue_dma source(%dma_start3A_15 : memref<80x128xi32, #tpu.memory_space<hbm>>) target(%arg6 : memref<80x128xi32, #tpu.memory_space<vmem>>) target_semaphore(%run_scoped3A : memref<!tpu.dma_semaphore, #tpu.memory_space<semaphore_mem>>)
      %dma_wait3A = arith.constant 0 : i32
      %dma_wait3A_16 = arith.constant 0 : i32
      %dma_wait3A_17 = tpu.memref_slice %arg2[%add3A, %dma_wait3A, %dma_wait3A_16] : memref<32x80x128xi32, #tpu.memory_space<hbm>> -> memref<1x80x128xi32, #tpu.memory_space<hbm>>
      %dma_wait3A_18 = tpu.memref_squeeze %dma_wait3A_17 : memref<1x80x128xi32, #tpu.memory_space<hbm>> -> memref<80x128xi32, #tpu.memory_space<hbm>>
      %dma_wait3A_19 = arith.constant 0 : i32
      %dma_wait3A_20 = arith.constant 0 : i32
      %dma_wait3A_21 = tpu.memref_slice %arg2[%add3A, %dma_wait3A_19, %dma_wait3A_20] : memref<32x80x128xi32, #tpu.memory_space<hbm>> -> memref<1x80x128xi32, #tpu.memory_space<hbm>>
      %dma_wait3A_22 = tpu.memref_squeeze %dma_wait3A_21 : memref<1x80x128xi32, #tpu.memory_space<hbm>> -> memref<80x128xi32, #tpu.memory_space<hbm>>
      tpu.wait_dma2 semaphore(%run_scoped3A : memref<!tpu.dma_semaphore, #tpu.memory_space<semaphore_mem>>) src(%dma_wait3A_22 : memref<80x128xi32, #tpu.memory_space<hbm>>) dst(%arg6 : memref<80x128xi32, #tpu.memory_space<vmem>>)
      tpu.yield
    }) : () -> ()
    "tpu.region"() ({
      %run_scoped3A = tpu.sem_alloc : memref<!tpu.dma_semaphore, #tpu.memory_space<semaphore_mem>>
      tpu.enqueue_dma source(%arg4 : memref<128x8xf32, #tpu.memory_space<hbm>>) target(%arg7 : memref<128x8xf32, #tpu.memory_space<vmem>>) target_semaphore(%run_scoped3A : memref<!tpu.dma_semaphore, #tpu.memory_space<semaphore_mem>>)
      tpu.wait_dma2 semaphore(%run_scoped3A : memref<!tpu.dma_semaphore, #tpu.memory_space<semaphore_mem>>) src(%arg4 : memref<128x8xf32, #tpu.memory_space<hbm>>) dst(%arg7 : memref<128x8xf32, #tpu.memory_space<vmem>>)
      tpu.yield
    }) : () -> ()
    "tpu.region"() ({
      %run_scoped3A = tpu.sem_alloc : memref<!tpu.dma_semaphore, #tpu.memory_space<semaphore_mem>>
      %dma_start3A = arith.constant 0 : i32
      %dma_start3A_9 = tpu.memref_slice %arg8[%mul3A_2, %dma_start3A] : memref<10240x8xf32, #tpu.memory_space<vmem_shared>> -> memref<640x8xf32, #tpu.memory_space<vmem_shared>>
      tpu.enqueue_dma source(%arg3 : memref<640x8xf32, #tpu.memory_space<hbm>>) target(%dma_start3A_9 : memref<640x8xf32, #tpu.memory_space<vmem_shared>>) target_semaphore(%run_scoped3A : memref<!tpu.dma_semaphore, #tpu.memory_space<semaphore_mem>>)
      %dma_wait3A = arith.constant 0 : i32
      %dma_wait3A_10 = tpu.memref_slice %arg8[%mul3A_2, %dma_wait3A] : memref<10240x8xf32, #tpu.memory_space<vmem_shared>> -> memref<640x8xf32, #tpu.memory_space<vmem_shared>>
      tpu.wait_dma2 semaphore(%run_scoped3A : memref<!tpu.dma_semaphore, #tpu.memory_space<semaphore_mem>>) src(%arg3 : memref<640x8xf32, #tpu.memory_space<hbm>>) dst(%dma_wait3A_10 : memref<640x8xf32, #tpu.memory_space<vmem_shared>>)
      tpu.yield
    }) : () -> ()
    %barrier3A = arith.constant 0 : index
    tpu.barrier barrier_id(%barrier3A)
    %scan3A = arith.constant 0 : i32
    %scan3A_3 = arith.constant 0 : i32
    %scan3A_4 = arith.constant 80 : i32
    %scan3A_5 = arith.addi %scan3A_3, %scan3A_4 : i32
    %scan3A_6 = arith.constant 1 : i32
    scf.for %scan3A_9 = %scan3A_3 to %scan3A_5 step %scan3A_6  : i32 {
      %dma_start3A = arith.constant 0 : i32
      %dma_start3A_10 = tpu.memref_slice %arg6[%scan3A_9, %dma_start3A] : memref<80x128xi32, #tpu.memory_space<vmem>> -> memref<1x128xi32, #tpu.memory_space<vmem>>
      %dma_start3A_11 = tpu.memref_squeeze %dma_start3A_10 : memref<1x128xi32, #tpu.memory_space<vmem>> -> memref<128xi32, #tpu.memory_space<vmem>>
      %dma_start3A_12 = arith.constant 0 : i32
      %dma_start3A_13 = arith.constant 0 : i32
      %dma_start3A_14 = tpu.memref_slice %arg8[%dma_start3A_12, %dma_start3A_13] : memref<10240x8xf32, #tpu.memory_space<vmem_shared>> -> memref<10240x8xf32, #tpu.memory_space<vmem_shared>>
      tpu.enqueue_indirect_dma source(%arg7 : memref<128x8xf32, #tpu.memory_space<vmem>>) target(%dma_start3A_14 : memref<10240x8xf32, #tpu.memory_space<vmem_shared>>) offsets(%dma_start3A_11 : memref<128xi32, #tpu.memory_space<vmem>>) semaphore(%arg9 : memref<!tpu.dma_semaphore, #tpu.memory_space<semaphore_mem>>) {add = true}
      %dma_wait3A = arith.constant 0 : i32
      %dma_wait3A_15 = tpu.memref_slice %arg6[%scan3A_9, %dma_wait3A] : memref<80x128xi32, #tpu.memory_space<vmem>> -> memref<1x128xi32, #tpu.memory_space<vmem>>
      %dma_wait3A_16 = tpu.memref_squeeze %dma_wait3A_15 : memref<1x128xi32, #tpu.memory_space<vmem>> -> memref<128xi32, #tpu.memory_space<vmem>>
      %dma_wait3A_17 = arith.constant 0 : i32
      %dma_wait3A_18 = arith.constant 0 : i32
      %dma_wait3A_19 = tpu.memref_slice %arg8[%dma_wait3A_17, %dma_wait3A_18] : memref<10240x8xf32, #tpu.memory_space<vmem_shared>> -> memref<10240x8xf32, #tpu.memory_space<vmem_shared>>
      tpu.wait_indirect_dma semaphore(%arg9 : memref<!tpu.dma_semaphore, #tpu.memory_space<semaphore_mem>>) src(%arg7 : memref<128x8xf32, #tpu.memory_space<vmem>>) dst(%dma_wait3A_19 : memref<10240x8xf32, #tpu.memory_space<vmem_shared>>)
    }
    %scan3A_7 = arith.constant 80 : i32
    %barrier3A_8 = arith.constant 0 : index
    tpu.barrier barrier_id(%barrier3A_8)
    "tpu.region"() ({
      %run_scoped3A = tpu.sem_alloc : memref<!tpu.dma_semaphore, #tpu.memory_space<semaphore_mem>>
      %dma_start3A = arith.constant 0 : i32
      %dma_start3A_9 = tpu.memref_slice %arg5[%arg0, %mul3A_2, %dma_start3A] : memref<2x10240x8xf32, #tpu.memory_space<hbm>> -> memref<1x640x8xf32, #tpu.memory_space<hbm>>
      %dma_start3A_10 = tpu.memref_squeeze %dma_start3A_9 : memref<1x640x8xf32, #tpu.memory_space<hbm>> -> memref<640x8xf32, #tpu.memory_space<hbm>>
      %dma_start3A_11 = arith.constant 0 : i32
      %dma_start3A_12 = tpu.memref_slice %arg8[%mul3A_2, %dma_start3A_11] : memref<10240x8xf32, #tpu.memory_space<vmem_shared>> -> memref<640x8xf32, #tpu.memory_space<vmem_shared>>
      tpu.enqueue_dma source(%dma_start3A_12 : memref<640x8xf32, #tpu.memory_space<vmem_shared>>) target(%dma_start3A_10 : memref<640x8xf32, #tpu.memory_space<hbm>>) target_semaphore(%run_scoped3A : memref<!tpu.dma_semaphore, #tpu.memory_space<semaphore_mem>>)
      %dma_wait3A = arith.constant 0 : i32
      %dma_wait3A_13 = tpu.memref_slice %arg5[%arg0, %mul3A_2, %dma_wait3A] : memref<2x10240x8xf32, #tpu.memory_space<hbm>> -> memref<1x640x8xf32, #tpu.memory_space<hbm>>
      %dma_wait3A_14 = tpu.memref_squeeze %dma_wait3A_13 : memref<1x640x8xf32, #tpu.memory_space<hbm>> -> memref<640x8xf32, #tpu.memory_space<hbm>>
      %dma_wait3A_15 = arith.constant 0 : i32
      %dma_wait3A_16 = tpu.memref_slice %arg8[%mul3A_2, %dma_wait3A_15] : memref<10240x8xf32, #tpu.memory_space<vmem_shared>> -> memref<640x8xf32, #tpu.memory_space<vmem_shared>>
      tpu.wait_dma2 semaphore(%run_scoped3A : memref<!tpu.dma_semaphore, #tpu.memory_space<semaphore_mem>>) src(%dma_wait3A_16 : memref<640x8xf32, #tpu.memory_space<vmem_shared>>) dst(%dma_wait3A_14 : memref<640x8xf32, #tpu.memory_space<hbm>>)
      tpu.yield
    }) : () -> ()
    return
  }
}

#map = affine_map<(d0, d1) -> (0, 0)>
#map1 = affine_map<(d0, d1) -> (0, 0, 0)>
#map2 = affine_map<(d0, d1) -> (0, 0, 0, 0)>
module attributes {stable_mosaic.version = 14 : i64} {
  func.func @_sc_body(%arg0: i32, %arg1: i32, %arg2: memref<10240x32xf32, #tpu.memory_space<hbm>>, %arg3: memref<10240x32xf32, #tpu.memory_space<hbm>>, %arg4: memref<32x80x128xi32, #tpu.memory_space<hbm>>, %arg5: memref<32x80x128xi32, #tpu.memory_space<hbm>>, %arg6: memref<640x64xf32, #tpu.memory_space<hbm>>, %arg7: memref<2x2x10240x64xf32, #tpu.memory_space<hbm>>, %arg8: memref<80x128xi32, #tpu.memory_space<vmem>>, %arg9: memref<80x128xi32, #tpu.memory_space<vmem>>, %arg10: memref<4x128x64xf32, #tpu.memory_space<vmem>>, %arg11: memref<4x128x64xf32, #tpu.memory_space<vmem>>, %arg12: memref<4x128x32xf32, #tpu.memory_space<vmem>>, %arg13: memref<4x128x32xf32, #tpu.memory_space<vmem>>, %arg14: memref<10240x64xf32, #tpu.memory_space<vmem_shared>>, %arg15: memref<!tpu.dma_semaphore, #tpu.memory_space<semaphore_mem>>, %arg16: memref<!tpu.dma_semaphore, #tpu.memory_space<semaphore_mem>>, %arg17: memref<!tpu.dma_semaphore, #tpu.memory_space<semaphore_mem>>, %arg18: memref<!tpu.dma_semaphore, #tpu.memory_space<semaphore_mem>>) attributes {dimension_semantics = [#tpu.dimension_semantics<core_parallel>, #tpu.dimension_semantics<subcore_parallel>], iteration_bounds = array<i64: 2, 16>, scalar_prefetch = 0 : i64, scratch_operands = 11 : i64, tpu.core_type = #tpu.core_type<sc_vector_subcore>, window_params = [{transform_indices = #map}, {transform_indices = #map}, {transform_indices = #map1}, {transform_indices = #map1}, {transform_indices = #map}, {transform_indices = #map2}]} {
    %mul3A = arith.constant 16 : i32
    %mul3A_0 = arith.muli %arg0, %mul3A : i32
    %add3A = arith.addi %mul3A_0, %arg1 : i32
    %mul3A_1 = arith.constant 640 : i32
    %mul3A_2 = arith.muli %arg1, %mul3A_1 : i32
    "tpu.region"() ({
      %run_scoped3A_113 = tpu.sem_alloc : memref<!tpu.dma_semaphore, #tpu.memory_space<semaphore_mem>>
      %dma_start3A_114 = arith.constant 0 : i32
      %dma_start3A_115 = arith.constant 0 : i32
      %dma_start3A_116 = tpu.memref_slice %arg4[%add3A, %dma_start3A_114, %dma_start3A_115] : memref<32x80x128xi32, #tpu.memory_space<hbm>> -> memref<1x80x128xi32, #tpu.memory_space<hbm>>
      %dma_start3A_117 = tpu.memref_squeeze %dma_start3A_116 : memref<1x80x128xi32, #tpu.memory_space<hbm>> -> memref<80x128xi32, #tpu.memory_space<hbm>>
      %dma_start3A_118 = arith.constant 0 : i32
      %dma_start3A_119 = arith.constant 0 : i32
      %dma_start3A_120 = tpu.memref_slice %arg4[%add3A, %dma_start3A_118, %dma_start3A_119] : memref<32x80x128xi32, #tpu.memory_space<hbm>> -> memref<1x80x128xi32, #tpu.memory_space<hbm>>
      %dma_start3A_121 = tpu.memref_squeeze %dma_start3A_120 : memref<1x80x128xi32, #tpu.memory_space<hbm>> -> memref<80x128xi32, #tpu.memory_space<hbm>>
      tpu.enqueue_dma source(%dma_start3A_121 : memref<80x128xi32, #tpu.memory_space<hbm>>) target(%arg8 : memref<80x128xi32, #tpu.memory_space<vmem>>) target_semaphore(%run_scoped3A_113 : memref<!tpu.dma_semaphore, #tpu.memory_space<semaphore_mem>>)
      %dma_wait3A = arith.constant 0 : i32
      %dma_wait3A_122 = arith.constant 0 : i32
      %dma_wait3A_123 = tpu.memref_slice %arg4[%add3A, %dma_wait3A, %dma_wait3A_122] : memref<32x80x128xi32, #tpu.memory_space<hbm>> -> memref<1x80x128xi32, #tpu.memory_space<hbm>>
      %dma_wait3A_124 = tpu.memref_squeeze %dma_wait3A_123 : memref<1x80x128xi32, #tpu.memory_space<hbm>> -> memref<80x128xi32, #tpu.memory_space<hbm>>
      %dma_wait3A_125 = arith.constant 0 : i32
      %dma_wait3A_126 = arith.constant 0 : i32
      %dma_wait3A_127 = tpu.memref_slice %arg4[%add3A, %dma_wait3A_125, %dma_wait3A_126] : memref<32x80x128xi32, #tpu.memory_space<hbm>> -> memref<1x80x128xi32, #tpu.memory_space<hbm>>
      %dma_wait3A_128 = tpu.memref_squeeze %dma_wait3A_127 : memref<1x80x128xi32, #tpu.memory_space<hbm>> -> memref<80x128xi32, #tpu.memory_space<hbm>>
      tpu.wait_dma2 semaphore(%run_scoped3A_113 : memref<!tpu.dma_semaphore, #tpu.memory_space<semaphore_mem>>) src(%dma_wait3A_128 : memref<80x128xi32, #tpu.memory_space<hbm>>) dst(%arg8 : memref<80x128xi32, #tpu.memory_space<vmem>>)
      tpu.yield
    }) : () -> ()
    "tpu.region"() ({
      %run_scoped3A_113 = tpu.sem_alloc : memref<!tpu.dma_semaphore, #tpu.memory_space<semaphore_mem>>
      %dma_start3A_114 = arith.constant 0 : i32
      %dma_start3A_115 = arith.constant 0 : i32
      %dma_start3A_116 = tpu.memref_slice %arg5[%add3A, %dma_start3A_114, %dma_start3A_115] : memref<32x80x128xi32, #tpu.memory_space<hbm>> -> memref<1x80x128xi32, #tpu.memory_space<hbm>>
      %dma_start3A_117 = tpu.memref_squeeze %dma_start3A_116 : memref<1x80x128xi32, #tpu.memory_space<hbm>> -> memref<80x128xi32, #tpu.memory_space<hbm>>
      %dma_start3A_118 = arith.constant 0 : i32
      %dma_start3A_119 = arith.constant 0 : i32
      %dma_start3A_120 = tpu.memref_slice %arg5[%add3A, %dma_start3A_118, %dma_start3A_119] : memref<32x80x128xi32, #tpu.memory_space<hbm>> -> memref<1x80x128xi32, #tpu.memory_space<hbm>>
      %dma_start3A_121 = tpu.memref_squeeze %dma_start3A_120 : memref<1x80x128xi32, #tpu.memory_space<hbm>> -> memref<80x128xi32, #tpu.memory_space<hbm>>
      tpu.enqueue_dma source(%dma_start3A_121 : memref<80x128xi32, #tpu.memory_space<hbm>>) target(%arg9 : memref<80x128xi32, #tpu.memory_space<vmem>>) target_semaphore(%run_scoped3A_113 : memref<!tpu.dma_semaphore, #tpu.memory_space<semaphore_mem>>)
      %dma_wait3A = arith.constant 0 : i32
      %dma_wait3A_122 = arith.constant 0 : i32
      %dma_wait3A_123 = tpu.memref_slice %arg5[%add3A, %dma_wait3A, %dma_wait3A_122] : memref<32x80x128xi32, #tpu.memory_space<hbm>> -> memref<1x80x128xi32, #tpu.memory_space<hbm>>
      %dma_wait3A_124 = tpu.memref_squeeze %dma_wait3A_123 : memref<1x80x128xi32, #tpu.memory_space<hbm>> -> memref<80x128xi32, #tpu.memory_space<hbm>>
      %dma_wait3A_125 = arith.constant 0 : i32
      %dma_wait3A_126 = arith.constant 0 : i32
      %dma_wait3A_127 = tpu.memref_slice %arg5[%add3A, %dma_wait3A_125, %dma_wait3A_126] : memref<32x80x128xi32, #tpu.memory_space<hbm>> -> memref<1x80x128xi32, #tpu.memory_space<hbm>>
      %dma_wait3A_128 = tpu.memref_squeeze %dma_wait3A_127 : memref<1x80x128xi32, #tpu.memory_space<hbm>> -> memref<80x128xi32, #tpu.memory_space<hbm>>
      tpu.wait_dma2 semaphore(%run_scoped3A_113 : memref<!tpu.dma_semaphore, #tpu.memory_space<semaphore_mem>>) src(%dma_wait3A_128 : memref<80x128xi32, #tpu.memory_space<hbm>>) dst(%arg9 : memref<80x128xi32, #tpu.memory_space<vmem>>)
      tpu.yield
    }) : () -> ()
    "tpu.region"() ({
      %run_scoped3A_113 = tpu.sem_alloc : memref<!tpu.dma_semaphore, #tpu.memory_space<semaphore_mem>>
      %dma_start3A_114 = arith.constant 0 : i32
      %dma_start3A_115 = tpu.memref_slice %arg14[%mul3A_2, %dma_start3A_114] : memref<10240x64xf32, #tpu.memory_space<vmem_shared>> -> memref<640x64xf32, #tpu.memory_space<vmem_shared>>
      tpu.enqueue_dma source(%arg6 : memref<640x64xf32, #tpu.memory_space<hbm>>) target(%dma_start3A_115 : memref<640x64xf32, #tpu.memory_space<vmem_shared>>) target_semaphore(%run_scoped3A_113 : memref<!tpu.dma_semaphore, #tpu.memory_space<semaphore_mem>>)
      %dma_wait3A = arith.constant 0 : i32
      %dma_wait3A_116 = tpu.memref_slice %arg14[%mul3A_2, %dma_wait3A] : memref<10240x64xf32, #tpu.memory_space<vmem_shared>> -> memref<640x64xf32, #tpu.memory_space<vmem_shared>>
      tpu.wait_dma2 semaphore(%run_scoped3A_113 : memref<!tpu.dma_semaphore, #tpu.memory_space<semaphore_mem>>) src(%arg6 : memref<640x64xf32, #tpu.memory_space<hbm>>) dst(%dma_wait3A_116 : memref<640x64xf32, #tpu.memory_space<vmem_shared>>)
      tpu.yield
    }) : () -> ()
    %barrier3A = arith.constant 0 : index
    tpu.barrier barrier_id(%barrier3A)
    %dma_start3A = arith.constant 0 : i32
    %dma_start3A_3 = arith.constant 0 : i32
    %dma_start3A_4 = arith.constant 0 : i32
    %dma_start3A_5 = arith.constant 0 : i32
    %dma_start3A_6 = tpu.memref_slice %arg12[%dma_start3A_3, %dma_start3A_4, %dma_start3A_5] : memref<4x128x32xf32, #tpu.memory_space<vmem>> -> memref<1x128x32xf32, #tpu.memory_space<vmem>>
    %dma_start3A_7 = tpu.memref_squeeze %dma_start3A_6 : memref<1x128x32xf32, #tpu.memory_space<vmem>> -> memref<128x32xf32, #tpu.memory_space<vmem>>
    %dma_start3A_8 = arith.constant 0 : i32
    %dma_start3A_9 = tpu.memref_slice %arg8[%dma_start3A, %dma_start3A_8] : memref<80x128xi32, #tpu.memory_space<vmem>> -> memref<1x128xi32, #tpu.memory_space<vmem>>
    %dma_start3A_10 = tpu.memref_squeeze %dma_start3A_9 : memref<1x128xi32, #tpu.memory_space<vmem>> -> memref<128xi32, #tpu.memory_space<vmem>>
    %dma_start3A_11 = arith.constant 0 : i32
    %dma_start3A_12 = arith.constant 0 : i32
    %dma_start3A_13 = tpu.memref_slice %arg2[%dma_start3A_11, %dma_start3A_12] : memref<10240x32xf32, #tpu.memory_space<hbm>> -> memref<10240x32xf32, #tpu.memory_space<hbm>>
    tpu.enqueue_indirect_dma source(%dma_start3A_13 : memref<10240x32xf32, #tpu.memory_space<hbm>>) target(%dma_start3A_7 : memref<128x32xf32, #tpu.memory_space<vmem>>) offsets(%dma_start3A_10 : memref<128xi32, #tpu.memory_space<vmem>>) semaphore(%arg15 : memref<!tpu.dma_semaphore, #tpu.memory_space<semaphore_mem>>)
    %dma_start3A_14 = arith.constant 1 : i32
    %dma_start3A_15 = arith.constant 1 : i32
    %dma_start3A_16 = arith.constant 0 : i32
    %dma_start3A_17 = arith.constant 0 : i32
    %dma_start3A_18 = tpu.memref_slice %arg12[%dma_start3A_15, %dma_start3A_16, %dma_start3A_17] : memref<4x128x32xf32, #tpu.memory_space<vmem>> -> memref<1x128x32xf32, #tpu.memory_space<vmem>>
    %dma_start3A_19 = tpu.memref_squeeze %dma_start3A_18 : memref<1x128x32xf32, #tpu.memory_space<vmem>> -> memref<128x32xf32, #tpu.memory_space<vmem>>
    %dma_start3A_20 = arith.constant 0 : i32
    %dma_start3A_21 = tpu.memref_slice %arg8[%dma_start3A_14, %dma_start3A_20] : memref<80x128xi32, #tpu.memory_space<vmem>> -> memref<1x128xi32, #tpu.memory_space<vmem>>
    %dma_start3A_22 = tpu.memref_squeeze %dma_start3A_21 : memref<1x128xi32, #tpu.memory_space<vmem>> -> memref<128xi32, #tpu.memory_space<vmem>>
    %dma_start3A_23 = arith.constant 0 : i32
    %dma_start3A_24 = arith.constant 0 : i32
    %dma_start3A_25 = tpu.memref_slice %arg2[%dma_start3A_23, %dma_start3A_24] : memref<10240x32xf32, #tpu.memory_space<hbm>> -> memref<10240x32xf32, #tpu.memory_space<hbm>>
    tpu.enqueue_indirect_dma source(%dma_start3A_25 : memref<10240x32xf32, #tpu.memory_space<hbm>>) target(%dma_start3A_19 : memref<128x32xf32, #tpu.memory_space<vmem>>) offsets(%dma_start3A_22 : memref<128xi32, #tpu.memory_space<vmem>>) semaphore(%arg15 : memref<!tpu.dma_semaphore, #tpu.memory_space<semaphore_mem>>)
    %dma_start3A_26 = arith.constant 2 : i32
    %dma_start3A_27 = arith.constant 2 : i32
    %dma_start3A_28 = arith.constant 0 : i32
    %dma_start3A_29 = arith.constant 0 : i32
    %dma_start3A_30 = tpu.memref_slice %arg12[%dma_start3A_27, %dma_start3A_28, %dma_start3A_29] : memref<4x128x32xf32, #tpu.memory_space<vmem>> -> memref<1x128x32xf32, #tpu.memory_space<vmem>>
    %dma_start3A_31 = tpu.memref_squeeze %dma_start3A_30 : memref<1x128x32xf32, #tpu.memory_space<vmem>> -> memref<128x32xf32, #tpu.memory_space<vmem>>
    %dma_start3A_32 = arith.constant 0 : i32
    %dma_start3A_33 = tpu.memref_slice %arg8[%dma_start3A_26, %dma_start3A_32] : memref<80x128xi32, #tpu.memory_space<vmem>> -> memref<1x128xi32, #tpu.memory_space<vmem>>
    %dma_start3A_34 = tpu.memref_squeeze %dma_start3A_33 : memref<1x128xi32, #tpu.memory_space<vmem>> -> memref<128xi32, #tpu.memory_space<vmem>>
    %dma_start3A_35 = arith.constant 0 : i32
    %dma_start3A_36 = arith.constant 0 : i32
    %dma_start3A_37 = tpu.memref_slice %arg2[%dma_start3A_35, %dma_start3A_36] : memref<10240x32xf32, #tpu.memory_space<hbm>> -> memref<10240x32xf32, #tpu.memory_space<hbm>>
    tpu.enqueue_indirect_dma source(%dma_start3A_37 : memref<10240x32xf32, #tpu.memory_space<hbm>>) target(%dma_start3A_31 : memref<128x32xf32, #tpu.memory_space<vmem>>) offsets(%dma_start3A_34 : memref<128xi32, #tpu.memory_space<vmem>>) semaphore(%arg15 : memref<!tpu.dma_semaphore, #tpu.memory_space<semaphore_mem>>)
    %dma_start3A_38 = arith.constant 3 : i32
    %dma_start3A_39 = arith.constant 3 : i32
    %dma_start3A_40 = arith.constant 0 : i32
    %dma_start3A_41 = arith.constant 0 : i32
    %dma_start3A_42 = tpu.memref_slice %arg12[%dma_start3A_39, %dma_start3A_40, %dma_start3A_41] : memref<4x128x32xf32, #tpu.memory_space<vmem>> -> memref<1x128x32xf32, #tpu.memory_space<vmem>>
    %dma_start3A_43 = tpu.memref_squeeze %dma_start3A_42 : memref<1x128x32xf32, #tpu.memory_space<vmem>> -> memref<128x32xf32, #tpu.memory_space<vmem>>
    %dma_start3A_44 = arith.constant 0 : i32
    %dma_start3A_45 = tpu.memref_slice %arg8[%dma_start3A_38, %dma_start3A_44] : memref<80x128xi32, #tpu.memory_space<vmem>> -> memref<1x128xi32, #tpu.memory_space<vmem>>
    %dma_start3A_46 = tpu.memref_squeeze %dma_start3A_45 : memref<1x128xi32, #tpu.memory_space<vmem>> -> memref<128xi32, #tpu.memory_space<vmem>>
    %dma_start3A_47 = arith.constant 0 : i32
    %dma_start3A_48 = arith.constant 0 : i32
    %dma_start3A_49 = tpu.memref_slice %arg2[%dma_start3A_47, %dma_start3A_48] : memref<10240x32xf32, #tpu.memory_space<hbm>> -> memref<10240x32xf32, #tpu.memory_space<hbm>>
    tpu.enqueue_indirect_dma source(%dma_start3A_49 : memref<10240x32xf32, #tpu.memory_space<hbm>>) target(%dma_start3A_43 : memref<128x32xf32, #tpu.memory_space<vmem>>) offsets(%dma_start3A_46 : memref<128xi32, #tpu.memory_space<vmem>>) semaphore(%arg15 : memref<!tpu.dma_semaphore, #tpu.memory_space<semaphore_mem>>)
    %scan3A = arith.constant 0 : i32
    %scan3A_50 = arith.constant 0 : i32
    %scan3A_51 = arith.constant 10 : i32
    %scan3A_52 = arith.addi %scan3A_50, %scan3A_51 : i32
    %scan3A_53 = arith.constant 1 : i32
    scf.for %scan3A_113 = %scan3A_50 to %scan3A_52 step %scan3A_53  : i32 {
      %mul3A_114 = arith.constant 2 : i32
      %mul3A_115 = arith.muli %scan3A_113, %mul3A_114 : i32
      %add3A_116 = arith.constant 0 : i32
      %add3A_117 = arith.addi %mul3A_115, %add3A_116 : i32
      %add3A_118 = arith.constant 1 : i32
      %add3A_119 = arith.addi %add3A_117, %add3A_118 : i32
      %lt3A = arith.constant 20 : i32
      %lt3A_120 = arith.cmpi slt, %add3A_119, %lt3A : i32
      %convert_element_type3A = arith.extui %lt3A_120 : i1 to i32
      %cond3A = arith.constant 0 : i32
      %cond3A_121 = arith.cmpi ne, %convert_element_type3A, %cond3A : i32
      scf.if %cond3A_121 {
        %ge3A = arith.constant 1 : i32
        %ge3A_252 = arith.cmpi sge, %add3A_117, %ge3A : i32
        %convert_element_type3A_253 = arith.extui %ge3A_252 : i1 to i32
        %cond3A_254 = arith.constant 0 : i32
        %cond3A_255 = arith.cmpi ne, %convert_element_type3A_253, %cond3A_254 : i32
        scf.if %cond3A_255 {
          %sub3A = arith.constant 1 : i32
          %sub3A_318 = arith.subi %add3A_117, %sub3A : i32
        } else {
        }
        %add3A_256 = arith.constant 1 : i32
        %add3A_257 = arith.addi %add3A_117, %add3A_256 : i32
        %mul3A_258 = arith.constant 4 : i32
        %mul3A_259 = arith.muli %add3A_257, %mul3A_258 : i32
        %add3A_260 = arith.constant 0 : i32
        %add3A_261 = arith.addi %mul3A_259, %add3A_260 : i32
        %dma_start3A_262 = arith.constant 0 : i32
        %dma_start3A_263 = arith.constant 0 : i32
        %dma_start3A_264 = arith.constant 0 : i32
        %dma_start3A_265 = tpu.memref_slice %arg13[%dma_start3A_262, %dma_start3A_263, %dma_start3A_264] : memref<4x128x32xf32, #tpu.memory_space<vmem>> -> memref<1x128x32xf32, #tpu.memory_space<vmem>>
        %dma_start3A_266 = tpu.memref_squeeze %dma_start3A_265 : memref<1x128x32xf32, #tpu.memory_space<vmem>> -> memref<128x32xf32, #tpu.memory_space<vmem>>
        %dma_start3A_267 = arith.constant 0 : i32
        %dma_start3A_268 = tpu.memref_slice %arg8[%add3A_261, %dma_start3A_267] : memref<80x128xi32, #tpu.memory_space<vmem>> -> memref<1x128xi32, #tpu.memory_space<vmem>>
        %dma_start3A_269 = tpu.memref_squeeze %dma_start3A_268 : memref<1x128xi32, #tpu.memory_space<vmem>> -> memref<128xi32, #tpu.memory_space<vmem>>
        %dma_start3A_270 = arith.constant 0 : i32
        %dma_start3A_271 = arith.constant 0 : i32
        %dma_start3A_272 = tpu.memref_slice %arg2[%dma_start3A_270, %dma_start3A_271] : memref<10240x32xf32, #tpu.memory_space<hbm>> -> memref<10240x32xf32, #tpu.memory_space<hbm>>
        tpu.enqueue_indirect_dma source(%dma_start3A_272 : memref<10240x32xf32, #tpu.memory_space<hbm>>) target(%dma_start3A_266 : memref<128x32xf32, #tpu.memory_space<vmem>>) offsets(%dma_start3A_269 : memref<128xi32, #tpu.memory_space<vmem>>) semaphore(%arg16 : memref<!tpu.dma_semaphore, #tpu.memory_space<semaphore_mem>>)
        %mul3A_273 = arith.constant 4 : i32
        %mul3A_274 = arith.muli %add3A_257, %mul3A_273 : i32
        %add3A_275 = arith.constant 1 : i32
        %add3A_276 = arith.addi %mul3A_274, %add3A_275 : i32
        %dma_start3A_277 = arith.constant 1 : i32
        %dma_start3A_278 = arith.constant 0 : i32
        %dma_start3A_279 = arith.constant 0 : i32
        %dma_start3A_280 = tpu.memref_slice %arg13[%dma_start3A_277, %dma_start3A_278, %dma_start3A_279] : memref<4x128x32xf32, #tpu.memory_space<vmem>> -> memref<1x128x32xf32, #tpu.memory_space<vmem>>
        %dma_start3A_281 = tpu.memref_squeeze %dma_start3A_280 : memref<1x128x32xf32, #tpu.memory_space<vmem>> -> memref<128x32xf32, #tpu.memory_space<vmem>>
        %dma_start3A_282 = arith.constant 0 : i32
        %dma_start3A_283 = tpu.memref_slice %arg8[%add3A_276, %dma_start3A_282] : memref<80x128xi32, #tpu.memory_space<vmem>> -> memref<1x128xi32, #tpu.memory_space<vmem>>
        %dma_start3A_284 = tpu.memref_squeeze %dma_start3A_283 : memref<1x128xi32, #tpu.memory_space<vmem>> -> memref<128xi32, #tpu.memory_space<vmem>>
        %dma_start3A_285 = arith.constant 0 : i32
        %dma_start3A_286 = arith.constant 0 : i32
        %dma_start3A_287 = tpu.memref_slice %arg2[%dma_start3A_285, %dma_start3A_286] : memref<10240x32xf32, #tpu.memory_space<hbm>> -> memref<10240x32xf32, #tpu.memory_space<hbm>>
        tpu.enqueue_indirect_dma source(%dma_start3A_287 : memref<10240x32xf32, #tpu.memory_space<hbm>>) target(%dma_start3A_281 : memref<128x32xf32, #tpu.memory_space<vmem>>) offsets(%dma_start3A_284 : memref<128xi32, #tpu.memory_space<vmem>>) semaphore(%arg16 : memref<!tpu.dma_semaphore, #tpu.memory_space<semaphore_mem>>)
        %mul3A_288 = arith.constant 4 : i32
        %mul3A_289 = arith.muli %add3A_257, %mul3A_288 : i32
        %add3A_290 = arith.constant 2 : i32
        %add3A_291 = arith.addi %mul3A_289, %add3A_290 : i32
        %dma_start3A_292 = arith.constant 2 : i32
        %dma_start3A_293 = arith.constant 0 : i32
        %dma_start3A_294 = arith.constant 0 : i32
        %dma_start3A_295 = tpu.memref_slice %arg13[%dma_start3A_292, %dma_start3A_293, %dma_start3A_294] : memref<4x128x32xf32, #tpu.memory_space<vmem>> -> memref<1x128x32xf32, #tpu.memory_space<vmem>>
        %dma_start3A_296 = tpu.memref_squeeze %dma_start3A_295 : memref<1x128x32xf32, #tpu.memory_space<vmem>> -> memref<128x32xf32, #tpu.memory_space<vmem>>
        %dma_start3A_297 = arith.constant 0 : i32
        %dma_start3A_298 = tpu.memref_slice %arg8[%add3A_291, %dma_start3A_297] : memref<80x128xi32, #tpu.memory_space<vmem>> -> memref<1x128xi32, #tpu.memory_space<vmem>>
        %dma_start3A_299 = tpu.memref_squeeze %dma_start3A_298 : memref<1x128xi32, #tpu.memory_space<vmem>> -> memref<128xi32, #tpu.memory_space<vmem>>
        %dma_start3A_300 = arith.constant 0 : i32
        %dma_start3A_301 = arith.constant 0 : i32
        %dma_start3A_302 = tpu.memref_slice %arg2[%dma_start3A_300, %dma_start3A_301] : memref<10240x32xf32, #tpu.memory_space<hbm>> -> memref<10240x32xf32, #tpu.memory_space<hbm>>
        tpu.enqueue_indirect_dma source(%dma_start3A_302 : memref<10240x32xf32, #tpu.memory_space<hbm>>) target(%dma_start3A_296 : memref<128x32xf32, #tpu.memory_space<vmem>>) offsets(%dma_start3A_299 : memref<128xi32, #tpu.memory_space<vmem>>) semaphore(%arg16 : memref<!tpu.dma_semaphore, #tpu.memory_space<semaphore_mem>>)
        %mul3A_303 = arith.constant 4 : i32
        %mul3A_304 = arith.muli %add3A_257, %mul3A_303 : i32
        %add3A_305 = arith.constant 3 : i32
        %add3A_306 = arith.addi %mul3A_304, %add3A_305 : i32
        %dma_start3A_307 = arith.constant 3 : i32
        %dma_start3A_308 = arith.constant 0 : i32
        %dma_start3A_309 = arith.constant 0 : i32
        %dma_start3A_310 = tpu.memref_slice %arg13[%dma_start3A_307, %dma_start3A_308, %dma_start3A_309] : memref<4x128x32xf32, #tpu.memory_space<vmem>> -> memref<1x128x32xf32, #tpu.memory_space<vmem>>
        %dma_start3A_311 = tpu.memref_squeeze %dma_start3A_310 : memref<1x128x32xf32, #tpu.memory_space<vmem>> -> memref<128x32xf32, #tpu.memory_space<vmem>>
        %dma_start3A_312 = arith.constant 0 : i32
        %dma_start3A_313 = tpu.memref_slice %arg8[%add3A_306, %dma_start3A_312] : memref<80x128xi32, #tpu.memory_space<vmem>> -> memref<1x128xi32, #tpu.memory_space<vmem>>
        %dma_start3A_314 = tpu.memref_squeeze %dma_start3A_313 : memref<1x128xi32, #tpu.memory_space<vmem>> -> memref<128xi32, #tpu.memory_space<vmem>>
        %dma_start3A_315 = arith.constant 0 : i32
        %dma_start3A_316 = arith.constant 0 : i32
        %dma_start3A_317 = tpu.memref_slice %arg2[%dma_start3A_315, %dma_start3A_316] : memref<10240x32xf32, #tpu.memory_space<hbm>> -> memref<10240x32xf32, #tpu.memory_space<hbm>>
        tpu.enqueue_indirect_dma source(%dma_start3A_317 : memref<10240x32xf32, #tpu.memory_space<hbm>>) target(%dma_start3A_311 : memref<128x32xf32, #tpu.memory_space<vmem>>) offsets(%dma_start3A_314 : memref<128xi32, #tpu.memory_space<vmem>>) semaphore(%arg16 : memref<!tpu.dma_semaphore, #tpu.memory_space<semaphore_mem>>)
      } else {
      }
      %mul3A_122 = arith.constant 4 : i32
      %mul3A_123 = arith.muli %add3A_117, %mul3A_122 : i32
      %add3A_124 = arith.constant 0 : i32
      %add3A_125 = arith.addi %mul3A_123, %add3A_124 : i32
      %dma_wait3A = arith.constant 0 : i32
      %dma_wait3A_126 = arith.constant 0 : i32
      %dma_wait3A_127 = arith.constant 0 : i32
      %dma_wait3A_128 = tpu.memref_slice %arg12[%dma_wait3A, %dma_wait3A_126, %dma_wait3A_127] : memref<4x128x32xf32, #tpu.memory_space<vmem>> -> memref<1x128x32xf32, #tpu.memory_space<vmem>>
      %dma_wait3A_129 = tpu.memref_squeeze %dma_wait3A_128 : memref<1x128x32xf32, #tpu.memory_space<vmem>> -> memref<128x32xf32, #tpu.memory_space<vmem>>
      %dma_wait3A_130 = arith.constant 0 : i32
      %dma_wait3A_131 = tpu.memref_slice %arg8[%add3A_125, %dma_wait3A_130] : memref<80x128xi32, #tpu.memory_space<vmem>> -> memref<1x128xi32, #tpu.memory_space<vmem>>
      %dma_wait3A_132 = tpu.memref_squeeze %dma_wait3A_131 : memref<1x128xi32, #tpu.memory_space<vmem>> -> memref<128xi32, #tpu.memory_space<vmem>>
      %dma_wait3A_133 = arith.constant 0 : i32
      %dma_wait3A_134 = arith.constant 0 : i32
      %dma_wait3A_135 = tpu.memref_slice %arg2[%dma_wait3A_133, %dma_wait3A_134] : memref<10240x32xf32, #tpu.memory_space<hbm>> -> memref<10240x32xf32, #tpu.memory_space<hbm>>
      tpu.wait_indirect_dma semaphore(%arg15 : memref<!tpu.dma_semaphore, #tpu.memory_space<semaphore_mem>>) src(%dma_wait3A_135 : memref<10240x32xf32, #tpu.memory_space<hbm>>) dst(%dma_wait3A_129 : memref<128x32xf32, #tpu.memory_space<vmem>>)
      %mul3A_136 = arith.constant 4 : i32
      %mul3A_137 = arith.muli %add3A_117, %mul3A_136 : i32
      %add3A_138 = arith.constant 1 : i32
      %add3A_139 = arith.addi %mul3A_137, %add3A_138 : i32
      %dma_wait3A_140 = arith.constant 1 : i32
      %dma_wait3A_141 = arith.constant 0 : i32
      %dma_wait3A_142 = arith.constant 0 : i32
      %dma_wait3A_143 = tpu.memref_slice %arg12[%dma_wait3A_140, %dma_wait3A_141, %dma_wait3A_142] : memref<4x128x32xf32, #tpu.memory_space<vmem>> -> memref<1x128x32xf32, #tpu.memory_space<vmem>>
      %dma_wait3A_144 = tpu.memref_squeeze %dma_wait3A_143 : memref<1x128x32xf32, #tpu.memory_space<vmem>> -> memref<128x32xf32, #tpu.memory_space<vmem>>
      %dma_wait3A_145 = arith.constant 0 : i32
      %dma_wait3A_146 = tpu.memref_slice %arg8[%add3A_139, %dma_wait3A_145] : memref<80x128xi32, #tpu.memory_space<vmem>> -> memref<1x128xi32, #tpu.memory_space<vmem>>
      %dma_wait3A_147 = tpu.memref_squeeze %dma_wait3A_146 : memref<1x128xi32, #tpu.memory_space<vmem>> -> memref<128xi32, #tpu.memory_space<vmem>>
      %dma_wait3A_148 = arith.constant 0 : i32
      %dma_wait3A_149 = arith.constant 0 : i32
      %dma_wait3A_150 = tpu.memref_slice %arg2[%dma_wait3A_148, %dma_wait3A_149] : memref<10240x32xf32, #tpu.memory_space<hbm>> -> memref<10240x32xf32, #tpu.memory_space<hbm>>
      tpu.wait_indirect_dma semaphore(%arg15 : memref<!tpu.dma_semaphore, #tpu.memory_space<semaphore_mem>>) src(%dma_wait3A_150 : memref<10240x32xf32, #tpu.memory_space<hbm>>) dst(%dma_wait3A_144 : memref<128x32xf32, #tpu.memory_space<vmem>>)
      %mul3A_151 = arith.constant 4 : i32
      %mul3A_152 = arith.muli %add3A_117, %mul3A_151 : i32
      %add3A_153 = arith.constant 2 : i32
      %add3A_154 = arith.addi %mul3A_152, %add3A_153 : i32
      %dma_wait3A_155 = arith.constant 2 : i32
      %dma_wait3A_156 = arith.constant 0 : i32
      %dma_wait3A_157 = arith.constant 0 : i32
      %dma_wait3A_158 = tpu.memref_slice %arg12[%dma_wait3A_155, %dma_wait3A_156, %dma_wait3A_157] : memref<4x128x32xf32, #tpu.memory_space<vmem>> -> memref<1x128x32xf32, #tpu.memory_space<vmem>>
      %dma_wait3A_159 = tpu.memref_squeeze %dma_wait3A_158 : memref<1x128x32xf32, #tpu.memory_space<vmem>> -> memref<128x32xf32, #tpu.memory_space<vmem>>
      %dma_wait3A_160 = arith.constant 0 : i32
      %dma_wait3A_161 = tpu.memref_slice %arg8[%add3A_154, %dma_wait3A_160] : memref<80x128xi32, #tpu.memory_space<vmem>> -> memref<1x128xi32, #tpu.memory_space<vmem>>
      %dma_wait3A_162 = tpu.memref_squeeze %dma_wait3A_161 : memref<1x128xi32, #tpu.memory_space<vmem>> -> memref<128xi32, #tpu.memory_space<vmem>>
      %dma_wait3A_163 = arith.constant 0 : i32
      %dma_wait3A_164 = arith.constant 0 : i32
      %dma_wait3A_165 = tpu.memref_slice %arg2[%dma_wait3A_163, %dma_wait3A_164] : memref<10240x32xf32, #tpu.memory_space<hbm>> -> memref<10240x32xf32, #tpu.memory_space<hbm>>
      tpu.wait_indirect_dma semaphore(%arg15 : memref<!tpu.dma_semaphore, #tpu.memory_space<semaphore_mem>>) src(%dma_wait3A_165 : memref<10240x32xf32, #tpu.memory_space<hbm>>) dst(%dma_wait3A_159 : memref<128x32xf32, #tpu.memory_space<vmem>>)
      %mul3A_166 = arith.constant 4 : i32
      %mul3A_167 = arith.muli %add3A_117, %mul3A_166 : i32
      %add3A_168 = arith.constant 3 : i32
      %add3A_169 = arith.addi %mul3A_167, %add3A_168 : i32
      %dma_wait3A_170 = arith.constant 3 : i32
      %dma_wait3A_171 = arith.constant 0 : i32
      %dma_wait3A_172 = arith.constant 0 : i32
      %dma_wait3A_173 = tpu.memref_slice %arg12[%dma_wait3A_170, %dma_wait3A_171, %dma_wait3A_172] : memref<4x128x32xf32, #tpu.memory_space<vmem>> -> memref<1x128x32xf32, #tpu.memory_space<vmem>>
      %dma_wait3A_174 = tpu.memref_squeeze %dma_wait3A_173 : memref<1x128x32xf32, #tpu.memory_space<vmem>> -> memref<128x32xf32, #tpu.memory_space<vmem>>
      %dma_wait3A_175 = arith.constant 0 : i32
      %dma_wait3A_176 = tpu.memref_slice %arg8[%add3A_169, %dma_wait3A_175] : memref<80x128xi32, #tpu.memory_space<vmem>> -> memref<1x128xi32, #tpu.memory_space<vmem>>
      %dma_wait3A_177 = tpu.memref_squeeze %dma_wait3A_176 : memref<1x128xi32, #tpu.memory_space<vmem>> -> memref<128xi32, #tpu.memory_space<vmem>>
      %dma_wait3A_178 = arith.constant 0 : i32
      %dma_wait3A_179 = arith.constant 0 : i32
      %dma_wait3A_180 = tpu.memref_slice %arg2[%dma_wait3A_178, %dma_wait3A_179] : memref<10240x32xf32, #tpu.memory_space<hbm>> -> memref<10240x32xf32, #tpu.memory_space<hbm>>
      tpu.wait_indirect_dma semaphore(%arg15 : memref<!tpu.dma_semaphore, #tpu.memory_space<semaphore_mem>>) src(%dma_wait3A_180 : memref<10240x32xf32, #tpu.memory_space<hbm>>) dst(%dma_wait3A_174 : memref<128x32xf32, #tpu.memory_space<vmem>>)
      %mul3A_181 = arith.constant 2 : i32
      %mul3A_182 = arith.muli %scan3A_113, %mul3A_181 : i32
      %add3A_183 = arith.constant 1 : i32
      %add3A_184 = arith.addi %mul3A_182, %add3A_183 : i32
      %add3A_185 = arith.constant 1 : i32
      %add3A_186 = arith.addi %add3A_184, %add3A_185 : i32
      %lt3A_187 = arith.constant 20 : i32
      %lt3A_188 = arith.cmpi slt, %add3A_186, %lt3A_187 : i32
      %convert_element_type3A_189 = arith.extui %lt3A_188 : i1 to i32
      %cond3A_190 = arith.constant 0 : i32
      %cond3A_191 = arith.cmpi ne, %convert_element_type3A_189, %cond3A_190 : i32
      scf.if %cond3A_191 {
        %ge3A = arith.constant 1 : i32
        %ge3A_252 = arith.cmpi sge, %add3A_184, %ge3A : i32
        %convert_element_type3A_253 = arith.extui %ge3A_252 : i1 to i32
        %cond3A_254 = arith.constant 0 : i32
        %cond3A_255 = arith.cmpi ne, %convert_element_type3A_253, %cond3A_254 : i32
        scf.if %cond3A_255 {
          %sub3A = arith.constant 1 : i32
          %sub3A_318 = arith.subi %add3A_184, %sub3A : i32
        } else {
        }
        %add3A_256 = arith.constant 1 : i32
        %add3A_257 = arith.addi %add3A_184, %add3A_256 : i32
        %mul3A_258 = arith.constant 4 : i32
        %mul3A_259 = arith.muli %add3A_257, %mul3A_258 : i32
        %add3A_260 = arith.constant 0 : i32
        %add3A_261 = arith.addi %mul3A_259, %add3A_260 : i32
        %dma_start3A_262 = arith.constant 0 : i32
        %dma_start3A_263 = arith.constant 0 : i32
        %dma_start3A_264 = arith.constant 0 : i32
        %dma_start3A_265 = tpu.memref_slice %arg12[%dma_start3A_262, %dma_start3A_263, %dma_start3A_264] : memref<4x128x32xf32, #tpu.memory_space<vmem>> -> memref<1x128x32xf32, #tpu.memory_space<vmem>>
        %dma_start3A_266 = tpu.memref_squeeze %dma_start3A_265 : memref<1x128x32xf32, #tpu.memory_space<vmem>> -> memref<128x32xf32, #tpu.memory_space<vmem>>
        %dma_start3A_267 = arith.constant 0 : i32
        %dma_start3A_268 = tpu.memref_slice %arg8[%add3A_261, %dma_start3A_267] : memref<80x128xi32, #tpu.memory_space<vmem>> -> memref<1x128xi32, #tpu.memory_space<vmem>>
        %dma_start3A_269 = tpu.memref_squeeze %dma_start3A_268 : memref<1x128xi32, #tpu.memory_space<vmem>> -> memref<128xi32, #tpu.memory_space<vmem>>
        %dma_start3A_270 = arith.constant 0 : i32
        %dma_start3A_271 = arith.constant 0 : i32
        %dma_start3A_272 = tpu.memref_slice %arg2[%dma_start3A_270, %dma_start3A_271] : memref<10240x32xf32, #tpu.memory_space<hbm>> -> memref<10240x32xf32, #tpu.memory_space<hbm>>
        tpu.enqueue_indirect_dma source(%dma_start3A_272 : memref<10240x32xf32, #tpu.memory_space<hbm>>) target(%dma_start3A_266 : memref<128x32xf32, #tpu.memory_space<vmem>>) offsets(%dma_start3A_269 : memref<128xi32, #tpu.memory_space<vmem>>) semaphore(%arg15 : memref<!tpu.dma_semaphore, #tpu.memory_space<semaphore_mem>>)
        %mul3A_273 = arith.constant 4 : i32
        %mul3A_274 = arith.muli %add3A_257, %mul3A_273 : i32
        %add3A_275 = arith.constant 1 : i32
        %add3A_276 = arith.addi %mul3A_274, %add3A_275 : i32
        %dma_start3A_277 = arith.constant 1 : i32
        %dma_start3A_278 = arith.constant 0 : i32
        %dma_start3A_279 = arith.constant 0 : i32
        %dma_start3A_280 = tpu.memref_slice %arg12[%dma_start3A_277, %dma_start3A_278, %dma_start3A_279] : memref<4x128x32xf32, #tpu.memory_space<vmem>> -> memref<1x128x32xf32, #tpu.memory_space<vmem>>
        %dma_start3A_281 = tpu.memref_squeeze %dma_start3A_280 : memref<1x128x32xf32, #tpu.memory_space<vmem>> -> memref<128x32xf32, #tpu.memory_space<vmem>>
        %dma_start3A_282 = arith.constant 0 : i32
        %dma_start3A_283 = tpu.memref_slice %arg8[%add3A_276, %dma_start3A_282] : memref<80x128xi32, #tpu.memory_space<vmem>> -> memref<1x128xi32, #tpu.memory_space<vmem>>
        %dma_start3A_284 = tpu.memref_squeeze %dma_start3A_283 : memref<1x128xi32, #tpu.memory_space<vmem>> -> memref<128xi32, #tpu.memory_space<vmem>>
        %dma_start3A_285 = arith.constant 0 : i32
        %dma_start3A_286 = arith.constant 0 : i32
        %dma_start3A_287 = tpu.memref_slice %arg2[%dma_start3A_285, %dma_start3A_286] : memref<10240x32xf32, #tpu.memory_space<hbm>> -> memref<10240x32xf32, #tpu.memory_space<hbm>>
        tpu.enqueue_indirect_dma source(%dma_start3A_287 : memref<10240x32xf32, #tpu.memory_space<hbm>>) target(%dma_start3A_281 : memref<128x32xf32, #tpu.memory_space<vmem>>) offsets(%dma_start3A_284 : memref<128xi32, #tpu.memory_space<vmem>>) semaphore(%arg15 : memref<!tpu.dma_semaphore, #tpu.memory_space<semaphore_mem>>)
        %mul3A_288 = arith.constant 4 : i32
        %mul3A_289 = arith.muli %add3A_257, %mul3A_288 : i32
        %add3A_290 = arith.constant 2 : i32
        %add3A_291 = arith.addi %mul3A_289, %add3A_290 : i32
        %dma_start3A_292 = arith.constant 2 : i32
        %dma_start3A_293 = arith.constant 0 : i32
        %dma_start3A_294 = arith.constant 0 : i32
        %dma_start3A_295 = tpu.memref_slice %arg12[%dma_start3A_292, %dma_start3A_293, %dma_start3A_294] : memref<4x128x32xf32, #tpu.memory_space<vmem>> -> memref<1x128x32xf32, #tpu.memory_space<vmem>>
        %dma_start3A_296 = tpu.memref_squeeze %dma_start3A_295 : memref<1x128x32xf32, #tpu.memory_space<vmem>> -> memref<128x32xf32, #tpu.memory_space<vmem>>
        %dma_start3A_297 = arith.constant 0 : i32
        %dma_start3A_298 = tpu.memref_slice %arg8[%add3A_291, %dma_start3A_297] : memref<80x128xi32, #tpu.memory_space<vmem>> -> memref<1x128xi32, #tpu.memory_space<vmem>>
        %dma_start3A_299 = tpu.memref_squeeze %dma_start3A_298 : memref<1x128xi32, #tpu.memory_space<vmem>> -> memref<128xi32, #tpu.memory_space<vmem>>
        %dma_start3A_300 = arith.constant 0 : i32
        %dma_start3A_301 = arith.constant 0 : i32
        %dma_start3A_302 = tpu.memref_slice %arg2[%dma_start3A_300, %dma_start3A_301] : memref<10240x32xf32, #tpu.memory_space<hbm>> -> memref<10240x32xf32, #tpu.memory_space<hbm>>
        tpu.enqueue_indirect_dma source(%dma_start3A_302 : memref<10240x32xf32, #tpu.memory_space<hbm>>) target(%dma_start3A_296 : memref<128x32xf32, #tpu.memory_space<vmem>>) offsets(%dma_start3A_299 : memref<128xi32, #tpu.memory_space<vmem>>) semaphore(%arg15 : memref<!tpu.dma_semaphore, #tpu.memory_space<semaphore_mem>>)
        %mul3A_303 = arith.constant 4 : i32
        %mul3A_304 = arith.muli %add3A_257, %mul3A_303 : i32
        %add3A_305 = arith.constant 3 : i32
        %add3A_306 = arith.addi %mul3A_304, %add3A_305 : i32
        %dma_start3A_307 = arith.constant 3 : i32
        %dma_start3A_308 = arith.constant 0 : i32
        %dma_start3A_309 = arith.constant 0 : i32
        %dma_start3A_310 = tpu.memref_slice %arg12[%dma_start3A_307, %dma_start3A_308, %dma_start3A_309] : memref<4x128x32xf32, #tpu.memory_space<vmem>> -> memref<1x128x32xf32, #tpu.memory_space<vmem>>
        %dma_start3A_311 = tpu.memref_squeeze %dma_start3A_310 : memref<1x128x32xf32, #tpu.memory_space<vmem>> -> memref<128x32xf32, #tpu.memory_space<vmem>>
        %dma_start3A_312 = arith.constant 0 : i32
        %dma_start3A_313 = tpu.memref_slice %arg8[%add3A_306, %dma_start3A_312] : memref<80x128xi32, #tpu.memory_space<vmem>> -> memref<1x128xi32, #tpu.memory_space<vmem>>
        %dma_start3A_314 = tpu.memref_squeeze %dma_start3A_313 : memref<1x128xi32, #tpu.memory_space<vmem>> -> memref<128xi32, #tpu.memory_space<vmem>>
        %dma_start3A_315 = arith.constant 0 : i32
        %dma_start3A_316 = arith.constant 0 : i32
        %dma_start3A_317 = tpu.memref_slice %arg2[%dma_start3A_315, %dma_start3A_316] : memref<10240x32xf32, #tpu.memory_space<hbm>> -> memref<10240x32xf32, #tpu.memory_space<hbm>>
        tpu.enqueue_indirect_dma source(%dma_start3A_317 : memref<10240x32xf32, #tpu.memory_space<hbm>>) target(%dma_start3A_311 : memref<128x32xf32, #tpu.memory_space<vmem>>) offsets(%dma_start3A_314 : memref<128xi32, #tpu.memory_space<vmem>>) semaphore(%arg15 : memref<!tpu.dma_semaphore, #tpu.memory_space<semaphore_mem>>)
      } else {
      }
      %mul3A_192 = arith.constant 4 : i32
      %mul3A_193 = arith.muli %add3A_184, %mul3A_192 : i32
      %add3A_194 = arith.constant 0 : i32
      %add3A_195 = arith.addi %mul3A_193, %add3A_194 : i32
      %dma_wait3A_196 = arith.constant 0 : i32
      %dma_wait3A_197 = arith.constant 0 : i32
      %dma_wait3A_198 = arith.constant 0 : i32
      %dma_wait3A_199 = tpu.memref_slice %arg13[%dma_wait3A_196, %dma_wait3A_197, %dma_wait3A_198] : memref<4x128x32xf32, #tpu.memory_space<vmem>> -> memref<1x128x32xf32, #tpu.memory_space<vmem>>
      %dma_wait3A_200 = tpu.memref_squeeze %dma_wait3A_199 : memref<1x128x32xf32, #tpu.memory_space<vmem>> -> memref<128x32xf32, #tpu.memory_space<vmem>>
      %dma_wait3A_201 = arith.constant 0 : i32
      %dma_wait3A_202 = tpu.memref_slice %arg8[%add3A_195, %dma_wait3A_201] : memref<80x128xi32, #tpu.memory_space<vmem>> -> memref<1x128xi32, #tpu.memory_space<vmem>>
      %dma_wait3A_203 = tpu.memref_squeeze %dma_wait3A_202 : memref<1x128xi32, #tpu.memory_space<vmem>> -> memref<128xi32, #tpu.memory_space<vmem>>
      %dma_wait3A_204 = arith.constant 0 : i32
      %dma_wait3A_205 = arith.constant 0 : i32
      %dma_wait3A_206 = tpu.memref_slice %arg2[%dma_wait3A_204, %dma_wait3A_205] : memref<10240x32xf32, #tpu.memory_space<hbm>> -> memref<10240x32xf32, #tpu.memory_space<hbm>>
      tpu.wait_indirect_dma semaphore(%arg16 : memref<!tpu.dma_semaphore, #tpu.memory_space<semaphore_mem>>) src(%dma_wait3A_206 : memref<10240x32xf32, #tpu.memory_space<hbm>>) dst(%dma_wait3A_200 : memref<128x32xf32, #tpu.memory_space<vmem>>)
      %mul3A_207 = arith.constant 4 : i32
      %mul3A_208 = arith.muli %add3A_184, %mul3A_207 : i32
      %add3A_209 = arith.constant 1 : i32
      %add3A_210 = arith.addi %mul3A_208, %add3A_209 : i32
      %dma_wait3A_211 = arith.constant 1 : i32
      %dma_wait3A_212 = arith.constant 0 : i32
      %dma_wait3A_213 = arith.constant 0 : i32
      %dma_wait3A_214 = tpu.memref_slice %arg13[%dma_wait3A_211, %dma_wait3A_212, %dma_wait3A_213] : memref<4x128x32xf32, #tpu.memory_space<vmem>> -> memref<1x128x32xf32, #tpu.memory_space<vmem>>
      %dma_wait3A_215 = tpu.memref_squeeze %dma_wait3A_214 : memref<1x128x32xf32, #tpu.memory_space<vmem>> -> memref<128x32xf32, #tpu.memory_space<vmem>>
      %dma_wait3A_216 = arith.constant 0 : i32
      %dma_wait3A_217 = tpu.memref_slice %arg8[%add3A_210, %dma_wait3A_216] : memref<80x128xi32, #tpu.memory_space<vmem>> -> memref<1x128xi32, #tpu.memory_space<vmem>>
      %dma_wait3A_218 = tpu.memref_squeeze %dma_wait3A_217 : memref<1x128xi32, #tpu.memory_space<vmem>> -> memref<128xi32, #tpu.memory_space<vmem>>
      %dma_wait3A_219 = arith.constant 0 : i32
      %dma_wait3A_220 = arith.constant 0 : i32
      %dma_wait3A_221 = tpu.memref_slice %arg2[%dma_wait3A_219, %dma_wait3A_220] : memref<10240x32xf32, #tpu.memory_space<hbm>> -> memref<10240x32xf32, #tpu.memory_space<hbm>>
      tpu.wait_indirect_dma semaphore(%arg16 : memref<!tpu.dma_semaphore, #tpu.memory_space<semaphore_mem>>) src(%dma_wait3A_221 : memref<10240x32xf32, #tpu.memory_space<hbm>>) dst(%dma_wait3A_215 : memref<128x32xf32, #tpu.memory_space<vmem>>)
      %mul3A_222 = arith.constant 4 : i32
      %mul3A_223 = arith.muli %add3A_184, %mul3A_222 : i32
      %add3A_224 = arith.constant 2 : i32
      %add3A_225 = arith.addi %mul3A_223, %add3A_224 : i32
      %dma_wait3A_226 = arith.constant 2 : i32
      %dma_wait3A_227 = arith.constant 0 : i32
      %dma_wait3A_228 = arith.constant 0 : i32
      %dma_wait3A_229 = tpu.memref_slice %arg13[%dma_wait3A_226, %dma_wait3A_227, %dma_wait3A_228] : memref<4x128x32xf32, #tpu.memory_space<vmem>> -> memref<1x128x32xf32, #tpu.memory_space<vmem>>
      %dma_wait3A_230 = tpu.memref_squeeze %dma_wait3A_229 : memref<1x128x32xf32, #tpu.memory_space<vmem>> -> memref<128x32xf32, #tpu.memory_space<vmem>>
      %dma_wait3A_231 = arith.constant 0 : i32
      %dma_wait3A_232 = tpu.memref_slice %arg8[%add3A_225, %dma_wait3A_231] : memref<80x128xi32, #tpu.memory_space<vmem>> -> memref<1x128xi32, #tpu.memory_space<vmem>>
      %dma_wait3A_233 = tpu.memref_squeeze %dma_wait3A_232 : memref<1x128xi32, #tpu.memory_space<vmem>> -> memref<128xi32, #tpu.memory_space<vmem>>
      %dma_wait3A_234 = arith.constant 0 : i32
      %dma_wait3A_235 = arith.constant 0 : i32
      %dma_wait3A_236 = tpu.memref_slice %arg2[%dma_wait3A_234, %dma_wait3A_235] : memref<10240x32xf32, #tpu.memory_space<hbm>> -> memref<10240x32xf32, #tpu.memory_space<hbm>>
      tpu.wait_indirect_dma semaphore(%arg16 : memref<!tpu.dma_semaphore, #tpu.memory_space<semaphore_mem>>) src(%dma_wait3A_236 : memref<10240x32xf32, #tpu.memory_space<hbm>>) dst(%dma_wait3A_230 : memref<128x32xf32, #tpu.memory_space<vmem>>)
      %mul3A_237 = arith.constant 4 : i32
      %mul3A_238 = arith.muli %add3A_184, %mul3A_237 : i32
      %add3A_239 = arith.constant 3 : i32
      %add3A_240 = arith.addi %mul3A_238, %add3A_239 : i32
      %dma_wait3A_241 = arith.constant 3 : i32
      %dma_wait3A_242 = arith.constant 0 : i32
      %dma_wait3A_243 = arith.constant 0 : i32
      %dma_wait3A_244 = tpu.memref_slice %arg13[%dma_wait3A_241, %dma_wait3A_242, %dma_wait3A_243] : memref<4x128x32xf32, #tpu.memory_space<vmem>> -> memref<1x128x32xf32, #tpu.memory_space<vmem>>
      %dma_wait3A_245 = tpu.memref_squeeze %dma_wait3A_244 : memref<1x128x32xf32, #tpu.memory_space<vmem>> -> memref<128x32xf32, #tpu.memory_space<vmem>>
      %dma_wait3A_246 = arith.constant 0 : i32
      %dma_wait3A_247 = tpu.memref_slice %arg8[%add3A_240, %dma_wait3A_246] : memref<80x128xi32, #tpu.memory_space<vmem>> -> memref<1x128xi32, #tpu.memory_space<vmem>>
      %dma_wait3A_248 = tpu.memref_squeeze %dma_wait3A_247 : memref<1x128xi32, #tpu.memory_space<vmem>> -> memref<128xi32, #tpu.memory_space<vmem>>
      %dma_wait3A_249 = arith.constant 0 : i32
      %dma_wait3A_250 = arith.constant 0 : i32
      %dma_wait3A_251 = tpu.memref_slice %arg2[%dma_wait3A_249, %dma_wait3A_250] : memref<10240x32xf32, #tpu.memory_space<hbm>> -> memref<10240x32xf32, #tpu.memory_space<hbm>>
      tpu.wait_indirect_dma semaphore(%arg16 : memref<!tpu.dma_semaphore, #tpu.memory_space<semaphore_mem>>) src(%dma_wait3A_251 : memref<10240x32xf32, #tpu.memory_space<hbm>>) dst(%dma_wait3A_245 : memref<128x32xf32, #tpu.memory_space<vmem>>)
    }
    %scan3A_54 = arith.constant 10 : i32
    %barrier3A_55 = arith.constant 0 : index
    tpu.barrier barrier_id(%barrier3A_55)
    %run_scoped3A = arith.constant 0 : i32
    "tpu.region"() ({
      %run_scoped3A_113 = tpu.sem_alloc : memref<!tpu.dma_semaphore, #tpu.memory_space<semaphore_mem>>
      %dma_start3A_114 = arith.constant 0 : i32
      %dma_start3A_115 = tpu.memref_slice %arg7[%arg0, %run_scoped3A, %mul3A_2, %dma_start3A_114] : memref<2x2x10240x64xf32, #tpu.memory_space<hbm>> -> memref<1x1x640x64xf32, #tpu.memory_space<hbm>>
      %dma_start3A_116 = tpu.memref_squeeze %dma_start3A_115 : memref<1x1x640x64xf32, #tpu.memory_space<hbm>> -> memref<640x64xf32, #tpu.memory_space<hbm>>
      %dma_start3A_117 = arith.constant 0 : i32
      %dma_start3A_118 = tpu.memref_slice %arg14[%mul3A_2, %dma_start3A_117] : memref<10240x64xf32, #tpu.memory_space<vmem_shared>> -> memref<640x64xf32, #tpu.memory_space<vmem_shared>>
      tpu.enqueue_dma source(%dma_start3A_118 : memref<640x64xf32, #tpu.memory_space<vmem_shared>>) target(%dma_start3A_116 : memref<640x64xf32, #tpu.memory_space<hbm>>) target_semaphore(%run_scoped3A_113 : memref<!tpu.dma_semaphore, #tpu.memory_space<semaphore_mem>>)
      %dma_wait3A = arith.constant 0 : i32
      %dma_wait3A_119 = tpu.memref_slice %arg7[%arg0, %run_scoped3A, %mul3A_2, %dma_wait3A] : memref<2x2x10240x64xf32, #tpu.memory_space<hbm>> -> memref<1x1x640x64xf32, #tpu.memory_space<hbm>>
      %dma_wait3A_120 = tpu.memref_squeeze %dma_wait3A_119 : memref<1x1x640x64xf32, #tpu.memory_space<hbm>> -> memref<640x64xf32, #tpu.memory_space<hbm>>
      %dma_wait3A_121 = arith.constant 0 : i32
      %dma_wait3A_122 = tpu.memref_slice %arg14[%mul3A_2, %dma_wait3A_121] : memref<10240x64xf32, #tpu.memory_space<vmem_shared>> -> memref<640x64xf32, #tpu.memory_space<vmem_shared>>
      tpu.wait_dma2 semaphore(%run_scoped3A_113 : memref<!tpu.dma_semaphore, #tpu.memory_space<semaphore_mem>>) src(%dma_wait3A_122 : memref<640x64xf32, #tpu.memory_space<vmem_shared>>) dst(%dma_wait3A_120 : memref<640x64xf32, #tpu.memory_space<hbm>>)
      tpu.yield
    }) : () -> ()
    "tpu.region"() ({
      %run_scoped3A_113 = tpu.sem_alloc : memref<!tpu.dma_semaphore, #tpu.memory_space<semaphore_mem>>
      %dma_start3A_114 = arith.constant 0 : i32
      %dma_start3A_115 = tpu.memref_slice %arg14[%mul3A_2, %dma_start3A_114] : memref<10240x64xf32, #tpu.memory_space<vmem_shared>> -> memref<640x64xf32, #tpu.memory_space<vmem_shared>>
      tpu.enqueue_dma source(%arg6 : memref<640x64xf32, #tpu.memory_space<hbm>>) target(%dma_start3A_115 : memref<640x64xf32, #tpu.memory_space<vmem_shared>>) target_semaphore(%run_scoped3A_113 : memref<!tpu.dma_semaphore, #tpu.memory_space<semaphore_mem>>)
      %dma_wait3A = arith.constant 0 : i32
      %dma_wait3A_116 = tpu.memref_slice %arg14[%mul3A_2, %dma_wait3A] : memref<10240x64xf32, #tpu.memory_space<vmem_shared>> -> memref<640x64xf32, #tpu.memory_space<vmem_shared>>
      tpu.wait_dma2 semaphore(%run_scoped3A_113 : memref<!tpu.dma_semaphore, #tpu.memory_space<semaphore_mem>>) src(%arg6 : memref<640x64xf32, #tpu.memory_space<hbm>>) dst(%dma_wait3A_116 : memref<640x64xf32, #tpu.memory_space<vmem_shared>>)
      tpu.yield
    }) : () -> ()
    %barrier3A_56 = arith.constant 0 : index
    tpu.barrier barrier_id(%barrier3A_56)
    %dma_start3A_57 = arith.constant 0 : i32
    %dma_start3A_58 = arith.constant 0 : i32
    %dma_start3A_59 = arith.constant 0 : i32
    %dma_start3A_60 = arith.constant 0 : i32
    %dma_start3A_61 = tpu.memref_slice %arg12[%dma_start3A_58, %dma_start3A_59, %dma_start3A_60] : memref<4x128x32xf32, #tpu.memory_space<vmem>> -> memref<1x128x32xf32, #tpu.memory_space<vmem>>
    %dma_start3A_62 = tpu.memref_squeeze %dma_start3A_61 : memref<1x128x32xf32, #tpu.memory_space<vmem>> -> memref<128x32xf32, #tpu.memory_space<vmem>>
    %dma_start3A_63 = arith.constant 0 : i32
    %dma_start3A_64 = tpu.memref_slice %arg8[%dma_start3A_57, %dma_start3A_63] : memref<80x128xi32, #tpu.memory_space<vmem>> -> memref<1x128xi32, #tpu.memory_space<vmem>>
    %dma_start3A_65 = tpu.memref_squeeze %dma_start3A_64 : memref<1x128xi32, #tpu.memory_space<vmem>> -> memref<128xi32, #tpu.memory_space<vmem>>
    %dma_start3A_66 = arith.constant 0 : i32
    %dma_start3A_67 = arith.constant 0 : i32
    %dma_start3A_68 = tpu.memref_slice %arg3[%dma_start3A_66, %dma_start3A_67] : memref<10240x32xf32, #tpu.memory_space<hbm>> -> memref<10240x32xf32, #tpu.memory_space<hbm>>
    tpu.enqueue_indirect_dma source(%dma_start3A_68 : memref<10240x32xf32, #tpu.memory_space<hbm>>) target(%dma_start3A_62 : memref<128x32xf32, #tpu.memory_space<vmem>>) offsets(%dma_start3A_65 : memref<128xi32, #tpu.memory_space<vmem>>) semaphore(%arg15 : memref<!tpu.dma_semaphore, #tpu.memory_space<semaphore_mem>>)
    %dma_start3A_69 = arith.constant 1 : i32
    %dma_start3A_70 = arith.constant 1 : i32
    %dma_start3A_71 = arith.constant 0 : i32
    %dma_start3A_72 = arith.constant 0 : i32
    %dma_start3A_73 = tpu.memref_slice %arg12[%dma_start3A_70, %dma_start3A_71, %dma_start3A_72] : memref<4x128x32xf32, #tpu.memory_space<vmem>> -> memref<1x128x32xf32, #tpu.memory_space<vmem>>
    %dma_start3A_74 = tpu.memref_squeeze %dma_start3A_73 : memref<1x128x32xf32, #tpu.memory_space<vmem>> -> memref<128x32xf32, #tpu.memory_space<vmem>>
    %dma_start3A_75 = arith.constant 0 : i32
    %dma_start3A_76 = tpu.memref_slice %arg8[%dma_start3A_69, %dma_start3A_75] : memref<80x128xi32, #tpu.memory_space<vmem>> -> memref<1x128xi32, #tpu.memory_space<vmem>>
    %dma_start3A_77 = tpu.memref_squeeze %dma_start3A_76 : memref<1x128xi32, #tpu.memory_space<vmem>> -> memref<128xi32, #tpu.memory_space<vmem>>
    %dma_start3A_78 = arith.constant 0 : i32
    %dma_start3A_79 = arith.constant 0 : i32
    %dma_start3A_80 = tpu.memref_slice %arg3[%dma_start3A_78, %dma_start3A_79] : memref<10240x32xf32, #tpu.memory_space<hbm>> -> memref<10240x32xf32, #tpu.memory_space<hbm>>
    tpu.enqueue_indirect_dma source(%dma_start3A_80 : memref<10240x32xf32, #tpu.memory_space<hbm>>) target(%dma_start3A_74 : memref<128x32xf32, #tpu.memory_space<vmem>>) offsets(%dma_start3A_77 : memref<128xi32, #tpu.memory_space<vmem>>) semaphore(%arg15 : memref<!tpu.dma_semaphore, #tpu.memory_space<semaphore_mem>>)
    %dma_start3A_81 = arith.constant 2 : i32
    %dma_start3A_82 = arith.constant 2 : i32
    %dma_start3A_83 = arith.constant 0 : i32
    %dma_start3A_84 = arith.constant 0 : i32
    %dma_start3A_85 = tpu.memref_slice %arg12[%dma_start3A_82, %dma_start3A_83, %dma_start3A_84] : memref<4x128x32xf32, #tpu.memory_space<vmem>> -> memref<1x128x32xf32, #tpu.memory_space<vmem>>
    %dma_start3A_86 = tpu.memref_squeeze %dma_start3A_85 : memref<1x128x32xf32, #tpu.memory_space<vmem>> -> memref<128x32xf32, #tpu.memory_space<vmem>>
    %dma_start3A_87 = arith.constant 0 : i32
    %dma_start3A_88 = tpu.memref_slice %arg8[%dma_start3A_81, %dma_start3A_87] : memref<80x128xi32, #tpu.memory_space<vmem>> -> memref<1x128xi32, #tpu.memory_space<vmem>>
    %dma_start3A_89 = tpu.memref_squeeze %dma_start3A_88 : memref<1x128xi32, #tpu.memory_space<vmem>> -> memref<128xi32, #tpu.memory_space<vmem>>
    %dma_start3A_90 = arith.constant 0 : i32
    %dma_start3A_91 = arith.constant 0 : i32
    %dma_start3A_92 = tpu.memref_slice %arg3[%dma_start3A_90, %dma_start3A_91] : memref<10240x32xf32, #tpu.memory_space<hbm>> -> memref<10240x32xf32, #tpu.memory_space<hbm>>
    tpu.enqueue_indirect_dma source(%dma_start3A_92 : memref<10240x32xf32, #tpu.memory_space<hbm>>) target(%dma_start3A_86 : memref<128x32xf32, #tpu.memory_space<vmem>>) offsets(%dma_start3A_89 : memref<128xi32, #tpu.memory_space<vmem>>) semaphore(%arg15 : memref<!tpu.dma_semaphore, #tpu.memory_space<semaphore_mem>>)
    %dma_start3A_93 = arith.constant 3 : i32
    %dma_start3A_94 = arith.constant 3 : i32
    %dma_start3A_95 = arith.constant 0 : i32
    %dma_start3A_96 = arith.constant 0 : i32
    %dma_start3A_97 = tpu.memref_slice %arg12[%dma_start3A_94, %dma_start3A_95, %dma_start3A_96] : memref<4x128x32xf32, #tpu.memory_space<vmem>> -> memref<1x128x32xf32, #tpu.memory_space<vmem>>
    %dma_start3A_98 = tpu.memref_squeeze %dma_start3A_97 : memref<1x128x32xf32, #tpu.memory_space<vmem>> -> memref<128x32xf32, #tpu.memory_space<vmem>>
    %dma_start3A_99 = arith.constant 0 : i32
    %dma_start3A_100 = tpu.memref_slice %arg8[%dma_start3A_93, %dma_start3A_99] : memref<80x128xi32, #tpu.memory_space<vmem>> -> memref<1x128xi32, #tpu.memory_space<vmem>>
    %dma_start3A_101 = tpu.memref_squeeze %dma_start3A_100 : memref<1x128xi32, #tpu.memory_space<vmem>> -> memref<128xi32, #tpu.memory_space<vmem>>
    %dma_start3A_102 = arith.constant 0 : i32
    %dma_start3A_103 = arith.constant 0 : i32
    %dma_start3A_104 = tpu.memref_slice %arg3[%dma_start3A_102, %dma_start3A_103] : memref<10240x32xf32, #tpu.memory_space<hbm>> -> memref<10240x32xf32, #tpu.memory_space<hbm>>
    tpu.enqueue_indirect_dma source(%dma_start3A_104 : memref<10240x32xf32, #tpu.memory_space<hbm>>) target(%dma_start3A_98 : memref<128x32xf32, #tpu.memory_space<vmem>>) offsets(%dma_start3A_101 : memref<128xi32, #tpu.memory_space<vmem>>) semaphore(%arg15 : memref<!tpu.dma_semaphore, #tpu.memory_space<semaphore_mem>>)
    %scan3A_105 = arith.constant 0 : i32
    %scan3A_106 = arith.constant 0 : i32
    %scan3A_107 = arith.constant 10 : i32
    %scan3A_108 = arith.addi %scan3A_106, %scan3A_107 : i32
    %scan3A_109 = arith.constant 1 : i32
    scf.for %scan3A_113 = %scan3A_106 to %scan3A_108 step %scan3A_109  : i32 {
      %mul3A_114 = arith.constant 2 : i32
      %mul3A_115 = arith.muli %scan3A_113, %mul3A_114 : i32
      %add3A_116 = arith.constant 0 : i32
      %add3A_117 = arith.addi %mul3A_115, %add3A_116 : i32
      %add3A_118 = arith.constant 1 : i32
      %add3A_119 = arith.addi %add3A_117, %add3A_118 : i32
      %lt3A = arith.constant 20 : i32
      %lt3A_120 = arith.cmpi slt, %add3A_119, %lt3A : i32
      %convert_element_type3A = arith.extui %lt3A_120 : i1 to i32
      %cond3A = arith.constant 0 : i32
      %cond3A_121 = arith.cmpi ne, %convert_element_type3A, %cond3A : i32
      scf.if %cond3A_121 {
        %ge3A = arith.constant 1 : i32
        %ge3A_252 = arith.cmpi sge, %add3A_117, %ge3A : i32
        %convert_element_type3A_253 = arith.extui %ge3A_252 : i1 to i32
        %cond3A_254 = arith.constant 0 : i32
        %cond3A_255 = arith.cmpi ne, %convert_element_type3A_253, %cond3A_254 : i32
        scf.if %cond3A_255 {
          %sub3A = arith.constant 1 : i32
          %sub3A_318 = arith.subi %add3A_117, %sub3A : i32
        } else {
        }
        %add3A_256 = arith.constant 1 : i32
        %add3A_257 = arith.addi %add3A_117, %add3A_256 : i32
        %mul3A_258 = arith.constant 4 : i32
        %mul3A_259 = arith.muli %add3A_257, %mul3A_258 : i32
        %add3A_260 = arith.constant 0 : i32
        %add3A_261 = arith.addi %mul3A_259, %add3A_260 : i32
        %dma_start3A_262 = arith.constant 0 : i32
        %dma_start3A_263 = arith.constant 0 : i32
        %dma_start3A_264 = arith.constant 0 : i32
        %dma_start3A_265 = tpu.memref_slice %arg13[%dma_start3A_262, %dma_start3A_263, %dma_start3A_264] : memref<4x128x32xf32, #tpu.memory_space<vmem>> -> memref<1x128x32xf32, #tpu.memory_space<vmem>>
        %dma_start3A_266 = tpu.memref_squeeze %dma_start3A_265 : memref<1x128x32xf32, #tpu.memory_space<vmem>> -> memref<128x32xf32, #tpu.memory_space<vmem>>
        %dma_start3A_267 = arith.constant 0 : i32
        %dma_start3A_268 = tpu.memref_slice %arg8[%add3A_261, %dma_start3A_267] : memref<80x128xi32, #tpu.memory_space<vmem>> -> memref<1x128xi32, #tpu.memory_space<vmem>>
        %dma_start3A_269 = tpu.memref_squeeze %dma_start3A_268 : memref<1x128xi32, #tpu.memory_space<vmem>> -> memref<128xi32, #tpu.memory_space<vmem>>
        %dma_start3A_270 = arith.constant 0 : i32
        %dma_start3A_271 = arith.constant 0 : i32
        %dma_start3A_272 = tpu.memref_slice %arg3[%dma_start3A_270, %dma_start3A_271] : memref<10240x32xf32, #tpu.memory_space<hbm>> -> memref<10240x32xf32, #tpu.memory_space<hbm>>
        tpu.enqueue_indirect_dma source(%dma_start3A_272 : memref<10240x32xf32, #tpu.memory_space<hbm>>) target(%dma_start3A_266 : memref<128x32xf32, #tpu.memory_space<vmem>>) offsets(%dma_start3A_269 : memref<128xi32, #tpu.memory_space<vmem>>) semaphore(%arg16 : memref<!tpu.dma_semaphore, #tpu.memory_space<semaphore_mem>>)
        %mul3A_273 = arith.constant 4 : i32
        %mul3A_274 = arith.muli %add3A_257, %mul3A_273 : i32
        %add3A_275 = arith.constant 1 : i32
        %add3A_276 = arith.addi %mul3A_274, %add3A_275 : i32
        %dma_start3A_277 = arith.constant 1 : i32
        %dma_start3A_278 = arith.constant 0 : i32
        %dma_start3A_279 = arith.constant 0 : i32
        %dma_start3A_280 = tpu.memref_slice %arg13[%dma_start3A_277, %dma_start3A_278, %dma_start3A_279] : memref<4x128x32xf32, #tpu.memory_space<vmem>> -> memref<1x128x32xf32, #tpu.memory_space<vmem>>
        %dma_start3A_281 = tpu.memref_squeeze %dma_start3A_280 : memref<1x128x32xf32, #tpu.memory_space<vmem>> -> memref<128x32xf32, #tpu.memory_space<vmem>>
        %dma_start3A_282 = arith.constant 0 : i32
        %dma_start3A_283 = tpu.memref_slice %arg8[%add3A_276, %dma_start3A_282] : memref<80x128xi32, #tpu.memory_space<vmem>> -> memref<1x128xi32, #tpu.memory_space<vmem>>
        %dma_start3A_284 = tpu.memref_squeeze %dma_start3A_283 : memref<1x128xi32, #tpu.memory_space<vmem>> -> memref<128xi32, #tpu.memory_space<vmem>>
        %dma_start3A_285 = arith.constant 0 : i32
        %dma_start3A_286 = arith.constant 0 : i32
        %dma_start3A_287 = tpu.memref_slice %arg3[%dma_start3A_285, %dma_start3A_286] : memref<10240x32xf32, #tpu.memory_space<hbm>> -> memref<10240x32xf32, #tpu.memory_space<hbm>>
        tpu.enqueue_indirect_dma source(%dma_start3A_287 : memref<10240x32xf32, #tpu.memory_space<hbm>>) target(%dma_start3A_281 : memref<128x32xf32, #tpu.memory_space<vmem>>) offsets(%dma_start3A_284 : memref<128xi32, #tpu.memory_space<vmem>>) semaphore(%arg16 : memref<!tpu.dma_semaphore, #tpu.memory_space<semaphore_mem>>)
        %mul3A_288 = arith.constant 4 : i32
        %mul3A_289 = arith.muli %add3A_257, %mul3A_288 : i32
        %add3A_290 = arith.constant 2 : i32
        %add3A_291 = arith.addi %mul3A_289, %add3A_290 : i32
        %dma_start3A_292 = arith.constant 2 : i32
        %dma_start3A_293 = arith.constant 0 : i32
        %dma_start3A_294 = arith.constant 0 : i32
        %dma_start3A_295 = tpu.memref_slice %arg13[%dma_start3A_292, %dma_start3A_293, %dma_start3A_294] : memref<4x128x32xf32, #tpu.memory_space<vmem>> -> memref<1x128x32xf32, #tpu.memory_space<vmem>>
        %dma_start3A_296 = tpu.memref_squeeze %dma_start3A_295 : memref<1x128x32xf32, #tpu.memory_space<vmem>> -> memref<128x32xf32, #tpu.memory_space<vmem>>
        %dma_start3A_297 = arith.constant 0 : i32
        %dma_start3A_298 = tpu.memref_slice %arg8[%add3A_291, %dma_start3A_297] : memref<80x128xi32, #tpu.memory_space<vmem>> -> memref<1x128xi32, #tpu.memory_space<vmem>>
        %dma_start3A_299 = tpu.memref_squeeze %dma_start3A_298 : memref<1x128xi32, #tpu.memory_space<vmem>> -> memref<128xi32, #tpu.memory_space<vmem>>
        %dma_start3A_300 = arith.constant 0 : i32
        %dma_start3A_301 = arith.constant 0 : i32
        %dma_start3A_302 = tpu.memref_slice %arg3[%dma_start3A_300, %dma_start3A_301] : memref<10240x32xf32, #tpu.memory_space<hbm>> -> memref<10240x32xf32, #tpu.memory_space<hbm>>
        tpu.enqueue_indirect_dma source(%dma_start3A_302 : memref<10240x32xf32, #tpu.memory_space<hbm>>) target(%dma_start3A_296 : memref<128x32xf32, #tpu.memory_space<vmem>>) offsets(%dma_start3A_299 : memref<128xi32, #tpu.memory_space<vmem>>) semaphore(%arg16 : memref<!tpu.dma_semaphore, #tpu.memory_space<semaphore_mem>>)
        %mul3A_303 = arith.constant 4 : i32
        %mul3A_304 = arith.muli %add3A_257, %mul3A_303 : i32
        %add3A_305 = arith.constant 3 : i32
        %add3A_306 = arith.addi %mul3A_304, %add3A_305 : i32
        %dma_start3A_307 = arith.constant 3 : i32
        %dma_start3A_308 = arith.constant 0 : i32
        %dma_start3A_309 = arith.constant 0 : i32
        %dma_start3A_310 = tpu.memref_slice %arg13[%dma_start3A_307, %dma_start3A_308, %dma_start3A_309] : memref<4x128x32xf32, #tpu.memory_space<vmem>> -> memref<1x128x32xf32, #tpu.memory_space<vmem>>
        %dma_start3A_311 = tpu.memref_squeeze %dma_start3A_310 : memref<1x128x32xf32, #tpu.memory_space<vmem>> -> memref<128x32xf32, #tpu.memory_space<vmem>>
        %dma_start3A_312 = arith.constant 0 : i32
        %dma_start3A_313 = tpu.memref_slice %arg8[%add3A_306, %dma_start3A_312] : memref<80x128xi32, #tpu.memory_space<vmem>> -> memref<1x128xi32, #tpu.memory_space<vmem>>
        %dma_start3A_314 = tpu.memref_squeeze %dma_start3A_313 : memref<1x128xi32, #tpu.memory_space<vmem>> -> memref<128xi32, #tpu.memory_space<vmem>>
        %dma_start3A_315 = arith.constant 0 : i32
        %dma_start3A_316 = arith.constant 0 : i32
        %dma_start3A_317 = tpu.memref_slice %arg3[%dma_start3A_315, %dma_start3A_316] : memref<10240x32xf32, #tpu.memory_space<hbm>> -> memref<10240x32xf32, #tpu.memory_space<hbm>>
        tpu.enqueue_indirect_dma source(%dma_start3A_317 : memref<10240x32xf32, #tpu.memory_space<hbm>>) target(%dma_start3A_311 : memref<128x32xf32, #tpu.memory_space<vmem>>) offsets(%dma_start3A_314 : memref<128xi32, #tpu.memory_space<vmem>>) semaphore(%arg16 : memref<!tpu.dma_semaphore, #tpu.memory_space<semaphore_mem>>)
      } else {
      }
      %mul3A_122 = arith.constant 4 : i32
      %mul3A_123 = arith.muli %add3A_117, %mul3A_122 : i32
      %add3A_124 = arith.constant 0 : i32
      %add3A_125 = arith.addi %mul3A_123, %add3A_124 : i32
      %dma_wait3A = arith.constant 0 : i32
      %dma_wait3A_126 = arith.constant 0 : i32
      %dma_wait3A_127 = arith.constant 0 : i32
      %dma_wait3A_128 = tpu.memref_slice %arg12[%dma_wait3A, %dma_wait3A_126, %dma_wait3A_127] : memref<4x128x32xf32, #tpu.memory_space<vmem>> -> memref<1x128x32xf32, #tpu.memory_space<vmem>>
      %dma_wait3A_129 = tpu.memref_squeeze %dma_wait3A_128 : memref<1x128x32xf32, #tpu.memory_space<vmem>> -> memref<128x32xf32, #tpu.memory_space<vmem>>
      %dma_wait3A_130 = arith.constant 0 : i32
      %dma_wait3A_131 = tpu.memref_slice %arg8[%add3A_125, %dma_wait3A_130] : memref<80x128xi32, #tpu.memory_space<vmem>> -> memref<1x128xi32, #tpu.memory_space<vmem>>
      %dma_wait3A_132 = tpu.memref_squeeze %dma_wait3A_131 : memref<1x128xi32, #tpu.memory_space<vmem>> -> memref<128xi32, #tpu.memory_space<vmem>>
      %dma_wait3A_133 = arith.constant 0 : i32
      %dma_wait3A_134 = arith.constant 0 : i32
      %dma_wait3A_135 = tpu.memref_slice %arg3[%dma_wait3A_133, %dma_wait3A_134] : memref<10240x32xf32, #tpu.memory_space<hbm>> -> memref<10240x32xf32, #tpu.memory_space<hbm>>
      tpu.wait_indirect_dma semaphore(%arg15 : memref<!tpu.dma_semaphore, #tpu.memory_space<semaphore_mem>>) src(%dma_wait3A_135 : memref<10240x32xf32, #tpu.memory_space<hbm>>) dst(%dma_wait3A_129 : memref<128x32xf32, #tpu.memory_space<vmem>>)
      %mul3A_136 = arith.constant 4 : i32
      %mul3A_137 = arith.muli %add3A_117, %mul3A_136 : i32
      %add3A_138 = arith.constant 1 : i32
      %add3A_139 = arith.addi %mul3A_137, %add3A_138 : i32
      %dma_wait3A_140 = arith.constant 1 : i32
      %dma_wait3A_141 = arith.constant 0 : i32
      %dma_wait3A_142 = arith.constant 0 : i32
      %dma_wait3A_143 = tpu.memref_slice %arg12[%dma_wait3A_140, %dma_wait3A_141, %dma_wait3A_142] : memref<4x128x32xf32, #tpu.memory_space<vmem>> -> memref<1x128x32xf32, #tpu.memory_space<vmem>>
      %dma_wait3A_144 = tpu.memref_squeeze %dma_wait3A_143 : memref<1x128x32xf32, #tpu.memory_space<vmem>> -> memref<128x32xf32, #tpu.memory_space<vmem>>
      %dma_wait3A_145 = arith.constant 0 : i32
      %dma_wait3A_146 = tpu.memref_slice %arg8[%add3A_139, %dma_wait3A_145] : memref<80x128xi32, #tpu.memory_space<vmem>> -> memref<1x128xi32, #tpu.memory_space<vmem>>
      %dma_wait3A_147 = tpu.memref_squeeze %dma_wait3A_146 : memref<1x128xi32, #tpu.memory_space<vmem>> -> memref<128xi32, #tpu.memory_space<vmem>>
      %dma_wait3A_148 = arith.constant 0 : i32
      %dma_wait3A_149 = arith.constant 0 : i32
      %dma_wait3A_150 = tpu.memref_slice %arg3[%dma_wait3A_148, %dma_wait3A_149] : memref<10240x32xf32, #tpu.memory_space<hbm>> -> memref<10240x32xf32, #tpu.memory_space<hbm>>
      tpu.wait_indirect_dma semaphore(%arg15 : memref<!tpu.dma_semaphore, #tpu.memory_space<semaphore_mem>>) src(%dma_wait3A_150 : memref<10240x32xf32, #tpu.memory_space<hbm>>) dst(%dma_wait3A_144 : memref<128x32xf32, #tpu.memory_space<vmem>>)
      %mul3A_151 = arith.constant 4 : i32
      %mul3A_152 = arith.muli %add3A_117, %mul3A_151 : i32
      %add3A_153 = arith.constant 2 : i32
      %add3A_154 = arith.addi %mul3A_152, %add3A_153 : i32
      %dma_wait3A_155 = arith.constant 2 : i32
      %dma_wait3A_156 = arith.constant 0 : i32
      %dma_wait3A_157 = arith.constant 0 : i32
      %dma_wait3A_158 = tpu.memref_slice %arg12[%dma_wait3A_155, %dma_wait3A_156, %dma_wait3A_157] : memref<4x128x32xf32, #tpu.memory_space<vmem>> -> memref<1x128x32xf32, #tpu.memory_space<vmem>>
      %dma_wait3A_159 = tpu.memref_squeeze %dma_wait3A_158 : memref<1x128x32xf32, #tpu.memory_space<vmem>> -> memref<128x32xf32, #tpu.memory_space<vmem>>
      %dma_wait3A_160 = arith.constant 0 : i32
      %dma_wait3A_161 = tpu.memref_slice %arg8[%add3A_154, %dma_wait3A_160] : memref<80x128xi32, #tpu.memory_space<vmem>> -> memref<1x128xi32, #tpu.memory_space<vmem>>
      %dma_wait3A_162 = tpu.memref_squeeze %dma_wait3A_161 : memref<1x128xi32, #tpu.memory_space<vmem>> -> memref<128xi32, #tpu.memory_space<vmem>>
      %dma_wait3A_163 = arith.constant 0 : i32
      %dma_wait3A_164 = arith.constant 0 : i32
      %dma_wait3A_165 = tpu.memref_slice %arg3[%dma_wait3A_163, %dma_wait3A_164] : memref<10240x32xf32, #tpu.memory_space<hbm>> -> memref<10240x32xf32, #tpu.memory_space<hbm>>
      tpu.wait_indirect_dma semaphore(%arg15 : memref<!tpu.dma_semaphore, #tpu.memory_space<semaphore_mem>>) src(%dma_wait3A_165 : memref<10240x32xf32, #tpu.memory_space<hbm>>) dst(%dma_wait3A_159 : memref<128x32xf32, #tpu.memory_space<vmem>>)
      %mul3A_166 = arith.constant 4 : i32
      %mul3A_167 = arith.muli %add3A_117, %mul3A_166 : i32
      %add3A_168 = arith.constant 3 : i32
      %add3A_169 = arith.addi %mul3A_167, %add3A_168 : i32
      %dma_wait3A_170 = arith.constant 3 : i32
      %dma_wait3A_171 = arith.constant 0 : i32
      %dma_wait3A_172 = arith.constant 0 : i32
      %dma_wait3A_173 = tpu.memref_slice %arg12[%dma_wait3A_170, %dma_wait3A_171, %dma_wait3A_172] : memref<4x128x32xf32, #tpu.memory_space<vmem>> -> memref<1x128x32xf32, #tpu.memory_space<vmem>>
      %dma_wait3A_174 = tpu.memref_squeeze %dma_wait3A_173 : memref<1x128x32xf32, #tpu.memory_space<vmem>> -> memref<128x32xf32, #tpu.memory_space<vmem>>
      %dma_wait3A_175 = arith.constant 0 : i32
      %dma_wait3A_176 = tpu.memref_slice %arg8[%add3A_169, %dma_wait3A_175] : memref<80x128xi32, #tpu.memory_space<vmem>> -> memref<1x128xi32, #tpu.memory_space<vmem>>
      %dma_wait3A_177 = tpu.memref_squeeze %dma_wait3A_176 : memref<1x128xi32, #tpu.memory_space<vmem>> -> memref<128xi32, #tpu.memory_space<vmem>>
      %dma_wait3A_178 = arith.constant 0 : i32
      %dma_wait3A_179 = arith.constant 0 : i32
      %dma_wait3A_180 = tpu.memref_slice %arg3[%dma_wait3A_178, %dma_wait3A_179] : memref<10240x32xf32, #tpu.memory_space<hbm>> -> memref<10240x32xf32, #tpu.memory_space<hbm>>
      tpu.wait_indirect_dma semaphore(%arg15 : memref<!tpu.dma_semaphore, #tpu.memory_space<semaphore_mem>>) src(%dma_wait3A_180 : memref<10240x32xf32, #tpu.memory_space<hbm>>) dst(%dma_wait3A_174 : memref<128x32xf32, #tpu.memory_space<vmem>>)
      %mul3A_181 = arith.constant 2 : i32
      %mul3A_182 = arith.muli %scan3A_113, %mul3A_181 : i32
      %add3A_183 = arith.constant 1 : i32
      %add3A_184 = arith.addi %mul3A_182, %add3A_183 : i32
      %add3A_185 = arith.constant 1 : i32
      %add3A_186 = arith.addi %add3A_184, %add3A_185 : i32
      %lt3A_187 = arith.constant 20 : i32
      %lt3A_188 = arith.cmpi slt, %add3A_186, %lt3A_187 : i32
      %convert_element_type3A_189 = arith.extui %lt3A_188 : i1 to i32
      %cond3A_190 = arith.constant 0 : i32
      %cond3A_191 = arith.cmpi ne, %convert_element_type3A_189, %cond3A_190 : i32
      scf.if %cond3A_191 {
        %ge3A = arith.constant 1 : i32
        %ge3A_252 = arith.cmpi sge, %add3A_184, %ge3A : i32
        %convert_element_type3A_253 = arith.extui %ge3A_252 : i1 to i32
        %cond3A_254 = arith.constant 0 : i32
        %cond3A_255 = arith.cmpi ne, %convert_element_type3A_253, %cond3A_254 : i32
        scf.if %cond3A_255 {
          %sub3A = arith.constant 1 : i32
          %sub3A_318 = arith.subi %add3A_184, %sub3A : i32
        } else {
        }
        %add3A_256 = arith.constant 1 : i32
        %add3A_257 = arith.addi %add3A_184, %add3A_256 : i32
        %mul3A_258 = arith.constant 4 : i32
        %mul3A_259 = arith.muli %add3A_257, %mul3A_258 : i32
        %add3A_260 = arith.constant 0 : i32
        %add3A_261 = arith.addi %mul3A_259, %add3A_260 : i32
        %dma_start3A_262 = arith.constant 0 : i32
        %dma_start3A_263 = arith.constant 0 : i32
        %dma_start3A_264 = arith.constant 0 : i32
        %dma_start3A_265 = tpu.memref_slice %arg12[%dma_start3A_262, %dma_start3A_263, %dma_start3A_264] : memref<4x128x32xf32, #tpu.memory_space<vmem>> -> memref<1x128x32xf32, #tpu.memory_space<vmem>>
        %dma_start3A_266 = tpu.memref_squeeze %dma_start3A_265 : memref<1x128x32xf32, #tpu.memory_space<vmem>> -> memref<128x32xf32, #tpu.memory_space<vmem>>
        %dma_start3A_267 = arith.constant 0 : i32
        %dma_start3A_268 = tpu.memref_slice %arg8[%add3A_261, %dma_start3A_267] : memref<80x128xi32, #tpu.memory_space<vmem>> -> memref<1x128xi32, #tpu.memory_space<vmem>>
        %dma_start3A_269 = tpu.memref_squeeze %dma_start3A_268 : memref<1x128xi32, #tpu.memory_space<vmem>> -> memref<128xi32, #tpu.memory_space<vmem>>
        %dma_start3A_270 = arith.constant 0 : i32
        %dma_start3A_271 = arith.constant 0 : i32
        %dma_start3A_272 = tpu.memref_slice %arg3[%dma_start3A_270, %dma_start3A_271] : memref<10240x32xf32, #tpu.memory_space<hbm>> -> memref<10240x32xf32, #tpu.memory_space<hbm>>
        tpu.enqueue_indirect_dma source(%dma_start3A_272 : memref<10240x32xf32, #tpu.memory_space<hbm>>) target(%dma_start3A_266 : memref<128x32xf32, #tpu.memory_space<vmem>>) offsets(%dma_start3A_269 : memref<128xi32, #tpu.memory_space<vmem>>) semaphore(%arg15 : memref<!tpu.dma_semaphore, #tpu.memory_space<semaphore_mem>>)
        %mul3A_273 = arith.constant 4 : i32
        %mul3A_274 = arith.muli %add3A_257, %mul3A_273 : i32
        %add3A_275 = arith.constant 1 : i32
        %add3A_276 = arith.addi %mul3A_274, %add3A_275 : i32
        %dma_start3A_277 = arith.constant 1 : i32
        %dma_start3A_278 = arith.constant 0 : i32
        %dma_start3A_279 = arith.constant 0 : i32
        %dma_start3A_280 = tpu.memref_slice %arg12[%dma_start3A_277, %dma_start3A_278, %dma_start3A_279] : memref<4x128x32xf32, #tpu.memory_space<vmem>> -> memref<1x128x32xf32, #tpu.memory_space<vmem>>
        %dma_start3A_281 = tpu.memref_squeeze %dma_start3A_280 : memref<1x128x32xf32, #tpu.memory_space<vmem>> -> memref<128x32xf32, #tpu.memory_space<vmem>>
        %dma_start3A_282 = arith.constant 0 : i32
        %dma_start3A_283 = tpu.memref_slice %arg8[%add3A_276, %dma_start3A_282] : memref<80x128xi32, #tpu.memory_space<vmem>> -> memref<1x128xi32, #tpu.memory_space<vmem>>
        %dma_start3A_284 = tpu.memref_squeeze %dma_start3A_283 : memref<1x128xi32, #tpu.memory_space<vmem>> -> memref<128xi32, #tpu.memory_space<vmem>>
        %dma_start3A_285 = arith.constant 0 : i32
        %dma_start3A_286 = arith.constant 0 : i32
        %dma_start3A_287 = tpu.memref_slice %arg3[%dma_start3A_285, %dma_start3A_286] : memref<10240x32xf32, #tpu.memory_space<hbm>> -> memref<10240x32xf32, #tpu.memory_space<hbm>>
        tpu.enqueue_indirect_dma source(%dma_start3A_287 : memref<10240x32xf32, #tpu.memory_space<hbm>>) target(%dma_start3A_281 : memref<128x32xf32, #tpu.memory_space<vmem>>) offsets(%dma_start3A_284 : memref<128xi32, #tpu.memory_space<vmem>>) semaphore(%arg15 : memref<!tpu.dma_semaphore, #tpu.memory_space<semaphore_mem>>)
        %mul3A_288 = arith.constant 4 : i32
        %mul3A_289 = arith.muli %add3A_257, %mul3A_288 : i32
        %add3A_290 = arith.constant 2 : i32
        %add3A_291 = arith.addi %mul3A_289, %add3A_290 : i32
        %dma_start3A_292 = arith.constant 2 : i32
        %dma_start3A_293 = arith.constant 0 : i32
        %dma_start3A_294 = arith.constant 0 : i32
        %dma_start3A_295 = tpu.memref_slice %arg12[%dma_start3A_292, %dma_start3A_293, %dma_start3A_294] : memref<4x128x32xf32, #tpu.memory_space<vmem>> -> memref<1x128x32xf32, #tpu.memory_space<vmem>>
        %dma_start3A_296 = tpu.memref_squeeze %dma_start3A_295 : memref<1x128x32xf32, #tpu.memory_space<vmem>> -> memref<128x32xf32, #tpu.memory_space<vmem>>
        %dma_start3A_297 = arith.constant 0 : i32
        %dma_start3A_298 = tpu.memref_slice %arg8[%add3A_291, %dma_start3A_297] : memref<80x128xi32, #tpu.memory_space<vmem>> -> memref<1x128xi32, #tpu.memory_space<vmem>>
        %dma_start3A_299 = tpu.memref_squeeze %dma_start3A_298 : memref<1x128xi32, #tpu.memory_space<vmem>> -> memref<128xi32, #tpu.memory_space<vmem>>
        %dma_start3A_300 = arith.constant 0 : i32
        %dma_start3A_301 = arith.constant 0 : i32
        %dma_start3A_302 = tpu.memref_slice %arg3[%dma_start3A_300, %dma_start3A_301] : memref<10240x32xf32, #tpu.memory_space<hbm>> -> memref<10240x32xf32, #tpu.memory_space<hbm>>
        tpu.enqueue_indirect_dma source(%dma_start3A_302 : memref<10240x32xf32, #tpu.memory_space<hbm>>) target(%dma_start3A_296 : memref<128x32xf32, #tpu.memory_space<vmem>>) offsets(%dma_start3A_299 : memref<128xi32, #tpu.memory_space<vmem>>) semaphore(%arg15 : memref<!tpu.dma_semaphore, #tpu.memory_space<semaphore_mem>>)
        %mul3A_303 = arith.constant 4 : i32
        %mul3A_304 = arith.muli %add3A_257, %mul3A_303 : i32
        %add3A_305 = arith.constant 3 : i32
        %add3A_306 = arith.addi %mul3A_304, %add3A_305 : i32
        %dma_start3A_307 = arith.constant 3 : i32
        %dma_start3A_308 = arith.constant 0 : i32
        %dma_start3A_309 = arith.constant 0 : i32
        %dma_start3A_310 = tpu.memref_slice %arg12[%dma_start3A_307, %dma_start3A_308, %dma_start3A_309] : memref<4x128x32xf32, #tpu.memory_space<vmem>> -> memref<1x128x32xf32, #tpu.memory_space<vmem>>
        %dma_start3A_311 = tpu.memref_squeeze %dma_start3A_310 : memref<1x128x32xf32, #tpu.memory_space<vmem>> -> memref<128x32xf32, #tpu.memory_space<vmem>>
        %dma_start3A_312 = arith.constant 0 : i32
        %dma_start3A_313 = tpu.memref_slice %arg8[%add3A_306, %dma_start3A_312] : memref<80x128xi32, #tpu.memory_space<vmem>> -> memref<1x128xi32, #tpu.memory_space<vmem>>
        %dma_start3A_314 = tpu.memref_squeeze %dma_start3A_313 : memref<1x128xi32, #tpu.memory_space<vmem>> -> memref<128xi32, #tpu.memory_space<vmem>>
        %dma_start3A_315 = arith.constant 0 : i32
        %dma_start3A_316 = arith.constant 0 : i32
        %dma_start3A_317 = tpu.memref_slice %arg3[%dma_start3A_315, %dma_start3A_316] : memref<10240x32xf32, #tpu.memory_space<hbm>> -> memref<10240x32xf32, #tpu.memory_space<hbm>>
        tpu.enqueue_indirect_dma source(%dma_start3A_317 : memref<10240x32xf32, #tpu.memory_space<hbm>>) target(%dma_start3A_311 : memref<128x32xf32, #tpu.memory_space<vmem>>) offsets(%dma_start3A_314 : memref<128xi32, #tpu.memory_space<vmem>>) semaphore(%arg15 : memref<!tpu.dma_semaphore, #tpu.memory_space<semaphore_mem>>)
      } else {
      }
      %mul3A_192 = arith.constant 4 : i32
      %mul3A_193 = arith.muli %add3A_184, %mul3A_192 : i32
      %add3A_194 = arith.constant 0 : i32
      %add3A_195 = arith.addi %mul3A_193, %add3A_194 : i32
      %dma_wait3A_196 = arith.constant 0 : i32
      %dma_wait3A_197 = arith.constant 0 : i32
      %dma_wait3A_198 = arith.constant 0 : i32
      %dma_wait3A_199 = tpu.memref_slice %arg13[%dma_wait3A_196, %dma_wait3A_197, %dma_wait3A_198] : memref<4x128x32xf32, #tpu.memory_space<vmem>> -> memref<1x128x32xf32, #tpu.memory_space<vmem>>
      %dma_wait3A_200 = tpu.memref_squeeze %dma_wait3A_199 : memref<1x128x32xf32, #tpu.memory_space<vmem>> -> memref<128x32xf32, #tpu.memory_space<vmem>>
      %dma_wait3A_201 = arith.constant 0 : i32
      %dma_wait3A_202 = tpu.memref_slice %arg8[%add3A_195, %dma_wait3A_201] : memref<80x128xi32, #tpu.memory_space<vmem>> -> memref<1x128xi32, #tpu.memory_space<vmem>>
      %dma_wait3A_203 = tpu.memref_squeeze %dma_wait3A_202 : memref<1x128xi32, #tpu.memory_space<vmem>> -> memref<128xi32, #tpu.memory_space<vmem>>
      %dma_wait3A_204 = arith.constant 0 : i32
      %dma_wait3A_205 = arith.constant 0 : i32
      %dma_wait3A_206 = tpu.memref_slice %arg3[%dma_wait3A_204, %dma_wait3A_205] : memref<10240x32xf32, #tpu.memory_space<hbm>> -> memref<10240x32xf32, #tpu.memory_space<hbm>>
      tpu.wait_indirect_dma semaphore(%arg16 : memref<!tpu.dma_semaphore, #tpu.memory_space<semaphore_mem>>) src(%dma_wait3A_206 : memref<10240x32xf32, #tpu.memory_space<hbm>>) dst(%dma_wait3A_200 : memref<128x32xf32, #tpu.memory_space<vmem>>)
      %mul3A_207 = arith.constant 4 : i32
      %mul3A_208 = arith.muli %add3A_184, %mul3A_207 : i32
      %add3A_209 = arith.constant 1 : i32
      %add3A_210 = arith.addi %mul3A_208, %add3A_209 : i32
      %dma_wait3A_211 = arith.constant 1 : i32
      %dma_wait3A_212 = arith.constant 0 : i32
      %dma_wait3A_213 = arith.constant 0 : i32
      %dma_wait3A_214 = tpu.memref_slice %arg13[%dma_wait3A_211, %dma_wait3A_212, %dma_wait3A_213] : memref<4x128x32xf32, #tpu.memory_space<vmem>> -> memref<1x128x32xf32, #tpu.memory_space<vmem>>
      %dma_wait3A_215 = tpu.memref_squeeze %dma_wait3A_214 : memref<1x128x32xf32, #tpu.memory_space<vmem>> -> memref<128x32xf32, #tpu.memory_space<vmem>>
      %dma_wait3A_216 = arith.constant 0 : i32
      %dma_wait3A_217 = tpu.memref_slice %arg8[%add3A_210, %dma_wait3A_216] : memref<80x128xi32, #tpu.memory_space<vmem>> -> memref<1x128xi32, #tpu.memory_space<vmem>>
      %dma_wait3A_218 = tpu.memref_squeeze %dma_wait3A_217 : memref<1x128xi32, #tpu.memory_space<vmem>> -> memref<128xi32, #tpu.memory_space<vmem>>
      %dma_wait3A_219 = arith.constant 0 : i32
      %dma_wait3A_220 = arith.constant 0 : i32
      %dma_wait3A_221 = tpu.memref_slice %arg3[%dma_wait3A_219, %dma_wait3A_220] : memref<10240x32xf32, #tpu.memory_space<hbm>> -> memref<10240x32xf32, #tpu.memory_space<hbm>>
      tpu.wait_indirect_dma semaphore(%arg16 : memref<!tpu.dma_semaphore, #tpu.memory_space<semaphore_mem>>) src(%dma_wait3A_221 : memref<10240x32xf32, #tpu.memory_space<hbm>>) dst(%dma_wait3A_215 : memref<128x32xf32, #tpu.memory_space<vmem>>)
      %mul3A_222 = arith.constant 4 : i32
      %mul3A_223 = arith.muli %add3A_184, %mul3A_222 : i32
      %add3A_224 = arith.constant 2 : i32
      %add3A_225 = arith.addi %mul3A_223, %add3A_224 : i32
      %dma_wait3A_226 = arith.constant 2 : i32
      %dma_wait3A_227 = arith.constant 0 : i32
      %dma_wait3A_228 = arith.constant 0 : i32
      %dma_wait3A_229 = tpu.memref_slice %arg13[%dma_wait3A_226, %dma_wait3A_227, %dma_wait3A_228] : memref<4x128x32xf32, #tpu.memory_space<vmem>> -> memref<1x128x32xf32, #tpu.memory_space<vmem>>
      %dma_wait3A_230 = tpu.memref_squeeze %dma_wait3A_229 : memref<1x128x32xf32, #tpu.memory_space<vmem>> -> memref<128x32xf32, #tpu.memory_space<vmem>>
      %dma_wait3A_231 = arith.constant 0 : i32
      %dma_wait3A_232 = tpu.memref_slice %arg8[%add3A_225, %dma_wait3A_231] : memref<80x128xi32, #tpu.memory_space<vmem>> -> memref<1x128xi32, #tpu.memory_space<vmem>>
      %dma_wait3A_233 = tpu.memref_squeeze %dma_wait3A_232 : memref<1x128xi32, #tpu.memory_space<vmem>> -> memref<128xi32, #tpu.memory_space<vmem>>
      %dma_wait3A_234 = arith.constant 0 : i32
      %dma_wait3A_235 = arith.constant 0 : i32
      %dma_wait3A_236 = tpu.memref_slice %arg3[%dma_wait3A_234, %dma_wait3A_235] : memref<10240x32xf32, #tpu.memory_space<hbm>> -> memref<10240x32xf32, #tpu.memory_space<hbm>>
      tpu.wait_indirect_dma semaphore(%arg16 : memref<!tpu.dma_semaphore, #tpu.memory_space<semaphore_mem>>) src(%dma_wait3A_236 : memref<10240x32xf32, #tpu.memory_space<hbm>>) dst(%dma_wait3A_230 : memref<128x32xf32, #tpu.memory_space<vmem>>)
      %mul3A_237 = arith.constant 4 : i32
      %mul3A_238 = arith.muli %add3A_184, %mul3A_237 : i32
      %add3A_239 = arith.constant 3 : i32
      %add3A_240 = arith.addi %mul3A_238, %add3A_239 : i32
      %dma_wait3A_241 = arith.constant 3 : i32
      %dma_wait3A_242 = arith.constant 0 : i32
      %dma_wait3A_243 = arith.constant 0 : i32
      %dma_wait3A_244 = tpu.memref_slice %arg13[%dma_wait3A_241, %dma_wait3A_242, %dma_wait3A_243] : memref<4x128x32xf32, #tpu.memory_space<vmem>> -> memref<1x128x32xf32, #tpu.memory_space<vmem>>
      %dma_wait3A_245 = tpu.memref_squeeze %dma_wait3A_244 : memref<1x128x32xf32, #tpu.memory_space<vmem>> -> memref<128x32xf32, #tpu.memory_space<vmem>>
      %dma_wait3A_246 = arith.constant 0 : i32
      %dma_wait3A_247 = tpu.memref_slice %arg8[%add3A_240, %dma_wait3A_246] : memref<80x128xi32, #tpu.memory_space<vmem>> -> memref<1x128xi32, #tpu.memory_space<vmem>>
      %dma_wait3A_248 = tpu.memref_squeeze %dma_wait3A_247 : memref<1x128xi32, #tpu.memory_space<vmem>> -> memref<128xi32, #tpu.memory_space<vmem>>
      %dma_wait3A_249 = arith.constant 0 : i32
      %dma_wait3A_250 = arith.constant 0 : i32
      %dma_wait3A_251 = tpu.memref_slice %arg3[%dma_wait3A_249, %dma_wait3A_250] : memref<10240x32xf32, #tpu.memory_space<hbm>> -> memref<10240x32xf32, #tpu.memory_space<hbm>>
      tpu.wait_indirect_dma semaphore(%arg16 : memref<!tpu.dma_semaphore, #tpu.memory_space<semaphore_mem>>) src(%dma_wait3A_251 : memref<10240x32xf32, #tpu.memory_space<hbm>>) dst(%dma_wait3A_245 : memref<128x32xf32, #tpu.memory_space<vmem>>)
    }
    %scan3A_110 = arith.constant 10 : i32
    %barrier3A_111 = arith.constant 0 : index
    tpu.barrier barrier_id(%barrier3A_111)
    %run_scoped3A_112 = arith.constant 1 : i32
    "tpu.region"() ({
      %run_scoped3A_113 = tpu.sem_alloc : memref<!tpu.dma_semaphore, #tpu.memory_space<semaphore_mem>>
      %dma_start3A_114 = arith.constant 0 : i32
      %dma_start3A_115 = tpu.memref_slice %arg7[%arg0, %run_scoped3A_112, %mul3A_2, %dma_start3A_114] : memref<2x2x10240x64xf32, #tpu.memory_space<hbm>> -> memref<1x1x640x64xf32, #tpu.memory_space<hbm>>
      %dma_start3A_116 = tpu.memref_squeeze %dma_start3A_115 : memref<1x1x640x64xf32, #tpu.memory_space<hbm>> -> memref<640x64xf32, #tpu.memory_space<hbm>>
      %dma_start3A_117 = arith.constant 0 : i32
      %dma_start3A_118 = tpu.memref_slice %arg14[%mul3A_2, %dma_start3A_117] : memref<10240x64xf32, #tpu.memory_space<vmem_shared>> -> memref<640x64xf32, #tpu.memory_space<vmem_shared>>
      tpu.enqueue_dma source(%dma_start3A_118 : memref<640x64xf32, #tpu.memory_space<vmem_shared>>) target(%dma_start3A_116 : memref<640x64xf32, #tpu.memory_space<hbm>>) target_semaphore(%run_scoped3A_113 : memref<!tpu.dma_semaphore, #tpu.memory_space<semaphore_mem>>)
      %dma_wait3A = arith.constant 0 : i32
      %dma_wait3A_119 = tpu.memref_slice %arg7[%arg0, %run_scoped3A_112, %mul3A_2, %dma_wait3A] : memref<2x2x10240x64xf32, #tpu.memory_space<hbm>> -> memref<1x1x640x64xf32, #tpu.memory_space<hbm>>
      %dma_wait3A_120 = tpu.memref_squeeze %dma_wait3A_119 : memref<1x1x640x64xf32, #tpu.memory_space<hbm>> -> memref<640x64xf32, #tpu.memory_space<hbm>>
      %dma_wait3A_121 = arith.constant 0 : i32
      %dma_wait3A_122 = tpu.memref_slice %arg14[%mul3A_2, %dma_wait3A_121] : memref<10240x64xf32, #tpu.memory_space<vmem_shared>> -> memref<640x64xf32, #tpu.memory_space<vmem_shared>>
      tpu.wait_dma2 semaphore(%run_scoped3A_113 : memref<!tpu.dma_semaphore, #tpu.memory_space<semaphore_mem>>) src(%dma_wait3A_122 : memref<640x64xf32, #tpu.memory_space<vmem_shared>>) dst(%dma_wait3A_120 : memref<640x64xf32, #tpu.memory_space<hbm>>)
      tpu.yield
    }) : () -> ()
    return
  }
}

#map = affine_map<(d0, d1) -> (0, 0)>
#map1 = affine_map<(d0, d1) -> (0, 0, 0)>
#map2 = affine_map<(d0, d1) -> (0, 0, 0, 0)>
module attributes {stable_mosaic.version = 14 : i64} {
  func.func @_sc_body(%arg0: i32, %arg1: i32, %arg2: memref<10240x32xf32, #tpu.memory_space<hbm>>, %arg3: memref<10240x32xf32, #tpu.memory_space<hbm>>, %arg4: memref<32x80x128xi32, #tpu.memory_space<hbm>>, %arg5: memref<32x80x128xi32, #tpu.memory_space<hbm>>, %arg6: memref<640x64xf32, #tpu.memory_space<hbm>>, %arg7: memref<2x2x10240x64xf32, #tpu.memory_space<hbm>>, %arg8: memref<80x128xi32, #tpu.memory_space<vmem>>, %arg9: memref<80x128xi32, #tpu.memory_space<vmem>>, %arg10: memref<4x128x64xf32, #tpu.memory_space<vmem>>, %arg11: memref<4x128x64xf32, #tpu.memory_space<vmem>>, %arg12: memref<4x128x32xf32, #tpu.memory_space<vmem>>, %arg13: memref<4x128x32xf32, #tpu.memory_space<vmem>>, %arg14: memref<10240x64xf32, #tpu.memory_space<vmem_shared>>, %arg15: memref<!tpu.dma_semaphore, #tpu.memory_space<semaphore_mem>>, %arg16: memref<!tpu.dma_semaphore, #tpu.memory_space<semaphore_mem>>, %arg17: memref<!tpu.dma_semaphore, #tpu.memory_space<semaphore_mem>>, %arg18: memref<!tpu.dma_semaphore, #tpu.memory_space<semaphore_mem>>) attributes {dimension_semantics = [#tpu.dimension_semantics<core_parallel>, #tpu.dimension_semantics<subcore_parallel>], iteration_bounds = array<i64: 2, 16>, scalar_prefetch = 0 : i64, scratch_operands = 11 : i64, tpu.core_type = #tpu.core_type<sc_vector_subcore>, window_params = [{transform_indices = #map}, {transform_indices = #map}, {transform_indices = #map1}, {transform_indices = #map1}, {transform_indices = #map}, {transform_indices = #map2}]} {
    %mul3A = arith.constant 16 : i32
    %mul3A_0 = arith.muli %arg0, %mul3A : i32
    %add3A = arith.addi %mul3A_0, %arg1 : i32
    %mul3A_1 = arith.constant 640 : i32
    %mul3A_2 = arith.muli %arg1, %mul3A_1 : i32
    "tpu.region"() ({
      %run_scoped3A_113 = tpu.sem_alloc : memref<!tpu.dma_semaphore, #tpu.memory_space<semaphore_mem>>
      %dma_start3A_114 = arith.constant 0 : i32
      %dma_start3A_115 = arith.constant 0 : i32
      %dma_start3A_116 = tpu.memref_slice %arg4[%add3A, %dma_start3A_114, %dma_start3A_115] : memref<32x80x128xi32, #tpu.memory_space<hbm>> -> memref<1x80x128xi32, #tpu.memory_space<hbm>>
      %dma_start3A_117 = tpu.memref_squeeze %dma_start3A_116 : memref<1x80x128xi32, #tpu.memory_space<hbm>> -> memref<80x128xi32, #tpu.memory_space<hbm>>
      %dma_start3A_118 = arith.constant 0 : i32
      %dma_start3A_119 = arith.constant 0 : i32
      %dma_start3A_120 = tpu.memref_slice %arg4[%add3A, %dma_start3A_118, %dma_start3A_119] : memref<32x80x128xi32, #tpu.memory_space<hbm>> -> memref<1x80x128xi32, #tpu.memory_space<hbm>>
      %dma_start3A_121 = tpu.memref_squeeze %dma_start3A_120 : memref<1x80x128xi32, #tpu.memory_space<hbm>> -> memref<80x128xi32, #tpu.memory_space<hbm>>
      tpu.enqueue_dma source(%dma_start3A_121 : memref<80x128xi32, #tpu.memory_space<hbm>>) target(%arg8 : memref<80x128xi32, #tpu.memory_space<vmem>>) target_semaphore(%run_scoped3A_113 : memref<!tpu.dma_semaphore, #tpu.memory_space<semaphore_mem>>)
      %dma_wait3A = arith.constant 0 : i32
      %dma_wait3A_122 = arith.constant 0 : i32
      %dma_wait3A_123 = tpu.memref_slice %arg4[%add3A, %dma_wait3A, %dma_wait3A_122] : memref<32x80x128xi32, #tpu.memory_space<hbm>> -> memref<1x80x128xi32, #tpu.memory_space<hbm>>
      %dma_wait3A_124 = tpu.memref_squeeze %dma_wait3A_123 : memref<1x80x128xi32, #tpu.memory_space<hbm>> -> memref<80x128xi32, #tpu.memory_space<hbm>>
      %dma_wait3A_125 = arith.constant 0 : i32
      %dma_wait3A_126 = arith.constant 0 : i32
      %dma_wait3A_127 = tpu.memref_slice %arg4[%add3A, %dma_wait3A_125, %dma_wait3A_126] : memref<32x80x128xi32, #tpu.memory_space<hbm>> -> memref<1x80x128xi32, #tpu.memory_space<hbm>>
      %dma_wait3A_128 = tpu.memref_squeeze %dma_wait3A_127 : memref<1x80x128xi32, #tpu.memory_space<hbm>> -> memref<80x128xi32, #tpu.memory_space<hbm>>
      tpu.wait_dma2 semaphore(%run_scoped3A_113 : memref<!tpu.dma_semaphore, #tpu.memory_space<semaphore_mem>>) src(%dma_wait3A_128 : memref<80x128xi32, #tpu.memory_space<hbm>>) dst(%arg8 : memref<80x128xi32, #tpu.memory_space<vmem>>)
      tpu.yield
    }) : () -> ()
    "tpu.region"() ({
      %run_scoped3A_113 = tpu.sem_alloc : memref<!tpu.dma_semaphore, #tpu.memory_space<semaphore_mem>>
      %dma_start3A_114 = arith.constant 0 : i32
      %dma_start3A_115 = arith.constant 0 : i32
      %dma_start3A_116 = tpu.memref_slice %arg5[%add3A, %dma_start3A_114, %dma_start3A_115] : memref<32x80x128xi32, #tpu.memory_space<hbm>> -> memref<1x80x128xi32, #tpu.memory_space<hbm>>
      %dma_start3A_117 = tpu.memref_squeeze %dma_start3A_116 : memref<1x80x128xi32, #tpu.memory_space<hbm>> -> memref<80x128xi32, #tpu.memory_space<hbm>>
      %dma_start3A_118 = arith.constant 0 : i32
      %dma_start3A_119 = arith.constant 0 : i32
      %dma_start3A_120 = tpu.memref_slice %arg5[%add3A, %dma_start3A_118, %dma_start3A_119] : memref<32x80x128xi32, #tpu.memory_space<hbm>> -> memref<1x80x128xi32, #tpu.memory_space<hbm>>
      %dma_start3A_121 = tpu.memref_squeeze %dma_start3A_120 : memref<1x80x128xi32, #tpu.memory_space<hbm>> -> memref<80x128xi32, #tpu.memory_space<hbm>>
      tpu.enqueue_dma source(%dma_start3A_121 : memref<80x128xi32, #tpu.memory_space<hbm>>) target(%arg9 : memref<80x128xi32, #tpu.memory_space<vmem>>) target_semaphore(%run_scoped3A_113 : memref<!tpu.dma_semaphore, #tpu.memory_space<semaphore_mem>>)
      %dma_wait3A = arith.constant 0 : i32
      %dma_wait3A_122 = arith.constant 0 : i32
      %dma_wait3A_123 = tpu.memref_slice %arg5[%add3A, %dma_wait3A, %dma_wait3A_122] : memref<32x80x128xi32, #tpu.memory_space<hbm>> -> memref<1x80x128xi32, #tpu.memory_space<hbm>>
      %dma_wait3A_124 = tpu.memref_squeeze %dma_wait3A_123 : memref<1x80x128xi32, #tpu.memory_space<hbm>> -> memref<80x128xi32, #tpu.memory_space<hbm>>
      %dma_wait3A_125 = arith.constant 0 : i32
      %dma_wait3A_126 = arith.constant 0 : i32
      %dma_wait3A_127 = tpu.memref_slice %arg5[%add3A, %dma_wait3A_125, %dma_wait3A_126] : memref<32x80x128xi32, #tpu.memory_space<hbm>> -> memref<1x80x128xi32, #tpu.memory_space<hbm>>
      %dma_wait3A_128 = tpu.memref_squeeze %dma_wait3A_127 : memref<1x80x128xi32, #tpu.memory_space<hbm>> -> memref<80x128xi32, #tpu.memory_space<hbm>>
      tpu.wait_dma2 semaphore(%run_scoped3A_113 : memref<!tpu.dma_semaphore, #tpu.memory_space<semaphore_mem>>) src(%dma_wait3A_128 : memref<80x128xi32, #tpu.memory_space<hbm>>) dst(%arg9 : memref<80x128xi32, #tpu.memory_space<vmem>>)
      tpu.yield
    }) : () -> ()
    "tpu.region"() ({
      %run_scoped3A_113 = tpu.sem_alloc : memref<!tpu.dma_semaphore, #tpu.memory_space<semaphore_mem>>
      %dma_start3A_114 = arith.constant 0 : i32
      %dma_start3A_115 = tpu.memref_slice %arg14[%mul3A_2, %dma_start3A_114] : memref<10240x64xf32, #tpu.memory_space<vmem_shared>> -> memref<640x64xf32, #tpu.memory_space<vmem_shared>>
      tpu.enqueue_dma source(%arg6 : memref<640x64xf32, #tpu.memory_space<hbm>>) target(%dma_start3A_115 : memref<640x64xf32, #tpu.memory_space<vmem_shared>>) target_semaphore(%run_scoped3A_113 : memref<!tpu.dma_semaphore, #tpu.memory_space<semaphore_mem>>)
      %dma_wait3A = arith.constant 0 : i32
      %dma_wait3A_116 = tpu.memref_slice %arg14[%mul3A_2, %dma_wait3A] : memref<10240x64xf32, #tpu.memory_space<vmem_shared>> -> memref<640x64xf32, #tpu.memory_space<vmem_shared>>
      tpu.wait_dma2 semaphore(%run_scoped3A_113 : memref<!tpu.dma_semaphore, #tpu.memory_space<semaphore_mem>>) src(%arg6 : memref<640x64xf32, #tpu.memory_space<hbm>>) dst(%dma_wait3A_116 : memref<640x64xf32, #tpu.memory_space<vmem_shared>>)
      tpu.yield
    }) : () -> ()
    %barrier3A = arith.constant 0 : index
    tpu.barrier barrier_id(%barrier3A)
    %dma_start3A = arith.constant 0 : i32
    %dma_start3A_3 = arith.constant 0 : i32
    %dma_start3A_4 = arith.constant 0 : i32
    %dma_start3A_5 = arith.constant 0 : i32
    %dma_start3A_6 = tpu.memref_slice %arg12[%dma_start3A_3, %dma_start3A_4, %dma_start3A_5] : memref<4x128x32xf32, #tpu.memory_space<vmem>> -> memref<1x128x32xf32, #tpu.memory_space<vmem>>
    %dma_start3A_7 = tpu.memref_squeeze %dma_start3A_6 : memref<1x128x32xf32, #tpu.memory_space<vmem>> -> memref<128x32xf32, #tpu.memory_space<vmem>>
    %dma_start3A_8 = arith.constant 0 : i32
    %dma_start3A_9 = tpu.memref_slice %arg8[%dma_start3A, %dma_start3A_8] : memref<80x128xi32, #tpu.memory_space<vmem>> -> memref<1x128xi32, #tpu.memory_space<vmem>>
    %dma_start3A_10 = tpu.memref_squeeze %dma_start3A_9 : memref<1x128xi32, #tpu.memory_space<vmem>> -> memref<128xi32, #tpu.memory_space<vmem>>
    %dma_start3A_11 = arith.constant 0 : i32
    %dma_start3A_12 = arith.constant 0 : i32
    %dma_start3A_13 = tpu.memref_slice %arg2[%dma_start3A_11, %dma_start3A_12] : memref<10240x32xf32, #tpu.memory_space<hbm>> -> memref<10240x32xf32, #tpu.memory_space<hbm>>
    tpu.enqueue_indirect_dma source(%dma_start3A_13 : memref<10240x32xf32, #tpu.memory_space<hbm>>) target(%dma_start3A_7 : memref<128x32xf32, #tpu.memory_space<vmem>>) offsets(%dma_start3A_10 : memref<128xi32, #tpu.memory_space<vmem>>) semaphore(%arg15 : memref<!tpu.dma_semaphore, #tpu.memory_space<semaphore_mem>>)
    %dma_start3A_14 = arith.constant 1 : i32
    %dma_start3A_15 = arith.constant 1 : i32
    %dma_start3A_16 = arith.constant 0 : i32
    %dma_start3A_17 = arith.constant 0 : i32
    %dma_start3A_18 = tpu.memref_slice %arg12[%dma_start3A_15, %dma_start3A_16, %dma_start3A_17] : memref<4x128x32xf32, #tpu.memory_space<vmem>> -> memref<1x128x32xf32, #tpu.memory_space<vmem>>
    %dma_start3A_19 = tpu.memref_squeeze %dma_start3A_18 : memref<1x128x32xf32, #tpu.memory_space<vmem>> -> memref<128x32xf32, #tpu.memory_space<vmem>>
    %dma_start3A_20 = arith.constant 0 : i32
    %dma_start3A_21 = tpu.memref_slice %arg8[%dma_start3A_14, %dma_start3A_20] : memref<80x128xi32, #tpu.memory_space<vmem>> -> memref<1x128xi32, #tpu.memory_space<vmem>>
    %dma_start3A_22 = tpu.memref_squeeze %dma_start3A_21 : memref<1x128xi32, #tpu.memory_space<vmem>> -> memref<128xi32, #tpu.memory_space<vmem>>
    %dma_start3A_23 = arith.constant 0 : i32
    %dma_start3A_24 = arith.constant 0 : i32
    %dma_start3A_25 = tpu.memref_slice %arg2[%dma_start3A_23, %dma_start3A_24] : memref<10240x32xf32, #tpu.memory_space<hbm>> -> memref<10240x32xf32, #tpu.memory_space<hbm>>
    tpu.enqueue_indirect_dma source(%dma_start3A_25 : memref<10240x32xf32, #tpu.memory_space<hbm>>) target(%dma_start3A_19 : memref<128x32xf32, #tpu.memory_space<vmem>>) offsets(%dma_start3A_22 : memref<128xi32, #tpu.memory_space<vmem>>) semaphore(%arg15 : memref<!tpu.dma_semaphore, #tpu.memory_space<semaphore_mem>>)
    %dma_start3A_26 = arith.constant 2 : i32
    %dma_start3A_27 = arith.constant 2 : i32
    %dma_start3A_28 = arith.constant 0 : i32
    %dma_start3A_29 = arith.constant 0 : i32
    %dma_start3A_30 = tpu.memref_slice %arg12[%dma_start3A_27, %dma_start3A_28, %dma_start3A_29] : memref<4x128x32xf32, #tpu.memory_space<vmem>> -> memref<1x128x32xf32, #tpu.memory_space<vmem>>
    %dma_start3A_31 = tpu.memref_squeeze %dma_start3A_30 : memref<1x128x32xf32, #tpu.memory_space<vmem>> -> memref<128x32xf32, #tpu.memory_space<vmem>>
    %dma_start3A_32 = arith.constant 0 : i32
    %dma_start3A_33 = tpu.memref_slice %arg8[%dma_start3A_26, %dma_start3A_32] : memref<80x128xi32, #tpu.memory_space<vmem>> -> memref<1x128xi32, #tpu.memory_space<vmem>>
    %dma_start3A_34 = tpu.memref_squeeze %dma_start3A_33 : memref<1x128xi32, #tpu.memory_space<vmem>> -> memref<128xi32, #tpu.memory_space<vmem>>
    %dma_start3A_35 = arith.constant 0 : i32
    %dma_start3A_36 = arith.constant 0 : i32
    %dma_start3A_37 = tpu.memref_slice %arg2[%dma_start3A_35, %dma_start3A_36] : memref<10240x32xf32, #tpu.memory_space<hbm>> -> memref<10240x32xf32, #tpu.memory_space<hbm>>
    tpu.enqueue_indirect_dma source(%dma_start3A_37 : memref<10240x32xf32, #tpu.memory_space<hbm>>) target(%dma_start3A_31 : memref<128x32xf32, #tpu.memory_space<vmem>>) offsets(%dma_start3A_34 : memref<128xi32, #tpu.memory_space<vmem>>) semaphore(%arg15 : memref<!tpu.dma_semaphore, #tpu.memory_space<semaphore_mem>>)
    %dma_start3A_38 = arith.constant 3 : i32
    %dma_start3A_39 = arith.constant 3 : i32
    %dma_start3A_40 = arith.constant 0 : i32
    %dma_start3A_41 = arith.constant 0 : i32
    %dma_start3A_42 = tpu.memref_slice %arg12[%dma_start3A_39, %dma_start3A_40, %dma_start3A_41] : memref<4x128x32xf32, #tpu.memory_space<vmem>> -> memref<1x128x32xf32, #tpu.memory_space<vmem>>
    %dma_start3A_43 = tpu.memref_squeeze %dma_start3A_42 : memref<1x128x32xf32, #tpu.memory_space<vmem>> -> memref<128x32xf32, #tpu.memory_space<vmem>>
    %dma_start3A_44 = arith.constant 0 : i32
    %dma_start3A_45 = tpu.memref_slice %arg8[%dma_start3A_38, %dma_start3A_44] : memref<80x128xi32, #tpu.memory_space<vmem>> -> memref<1x128xi32, #tpu.memory_space<vmem>>
    %dma_start3A_46 = tpu.memref_squeeze %dma_start3A_45 : memref<1x128xi32, #tpu.memory_space<vmem>> -> memref<128xi32, #tpu.memory_space<vmem>>
    %dma_start3A_47 = arith.constant 0 : i32
    %dma_start3A_48 = arith.constant 0 : i32
    %dma_start3A_49 = tpu.memref_slice %arg2[%dma_start3A_47, %dma_start3A_48] : memref<10240x32xf32, #tpu.memory_space<hbm>> -> memref<10240x32xf32, #tpu.memory_space<hbm>>
    tpu.enqueue_indirect_dma source(%dma_start3A_49 : memref<10240x32xf32, #tpu.memory_space<hbm>>) target(%dma_start3A_43 : memref<128x32xf32, #tpu.memory_space<vmem>>) offsets(%dma_start3A_46 : memref<128xi32, #tpu.memory_space<vmem>>) semaphore(%arg15 : memref<!tpu.dma_semaphore, #tpu.memory_space<semaphore_mem>>)
    %scan3A = arith.constant 0 : i32
    %scan3A_50 = arith.constant 0 : i32
    %scan3A_51 = arith.constant 10 : i32
    %scan3A_52 = arith.addi %scan3A_50, %scan3A_51 : i32
    %scan3A_53 = arith.constant 1 : i32
    scf.for %scan3A_113 = %scan3A_50 to %scan3A_52 step %scan3A_53  : i32 {
      %mul3A_114 = arith.constant 2 : i32
      %mul3A_115 = arith.muli %scan3A_113, %mul3A_114 : i32
      %add3A_116 = arith.constant 0 : i32
      %add3A_117 = arith.addi %mul3A_115, %add3A_116 : i32
      %add3A_118 = arith.constant 1 : i32
      %add3A_119 = arith.addi %add3A_117, %add3A_118 : i32
      %lt3A = arith.constant 20 : i32
      %lt3A_120 = arith.cmpi slt, %add3A_119, %lt3A : i32
      %convert_element_type3A = arith.extui %lt3A_120 : i1 to i32
      %cond3A = arith.constant 0 : i32
      %cond3A_121 = arith.cmpi ne, %convert_element_type3A, %cond3A : i32
      scf.if %cond3A_121 {
        %ge3A = arith.constant 1 : i32
        %ge3A_252 = arith.cmpi sge, %add3A_117, %ge3A : i32
        %convert_element_type3A_253 = arith.extui %ge3A_252 : i1 to i32
        %cond3A_254 = arith.constant 0 : i32
        %cond3A_255 = arith.cmpi ne, %convert_element_type3A_253, %cond3A_254 : i32
        scf.if %cond3A_255 {
          %sub3A = arith.constant 1 : i32
          %sub3A_318 = arith.subi %add3A_117, %sub3A : i32
        } else {
        }
        %add3A_256 = arith.constant 1 : i32
        %add3A_257 = arith.addi %add3A_117, %add3A_256 : i32
        %mul3A_258 = arith.constant 4 : i32
        %mul3A_259 = arith.muli %add3A_257, %mul3A_258 : i32
        %add3A_260 = arith.constant 0 : i32
        %add3A_261 = arith.addi %mul3A_259, %add3A_260 : i32
        %dma_start3A_262 = arith.constant 0 : i32
        %dma_start3A_263 = arith.constant 0 : i32
        %dma_start3A_264 = arith.constant 0 : i32
        %dma_start3A_265 = tpu.memref_slice %arg13[%dma_start3A_262, %dma_start3A_263, %dma_start3A_264] : memref<4x128x32xf32, #tpu.memory_space<vmem>> -> memref<1x128x32xf32, #tpu.memory_space<vmem>>
        %dma_start3A_266 = tpu.memref_squeeze %dma_start3A_265 : memref<1x128x32xf32, #tpu.memory_space<vmem>> -> memref<128x32xf32, #tpu.memory_space<vmem>>
        %dma_start3A_267 = arith.constant 0 : i32
        %dma_start3A_268 = tpu.memref_slice %arg8[%add3A_261, %dma_start3A_267] : memref<80x128xi32, #tpu.memory_space<vmem>> -> memref<1x128xi32, #tpu.memory_space<vmem>>
        %dma_start3A_269 = tpu.memref_squeeze %dma_start3A_268 : memref<1x128xi32, #tpu.memory_space<vmem>> -> memref<128xi32, #tpu.memory_space<vmem>>
        %dma_start3A_270 = arith.constant 0 : i32
        %dma_start3A_271 = arith.constant 0 : i32
        %dma_start3A_272 = tpu.memref_slice %arg2[%dma_start3A_270, %dma_start3A_271] : memref<10240x32xf32, #tpu.memory_space<hbm>> -> memref<10240x32xf32, #tpu.memory_space<hbm>>
        tpu.enqueue_indirect_dma source(%dma_start3A_272 : memref<10240x32xf32, #tpu.memory_space<hbm>>) target(%dma_start3A_266 : memref<128x32xf32, #tpu.memory_space<vmem>>) offsets(%dma_start3A_269 : memref<128xi32, #tpu.memory_space<vmem>>) semaphore(%arg16 : memref<!tpu.dma_semaphore, #tpu.memory_space<semaphore_mem>>)
        %mul3A_273 = arith.constant 4 : i32
        %mul3A_274 = arith.muli %add3A_257, %mul3A_273 : i32
        %add3A_275 = arith.constant 1 : i32
        %add3A_276 = arith.addi %mul3A_274, %add3A_275 : i32
        %dma_start3A_277 = arith.constant 1 : i32
        %dma_start3A_278 = arith.constant 0 : i32
        %dma_start3A_279 = arith.constant 0 : i32
        %dma_start3A_280 = tpu.memref_slice %arg13[%dma_start3A_277, %dma_start3A_278, %dma_start3A_279] : memref<4x128x32xf32, #tpu.memory_space<vmem>> -> memref<1x128x32xf32, #tpu.memory_space<vmem>>
        %dma_start3A_281 = tpu.memref_squeeze %dma_start3A_280 : memref<1x128x32xf32, #tpu.memory_space<vmem>> -> memref<128x32xf32, #tpu.memory_space<vmem>>
        %dma_start3A_282 = arith.constant 0 : i32
        %dma_start3A_283 = tpu.memref_slice %arg8[%add3A_276, %dma_start3A_282] : memref<80x128xi32, #tpu.memory_space<vmem>> -> memref<1x128xi32, #tpu.memory_space<vmem>>
        %dma_start3A_284 = tpu.memref_squeeze %dma_start3A_283 : memref<1x128xi32, #tpu.memory_space<vmem>> -> memref<128xi32, #tpu.memory_space<vmem>>
        %dma_start3A_285 = arith.constant 0 : i32
        %dma_start3A_286 = arith.constant 0 : i32
        %dma_start3A_287 = tpu.memref_slice %arg2[%dma_start3A_285, %dma_start3A_286] : memref<10240x32xf32, #tpu.memory_space<hbm>> -> memref<10240x32xf32, #tpu.memory_space<hbm>>
        tpu.enqueue_indirect_dma source(%dma_start3A_287 : memref<10240x32xf32, #tpu.memory_space<hbm>>) target(%dma_start3A_281 : memref<128x32xf32, #tpu.memory_space<vmem>>) offsets(%dma_start3A_284 : memref<128xi32, #tpu.memory_space<vmem>>) semaphore(%arg16 : memref<!tpu.dma_semaphore, #tpu.memory_space<semaphore_mem>>)
        %mul3A_288 = arith.constant 4 : i32
        %mul3A_289 = arith.muli %add3A_257, %mul3A_288 : i32
        %add3A_290 = arith.constant 2 : i32
        %add3A_291 = arith.addi %mul3A_289, %add3A_290 : i32
        %dma_start3A_292 = arith.constant 2 : i32
        %dma_start3A_293 = arith.constant 0 : i32
        %dma_start3A_294 = arith.constant 0 : i32
        %dma_start3A_295 = tpu.memref_slice %arg13[%dma_start3A_292, %dma_start3A_293, %dma_start3A_294] : memref<4x128x32xf32, #tpu.memory_space<vmem>> -> memref<1x128x32xf32, #tpu.memory_space<vmem>>
        %dma_start3A_296 = tpu.memref_squeeze %dma_start3A_295 : memref<1x128x32xf32, #tpu.memory_space<vmem>> -> memref<128x32xf32, #tpu.memory_space<vmem>>
        %dma_start3A_297 = arith.constant 0 : i32
        %dma_start3A_298 = tpu.memref_slice %arg8[%add3A_291, %dma_start3A_297] : memref<80x128xi32, #tpu.memory_space<vmem>> -> memref<1x128xi32, #tpu.memory_space<vmem>>
        %dma_start3A_299 = tpu.memref_squeeze %dma_start3A_298 : memref<1x128xi32, #tpu.memory_space<vmem>> -> memref<128xi32, #tpu.memory_space<vmem>>
        %dma_start3A_300 = arith.constant 0 : i32
        %dma_start3A_301 = arith.constant 0 : i32
        %dma_start3A_302 = tpu.memref_slice %arg2[%dma_start3A_300, %dma_start3A_301] : memref<10240x32xf32, #tpu.memory_space<hbm>> -> memref<10240x32xf32, #tpu.memory_space<hbm>>
        tpu.enqueue_indirect_dma source(%dma_start3A_302 : memref<10240x32xf32, #tpu.memory_space<hbm>>) target(%dma_start3A_296 : memref<128x32xf32, #tpu.memory_space<vmem>>) offsets(%dma_start3A_299 : memref<128xi32, #tpu.memory_space<vmem>>) semaphore(%arg16 : memref<!tpu.dma_semaphore, #tpu.memory_space<semaphore_mem>>)
        %mul3A_303 = arith.constant 4 : i32
        %mul3A_304 = arith.muli %add3A_257, %mul3A_303 : i32
        %add3A_305 = arith.constant 3 : i32
        %add3A_306 = arith.addi %mul3A_304, %add3A_305 : i32
        %dma_start3A_307 = arith.constant 3 : i32
        %dma_start3A_308 = arith.constant 0 : i32
        %dma_start3A_309 = arith.constant 0 : i32
        %dma_start3A_310 = tpu.memref_slice %arg13[%dma_start3A_307, %dma_start3A_308, %dma_start3A_309] : memref<4x128x32xf32, #tpu.memory_space<vmem>> -> memref<1x128x32xf32, #tpu.memory_space<vmem>>
        %dma_start3A_311 = tpu.memref_squeeze %dma_start3A_310 : memref<1x128x32xf32, #tpu.memory_space<vmem>> -> memref<128x32xf32, #tpu.memory_space<vmem>>
        %dma_start3A_312 = arith.constant 0 : i32
        %dma_start3A_313 = tpu.memref_slice %arg8[%add3A_306, %dma_start3A_312] : memref<80x128xi32, #tpu.memory_space<vmem>> -> memref<1x128xi32, #tpu.memory_space<vmem>>
        %dma_start3A_314 = tpu.memref_squeeze %dma_start3A_313 : memref<1x128xi32, #tpu.memory_space<vmem>> -> memref<128xi32, #tpu.memory_space<vmem>>
        %dma_start3A_315 = arith.constant 0 : i32
        %dma_start3A_316 = arith.constant 0 : i32
        %dma_start3A_317 = tpu.memref_slice %arg2[%dma_start3A_315, %dma_start3A_316] : memref<10240x32xf32, #tpu.memory_space<hbm>> -> memref<10240x32xf32, #tpu.memory_space<hbm>>
        tpu.enqueue_indirect_dma source(%dma_start3A_317 : memref<10240x32xf32, #tpu.memory_space<hbm>>) target(%dma_start3A_311 : memref<128x32xf32, #tpu.memory_space<vmem>>) offsets(%dma_start3A_314 : memref<128xi32, #tpu.memory_space<vmem>>) semaphore(%arg16 : memref<!tpu.dma_semaphore, #tpu.memory_space<semaphore_mem>>)
      } else {
      }
      %mul3A_122 = arith.constant 4 : i32
      %mul3A_123 = arith.muli %add3A_117, %mul3A_122 : i32
      %add3A_124 = arith.constant 0 : i32
      %add3A_125 = arith.addi %mul3A_123, %add3A_124 : i32
      %dma_wait3A = arith.constant 0 : i32
      %dma_wait3A_126 = arith.constant 0 : i32
      %dma_wait3A_127 = arith.constant 0 : i32
      %dma_wait3A_128 = tpu.memref_slice %arg12[%dma_wait3A, %dma_wait3A_126, %dma_wait3A_127] : memref<4x128x32xf32, #tpu.memory_space<vmem>> -> memref<1x128x32xf32, #tpu.memory_space<vmem>>
      %dma_wait3A_129 = tpu.memref_squeeze %dma_wait3A_128 : memref<1x128x32xf32, #tpu.memory_space<vmem>> -> memref<128x32xf32, #tpu.memory_space<vmem>>
      %dma_wait3A_130 = arith.constant 0 : i32
      %dma_wait3A_131 = tpu.memref_slice %arg8[%add3A_125, %dma_wait3A_130] : memref<80x128xi32, #tpu.memory_space<vmem>> -> memref<1x128xi32, #tpu.memory_space<vmem>>
      %dma_wait3A_132 = tpu.memref_squeeze %dma_wait3A_131 : memref<1x128xi32, #tpu.memory_space<vmem>> -> memref<128xi32, #tpu.memory_space<vmem>>
      %dma_wait3A_133 = arith.constant 0 : i32
      %dma_wait3A_134 = arith.constant 0 : i32
      %dma_wait3A_135 = tpu.memref_slice %arg2[%dma_wait3A_133, %dma_wait3A_134] : memref<10240x32xf32, #tpu.memory_space<hbm>> -> memref<10240x32xf32, #tpu.memory_space<hbm>>
      tpu.wait_indirect_dma semaphore(%arg15 : memref<!tpu.dma_semaphore, #tpu.memory_space<semaphore_mem>>) src(%dma_wait3A_135 : memref<10240x32xf32, #tpu.memory_space<hbm>>) dst(%dma_wait3A_129 : memref<128x32xf32, #tpu.memory_space<vmem>>)
      %mul3A_136 = arith.constant 4 : i32
      %mul3A_137 = arith.muli %add3A_117, %mul3A_136 : i32
      %add3A_138 = arith.constant 1 : i32
      %add3A_139 = arith.addi %mul3A_137, %add3A_138 : i32
      %dma_wait3A_140 = arith.constant 1 : i32
      %dma_wait3A_141 = arith.constant 0 : i32
      %dma_wait3A_142 = arith.constant 0 : i32
      %dma_wait3A_143 = tpu.memref_slice %arg12[%dma_wait3A_140, %dma_wait3A_141, %dma_wait3A_142] : memref<4x128x32xf32, #tpu.memory_space<vmem>> -> memref<1x128x32xf32, #tpu.memory_space<vmem>>
      %dma_wait3A_144 = tpu.memref_squeeze %dma_wait3A_143 : memref<1x128x32xf32, #tpu.memory_space<vmem>> -> memref<128x32xf32, #tpu.memory_space<vmem>>
      %dma_wait3A_145 = arith.constant 0 : i32
      %dma_wait3A_146 = tpu.memref_slice %arg8[%add3A_139, %dma_wait3A_145] : memref<80x128xi32, #tpu.memory_space<vmem>> -> memref<1x128xi32, #tpu.memory_space<vmem>>
      %dma_wait3A_147 = tpu.memref_squeeze %dma_wait3A_146 : memref<1x128xi32, #tpu.memory_space<vmem>> -> memref<128xi32, #tpu.memory_space<vmem>>
      %dma_wait3A_148 = arith.constant 0 : i32
      %dma_wait3A_149 = arith.constant 0 : i32
      %dma_wait3A_150 = tpu.memref_slice %arg2[%dma_wait3A_148, %dma_wait3A_149] : memref<10240x32xf32, #tpu.memory_space<hbm>> -> memref<10240x32xf32, #tpu.memory_space<hbm>>
      tpu.wait_indirect_dma semaphore(%arg15 : memref<!tpu.dma_semaphore, #tpu.memory_space<semaphore_mem>>) src(%dma_wait3A_150 : memref<10240x32xf32, #tpu.memory_space<hbm>>) dst(%dma_wait3A_144 : memref<128x32xf32, #tpu.memory_space<vmem>>)
      %mul3A_151 = arith.constant 4 : i32
      %mul3A_152 = arith.muli %add3A_117, %mul3A_151 : i32
      %add3A_153 = arith.constant 2 : i32
      %add3A_154 = arith.addi %mul3A_152, %add3A_153 : i32
      %dma_wait3A_155 = arith.constant 2 : i32
      %dma_wait3A_156 = arith.constant 0 : i32
      %dma_wait3A_157 = arith.constant 0 : i32
      %dma_wait3A_158 = tpu.memref_slice %arg12[%dma_wait3A_155, %dma_wait3A_156, %dma_wait3A_157] : memref<4x128x32xf32, #tpu.memory_space<vmem>> -> memref<1x128x32xf32, #tpu.memory_space<vmem>>
      %dma_wait3A_159 = tpu.memref_squeeze %dma_wait3A_158 : memref<1x128x32xf32, #tpu.memory_space<vmem>> -> memref<128x32xf32, #tpu.memory_space<vmem>>
      %dma_wait3A_160 = arith.constant 0 : i32
      %dma_wait3A_161 = tpu.memref_slice %arg8[%add3A_154, %dma_wait3A_160] : memref<80x128xi32, #tpu.memory_space<vmem>> -> memref<1x128xi32, #tpu.memory_space<vmem>>
      %dma_wait3A_162 = tpu.memref_squeeze %dma_wait3A_161 : memref<1x128xi32, #tpu.memory_space<vmem>> -> memref<128xi32, #tpu.memory_space<vmem>>
      %dma_wait3A_163 = arith.constant 0 : i32
      %dma_wait3A_164 = arith.constant 0 : i32
      %dma_wait3A_165 = tpu.memref_slice %arg2[%dma_wait3A_163, %dma_wait3A_164] : memref<10240x32xf32, #tpu.memory_space<hbm>> -> memref<10240x32xf32, #tpu.memory_space<hbm>>
      tpu.wait_indirect_dma semaphore(%arg15 : memref<!tpu.dma_semaphore, #tpu.memory_space<semaphore_mem>>) src(%dma_wait3A_165 : memref<10240x32xf32, #tpu.memory_space<hbm>>) dst(%dma_wait3A_159 : memref<128x32xf32, #tpu.memory_space<vmem>>)
      %mul3A_166 = arith.constant 4 : i32
      %mul3A_167 = arith.muli %add3A_117, %mul3A_166 : i32
      %add3A_168 = arith.constant 3 : i32
      %add3A_169 = arith.addi %mul3A_167, %add3A_168 : i32
      %dma_wait3A_170 = arith.constant 3 : i32
      %dma_wait3A_171 = arith.constant 0 : i32
      %dma_wait3A_172 = arith.constant 0 : i32
      %dma_wait3A_173 = tpu.memref_slice %arg12[%dma_wait3A_170, %dma_wait3A_171, %dma_wait3A_172] : memref<4x128x32xf32, #tpu.memory_space<vmem>> -> memref<1x128x32xf32, #tpu.memory_space<vmem>>
      %dma_wait3A_174 = tpu.memref_squeeze %dma_wait3A_173 : memref<1x128x32xf32, #tpu.memory_space<vmem>> -> memref<128x32xf32, #tpu.memory_space<vmem>>
      %dma_wait3A_175 = arith.constant 0 : i32
      %dma_wait3A_176 = tpu.memref_slice %arg8[%add3A_169, %dma_wait3A_175] : memref<80x128xi32, #tpu.memory_space<vmem>> -> memref<1x128xi32, #tpu.memory_space<vmem>>
      %dma_wait3A_177 = tpu.memref_squeeze %dma_wait3A_176 : memref<1x128xi32, #tpu.memory_space<vmem>> -> memref<128xi32, #tpu.memory_space<vmem>>
      %dma_wait3A_178 = arith.constant 0 : i32
      %dma_wait3A_179 = arith.constant 0 : i32
      %dma_wait3A_180 = tpu.memref_slice %arg2[%dma_wait3A_178, %dma_wait3A_179] : memref<10240x32xf32, #tpu.memory_space<hbm>> -> memref<10240x32xf32, #tpu.memory_space<hbm>>
      tpu.wait_indirect_dma semaphore(%arg15 : memref<!tpu.dma_semaphore, #tpu.memory_space<semaphore_mem>>) src(%dma_wait3A_180 : memref<10240x32xf32, #tpu.memory_space<hbm>>) dst(%dma_wait3A_174 : memref<128x32xf32, #tpu.memory_space<vmem>>)
      %mul3A_181 = arith.constant 2 : i32
      %mul3A_182 = arith.muli %scan3A_113, %mul3A_181 : i32
      %add3A_183 = arith.constant 1 : i32
      %add3A_184 = arith.addi %mul3A_182, %add3A_183 : i32
      %add3A_185 = arith.constant 1 : i32
      %add3A_186 = arith.addi %add3A_184, %add3A_185 : i32
      %lt3A_187 = arith.constant 20 : i32
      %lt3A_188 = arith.cmpi slt, %add3A_186, %lt3A_187 : i32
      %convert_element_type3A_189 = arith.extui %lt3A_188 : i1 to i32
      %cond3A_190 = arith.constant 0 : i32
      %cond3A_191 = arith.cmpi ne, %convert_element_type3A_189, %cond3A_190 : i32
      scf.if %cond3A_191 {
        %ge3A = arith.constant 1 : i32
        %ge3A_252 = arith.cmpi sge, %add3A_184, %ge3A : i32
        %convert_element_type3A_253 = arith.extui %ge3A_252 : i1 to i32
        %cond3A_254 = arith.constant 0 : i32
        %cond3A_255 = arith.cmpi ne, %convert_element_type3A_253, %cond3A_254 : i32
        scf.if %cond3A_255 {
          %sub3A = arith.constant 1 : i32
          %sub3A_318 = arith.subi %add3A_184, %sub3A : i32
        } else {
        }
        %add3A_256 = arith.constant 1 : i32
        %add3A_257 = arith.addi %add3A_184, %add3A_256 : i32
        %mul3A_258 = arith.constant 4 : i32
        %mul3A_259 = arith.muli %add3A_257, %mul3A_258 : i32
        %add3A_260 = arith.constant 0 : i32
        %add3A_261 = arith.addi %mul3A_259, %add3A_260 : i32
        %dma_start3A_262 = arith.constant 0 : i32
        %dma_start3A_263 = arith.constant 0 : i32
        %dma_start3A_264 = arith.constant 0 : i32
        %dma_start3A_265 = tpu.memref_slice %arg12[%dma_start3A_262, %dma_start3A_263, %dma_start3A_264] : memref<4x128x32xf32, #tpu.memory_space<vmem>> -> memref<1x128x32xf32, #tpu.memory_space<vmem>>
        %dma_start3A_266 = tpu.memref_squeeze %dma_start3A_265 : memref<1x128x32xf32, #tpu.memory_space<vmem>> -> memref<128x32xf32, #tpu.memory_space<vmem>>
        %dma_start3A_267 = arith.constant 0 : i32
        %dma_start3A_268 = tpu.memref_slice %arg8[%add3A_261, %dma_start3A_267] : memref<80x128xi32, #tpu.memory_space<vmem>> -> memref<1x128xi32, #tpu.memory_space<vmem>>
        %dma_start3A_269 = tpu.memref_squeeze %dma_start3A_268 : memref<1x128xi32, #tpu.memory_space<vmem>> -> memref<128xi32, #tpu.memory_space<vmem>>
        %dma_start3A_270 = arith.constant 0 : i32
        %dma_start3A_271 = arith.constant 0 : i32
        %dma_start3A_272 = tpu.memref_slice %arg2[%dma_start3A_270, %dma_start3A_271] : memref<10240x32xf32, #tpu.memory_space<hbm>> -> memref<10240x32xf32, #tpu.memory_space<hbm>>
        tpu.enqueue_indirect_dma source(%dma_start3A_272 : memref<10240x32xf32, #tpu.memory_space<hbm>>) target(%dma_start3A_266 : memref<128x32xf32, #tpu.memory_space<vmem>>) offsets(%dma_start3A_269 : memref<128xi32, #tpu.memory_space<vmem>>) semaphore(%arg15 : memref<!tpu.dma_semaphore, #tpu.memory_space<semaphore_mem>>)
        %mul3A_273 = arith.constant 4 : i32
        %mul3A_274 = arith.muli %add3A_257, %mul3A_273 : i32
        %add3A_275 = arith.constant 1 : i32
        %add3A_276 = arith.addi %mul3A_274, %add3A_275 : i32
        %dma_start3A_277 = arith.constant 1 : i32
        %dma_start3A_278 = arith.constant 0 : i32
        %dma_start3A_279 = arith.constant 0 : i32
        %dma_start3A_280 = tpu.memref_slice %arg12[%dma_start3A_277, %dma_start3A_278, %dma_start3A_279] : memref<4x128x32xf32, #tpu.memory_space<vmem>> -> memref<1x128x32xf32, #tpu.memory_space<vmem>>
        %dma_start3A_281 = tpu.memref_squeeze %dma_start3A_280 : memref<1x128x32xf32, #tpu.memory_space<vmem>> -> memref<128x32xf32, #tpu.memory_space<vmem>>
        %dma_start3A_282 = arith.constant 0 : i32
        %dma_start3A_283 = tpu.memref_slice %arg8[%add3A_276, %dma_start3A_282] : memref<80x128xi32, #tpu.memory_space<vmem>> -> memref<1x128xi32, #tpu.memory_space<vmem>>
        %dma_start3A_284 = tpu.memref_squeeze %dma_start3A_283 : memref<1x128xi32, #tpu.memory_space<vmem>> -> memref<128xi32, #tpu.memory_space<vmem>>
        %dma_start3A_285 = arith.constant 0 : i32
        %dma_start3A_286 = arith.constant 0 : i32
        %dma_start3A_287 = tpu.memref_slice %arg2[%dma_start3A_285, %dma_start3A_286] : memref<10240x32xf32, #tpu.memory_space<hbm>> -> memref<10240x32xf32, #tpu.memory_space<hbm>>
        tpu.enqueue_indirect_dma source(%dma_start3A_287 : memref<10240x32xf32, #tpu.memory_space<hbm>>) target(%dma_start3A_281 : memref<128x32xf32, #tpu.memory_space<vmem>>) offsets(%dma_start3A_284 : memref<128xi32, #tpu.memory_space<vmem>>) semaphore(%arg15 : memref<!tpu.dma_semaphore, #tpu.memory_space<semaphore_mem>>)
        %mul3A_288 = arith.constant 4 : i32
        %mul3A_289 = arith.muli %add3A_257, %mul3A_288 : i32
        %add3A_290 = arith.constant 2 : i32
        %add3A_291 = arith.addi %mul3A_289, %add3A_290 : i32
        %dma_start3A_292 = arith.constant 2 : i32
        %dma_start3A_293 = arith.constant 0 : i32
        %dma_start3A_294 = arith.constant 0 : i32
        %dma_start3A_295 = tpu.memref_slice %arg12[%dma_start3A_292, %dma_start3A_293, %dma_start3A_294] : memref<4x128x32xf32, #tpu.memory_space<vmem>> -> memref<1x128x32xf32, #tpu.memory_space<vmem>>
        %dma_start3A_296 = tpu.memref_squeeze %dma_start3A_295 : memref<1x128x32xf32, #tpu.memory_space<vmem>> -> memref<128x32xf32, #tpu.memory_space<vmem>>
        %dma_start3A_297 = arith.constant 0 : i32
        %dma_start3A_298 = tpu.memref_slice %arg8[%add3A_291, %dma_start3A_297] : memref<80x128xi32, #tpu.memory_space<vmem>> -> memref<1x128xi32, #tpu.memory_space<vmem>>
        %dma_start3A_299 = tpu.memref_squeeze %dma_start3A_298 : memref<1x128xi32, #tpu.memory_space<vmem>> -> memref<128xi32, #tpu.memory_space<vmem>>
        %dma_start3A_300 = arith.constant 0 : i32
        %dma_start3A_301 = arith.constant 0 : i32
        %dma_start3A_302 = tpu.memref_slice %arg2[%dma_start3A_300, %dma_start3A_301] : memref<10240x32xf32, #tpu.memory_space<hbm>> -> memref<10240x32xf32, #tpu.memory_space<hbm>>
        tpu.enqueue_indirect_dma source(%dma_start3A_302 : memref<10240x32xf32, #tpu.memory_space<hbm>>) target(%dma_start3A_296 : memref<128x32xf32, #tpu.memory_space<vmem>>) offsets(%dma_start3A_299 : memref<128xi32, #tpu.memory_space<vmem>>) semaphore(%arg15 : memref<!tpu.dma_semaphore, #tpu.memory_space<semaphore_mem>>)
        %mul3A_303 = arith.constant 4 : i32
        %mul3A_304 = arith.muli %add3A_257, %mul3A_303 : i32
        %add3A_305 = arith.constant 3 : i32
        %add3A_306 = arith.addi %mul3A_304, %add3A_305 : i32
        %dma_start3A_307 = arith.constant 3 : i32
        %dma_start3A_308 = arith.constant 0 : i32
        %dma_start3A_309 = arith.constant 0 : i32
        %dma_start3A_310 = tpu.memref_slice %arg12[%dma_start3A_307, %dma_start3A_308, %dma_start3A_309] : memref<4x128x32xf32, #tpu.memory_space<vmem>> -> memref<1x128x32xf32, #tpu.memory_space<vmem>>
        %dma_start3A_311 = tpu.memref_squeeze %dma_start3A_310 : memref<1x128x32xf32, #tpu.memory_space<vmem>> -> memref<128x32xf32, #tpu.memory_space<vmem>>
        %dma_start3A_312 = arith.constant 0 : i32
        %dma_start3A_313 = tpu.memref_slice %arg8[%add3A_306, %dma_start3A_312] : memref<80x128xi32, #tpu.memory_space<vmem>> -> memref<1x128xi32, #tpu.memory_space<vmem>>
        %dma_start3A_314 = tpu.memref_squeeze %dma_start3A_313 : memref<1x128xi32, #tpu.memory_space<vmem>> -> memref<128xi32, #tpu.memory_space<vmem>>
        %dma_start3A_315 = arith.constant 0 : i32
        %dma_start3A_316 = arith.constant 0 : i32
        %dma_start3A_317 = tpu.memref_slice %arg2[%dma_start3A_315, %dma_start3A_316] : memref<10240x32xf32, #tpu.memory_space<hbm>> -> memref<10240x32xf32, #tpu.memory_space<hbm>>
        tpu.enqueue_indirect_dma source(%dma_start3A_317 : memref<10240x32xf32, #tpu.memory_space<hbm>>) target(%dma_start3A_311 : memref<128x32xf32, #tpu.memory_space<vmem>>) offsets(%dma_start3A_314 : memref<128xi32, #tpu.memory_space<vmem>>) semaphore(%arg15 : memref<!tpu.dma_semaphore, #tpu.memory_space<semaphore_mem>>)
      } else {
      }
      %mul3A_192 = arith.constant 4 : i32
      %mul3A_193 = arith.muli %add3A_184, %mul3A_192 : i32
      %add3A_194 = arith.constant 0 : i32
      %add3A_195 = arith.addi %mul3A_193, %add3A_194 : i32
      %dma_wait3A_196 = arith.constant 0 : i32
      %dma_wait3A_197 = arith.constant 0 : i32
      %dma_wait3A_198 = arith.constant 0 : i32
      %dma_wait3A_199 = tpu.memref_slice %arg13[%dma_wait3A_196, %dma_wait3A_197, %dma_wait3A_198] : memref<4x128x32xf32, #tpu.memory_space<vmem>> -> memref<1x128x32xf32, #tpu.memory_space<vmem>>
      %dma_wait3A_200 = tpu.memref_squeeze %dma_wait3A_199 : memref<1x128x32xf32, #tpu.memory_space<vmem>> -> memref<128x32xf32, #tpu.memory_space<vmem>>
      %dma_wait3A_201 = arith.constant 0 : i32
      %dma_wait3A_202 = tpu.memref_slice %arg8[%add3A_195, %dma_wait3A_201] : memref<80x128xi32, #tpu.memory_space<vmem>> -> memref<1x128xi32, #tpu.memory_space<vmem>>
      %dma_wait3A_203 = tpu.memref_squeeze %dma_wait3A_202 : memref<1x128xi32, #tpu.memory_space<vmem>> -> memref<128xi32, #tpu.memory_space<vmem>>
      %dma_wait3A_204 = arith.constant 0 : i32
      %dma_wait3A_205 = arith.constant 0 : i32
      %dma_wait3A_206 = tpu.memref_slice %arg2[%dma_wait3A_204, %dma_wait3A_205] : memref<10240x32xf32, #tpu.memory_space<hbm>> -> memref<10240x32xf32, #tpu.memory_space<hbm>>
      tpu.wait_indirect_dma semaphore(%arg16 : memref<!tpu.dma_semaphore, #tpu.memory_space<semaphore_mem>>) src(%dma_wait3A_206 : memref<10240x32xf32, #tpu.memory_space<hbm>>) dst(%dma_wait3A_200 : memref<128x32xf32, #tpu.memory_space<vmem>>)
      %mul3A_207 = arith.constant 4 : i32
      %mul3A_208 = arith.muli %add3A_184, %mul3A_207 : i32
      %add3A_209 = arith.constant 1 : i32
      %add3A_210 = arith.addi %mul3A_208, %add3A_209 : i32
      %dma_wait3A_211 = arith.constant 1 : i32
      %dma_wait3A_212 = arith.constant 0 : i32
      %dma_wait3A_213 = arith.constant 0 : i32
      %dma_wait3A_214 = tpu.memref_slice %arg13[%dma_wait3A_211, %dma_wait3A_212, %dma_wait3A_213] : memref<4x128x32xf32, #tpu.memory_space<vmem>> -> memref<1x128x32xf32, #tpu.memory_space<vmem>>
      %dma_wait3A_215 = tpu.memref_squeeze %dma_wait3A_214 : memref<1x128x32xf32, #tpu.memory_space<vmem>> -> memref<128x32xf32, #tpu.memory_space<vmem>>
      %dma_wait3A_216 = arith.constant 0 : i32
      %dma_wait3A_217 = tpu.memref_slice %arg8[%add3A_210, %dma_wait3A_216] : memref<80x128xi32, #tpu.memory_space<vmem>> -> memref<1x128xi32, #tpu.memory_space<vmem>>
      %dma_wait3A_218 = tpu.memref_squeeze %dma_wait3A_217 : memref<1x128xi32, #tpu.memory_space<vmem>> -> memref<128xi32, #tpu.memory_space<vmem>>
      %dma_wait3A_219 = arith.constant 0 : i32
      %dma_wait3A_220 = arith.constant 0 : i32
      %dma_wait3A_221 = tpu.memref_slice %arg2[%dma_wait3A_219, %dma_wait3A_220] : memref<10240x32xf32, #tpu.memory_space<hbm>> -> memref<10240x32xf32, #tpu.memory_space<hbm>>
      tpu.wait_indirect_dma semaphore(%arg16 : memref<!tpu.dma_semaphore, #tpu.memory_space<semaphore_mem>>) src(%dma_wait3A_221 : memref<10240x32xf32, #tpu.memory_space<hbm>>) dst(%dma_wait3A_215 : memref<128x32xf32, #tpu.memory_space<vmem>>)
      %mul3A_222 = arith.constant 4 : i32
      %mul3A_223 = arith.muli %add3A_184, %mul3A_222 : i32
      %add3A_224 = arith.constant 2 : i32
      %add3A_225 = arith.addi %mul3A_223, %add3A_224 : i32
      %dma_wait3A_226 = arith.constant 2 : i32
      %dma_wait3A_227 = arith.constant 0 : i32
      %dma_wait3A_228 = arith.constant 0 : i32
      %dma_wait3A_229 = tpu.memref_slice %arg13[%dma_wait3A_226, %dma_wait3A_227, %dma_wait3A_228] : memref<4x128x32xf32, #tpu.memory_space<vmem>> -> memref<1x128x32xf32, #tpu.memory_space<vmem>>
      %dma_wait3A_230 = tpu.memref_squeeze %dma_wait3A_229 : memref<1x128x32xf32, #tpu.memory_space<vmem>> -> memref<128x32xf32, #tpu.memory_space<vmem>>
      %dma_wait3A_231 = arith.constant 0 : i32
      %dma_wait3A_232 = tpu.memref_slice %arg8[%add3A_225, %dma_wait3A_231] : memref<80x128xi32, #tpu.memory_space<vmem>> -> memref<1x128xi32, #tpu.memory_space<vmem>>
      %dma_wait3A_233 = tpu.memref_squeeze %dma_wait3A_232 : memref<1x128xi32, #tpu.memory_space<vmem>> -> memref<128xi32, #tpu.memory_space<vmem>>
      %dma_wait3A_234 = arith.constant 0 : i32
      %dma_wait3A_235 = arith.constant 0 : i32
      %dma_wait3A_236 = tpu.memref_slice %arg2[%dma_wait3A_234, %dma_wait3A_235] : memref<10240x32xf32, #tpu.memory_space<hbm>> -> memref<10240x32xf32, #tpu.memory_space<hbm>>
      tpu.wait_indirect_dma semaphore(%arg16 : memref<!tpu.dma_semaphore, #tpu.memory_space<semaphore_mem>>) src(%dma_wait3A_236 : memref<10240x32xf32, #tpu.memory_space<hbm>>) dst(%dma_wait3A_230 : memref<128x32xf32, #tpu.memory_space<vmem>>)
      %mul3A_237 = arith.constant 4 : i32
      %mul3A_238 = arith.muli %add3A_184, %mul3A_237 : i32
      %add3A_239 = arith.constant 3 : i32
      %add3A_240 = arith.addi %mul3A_238, %add3A_239 : i32
      %dma_wait3A_241 = arith.constant 3 : i32
      %dma_wait3A_242 = arith.constant 0 : i32
      %dma_wait3A_243 = arith.constant 0 : i32
      %dma_wait3A_244 = tpu.memref_slice %arg13[%dma_wait3A_241, %dma_wait3A_242, %dma_wait3A_243] : memref<4x128x32xf32, #tpu.memory_space<vmem>> -> memref<1x128x32xf32, #tpu.memory_space<vmem>>
      %dma_wait3A_245 = tpu.memref_squeeze %dma_wait3A_244 : memref<1x128x32xf32, #tpu.memory_space<vmem>> -> memref<128x32xf32, #tpu.memory_space<vmem>>
      %dma_wait3A_246 = arith.constant 0 : i32
      %dma_wait3A_247 = tpu.memref_slice %arg8[%add3A_240, %dma_wait3A_246] : memref<80x128xi32, #tpu.memory_space<vmem>> -> memref<1x128xi32, #tpu.memory_space<vmem>>
      %dma_wait3A_248 = tpu.memref_squeeze %dma_wait3A_247 : memref<1x128xi32, #tpu.memory_space<vmem>> -> memref<128xi32, #tpu.memory_space<vmem>>
      %dma_wait3A_249 = arith.constant 0 : i32
      %dma_wait3A_250 = arith.constant 0 : i32
      %dma_wait3A_251 = tpu.memref_slice %arg2[%dma_wait3A_249, %dma_wait3A_250] : memref<10240x32xf32, #tpu.memory_space<hbm>> -> memref<10240x32xf32, #tpu.memory_space<hbm>>
      tpu.wait_indirect_dma semaphore(%arg16 : memref<!tpu.dma_semaphore, #tpu.memory_space<semaphore_mem>>) src(%dma_wait3A_251 : memref<10240x32xf32, #tpu.memory_space<hbm>>) dst(%dma_wait3A_245 : memref<128x32xf32, #tpu.memory_space<vmem>>)
    }
    %scan3A_54 = arith.constant 10 : i32
    %barrier3A_55 = arith.constant 0 : index
    tpu.barrier barrier_id(%barrier3A_55)
    %run_scoped3A = arith.constant 0 : i32
    "tpu.region"() ({
      %run_scoped3A_113 = tpu.sem_alloc : memref<!tpu.dma_semaphore, #tpu.memory_space<semaphore_mem>>
      %dma_start3A_114 = arith.constant 0 : i32
      %dma_start3A_115 = tpu.memref_slice %arg7[%arg0, %run_scoped3A, %mul3A_2, %dma_start3A_114] : memref<2x2x10240x64xf32, #tpu.memory_space<hbm>> -> memref<1x1x640x64xf32, #tpu.memory_space<hbm>>
      %dma_start3A_116 = tpu.memref_squeeze %dma_start3A_115 : memref<1x1x640x64xf32, #tpu.memory_space<hbm>> -> memref<640x64xf32, #tpu.memory_space<hbm>>
      %dma_start3A_117 = arith.constant 0 : i32
      %dma_start3A_118 = tpu.memref_slice %arg14[%mul3A_2, %dma_start3A_117] : memref<10240x64xf32, #tpu.memory_space<vmem_shared>> -> memref<640x64xf32, #tpu.memory_space<vmem_shared>>
      tpu.enqueue_dma source(%dma_start3A_118 : memref<640x64xf32, #tpu.memory_space<vmem_shared>>) target(%dma_start3A_116 : memref<640x64xf32, #tpu.memory_space<hbm>>) target_semaphore(%run_scoped3A_113 : memref<!tpu.dma_semaphore, #tpu.memory_space<semaphore_mem>>)
      %dma_wait3A = arith.constant 0 : i32
      %dma_wait3A_119 = tpu.memref_slice %arg7[%arg0, %run_scoped3A, %mul3A_2, %dma_wait3A] : memref<2x2x10240x64xf32, #tpu.memory_space<hbm>> -> memref<1x1x640x64xf32, #tpu.memory_space<hbm>>
      %dma_wait3A_120 = tpu.memref_squeeze %dma_wait3A_119 : memref<1x1x640x64xf32, #tpu.memory_space<hbm>> -> memref<640x64xf32, #tpu.memory_space<hbm>>
      %dma_wait3A_121 = arith.constant 0 : i32
      %dma_wait3A_122 = tpu.memref_slice %arg14[%mul3A_2, %dma_wait3A_121] : memref<10240x64xf32, #tpu.memory_space<vmem_shared>> -> memref<640x64xf32, #tpu.memory_space<vmem_shared>>
      tpu.wait_dma2 semaphore(%run_scoped3A_113 : memref<!tpu.dma_semaphore, #tpu.memory_space<semaphore_mem>>) src(%dma_wait3A_122 : memref<640x64xf32, #tpu.memory_space<vmem_shared>>) dst(%dma_wait3A_120 : memref<640x64xf32, #tpu.memory_space<hbm>>)
      tpu.yield
    }) : () -> ()
    "tpu.region"() ({
      %run_scoped3A_113 = tpu.sem_alloc : memref<!tpu.dma_semaphore, #tpu.memory_space<semaphore_mem>>
      %dma_start3A_114 = arith.constant 0 : i32
      %dma_start3A_115 = tpu.memref_slice %arg14[%mul3A_2, %dma_start3A_114] : memref<10240x64xf32, #tpu.memory_space<vmem_shared>> -> memref<640x64xf32, #tpu.memory_space<vmem_shared>>
      tpu.enqueue_dma source(%arg6 : memref<640x64xf32, #tpu.memory_space<hbm>>) target(%dma_start3A_115 : memref<640x64xf32, #tpu.memory_space<vmem_shared>>) target_semaphore(%run_scoped3A_113 : memref<!tpu.dma_semaphore, #tpu.memory_space<semaphore_mem>>)
      %dma_wait3A = arith.constant 0 : i32
      %dma_wait3A_116 = tpu.memref_slice %arg14[%mul3A_2, %dma_wait3A] : memref<10240x64xf32, #tpu.memory_space<vmem_shared>> -> memref<640x64xf32, #tpu.memory_space<vmem_shared>>
      tpu.wait_dma2 semaphore(%run_scoped3A_113 : memref<!tpu.dma_semaphore, #tpu.memory_space<semaphore_mem>>) src(%arg6 : memref<640x64xf32, #tpu.memory_space<hbm>>) dst(%dma_wait3A_116 : memref<640x64xf32, #tpu.memory_space<vmem_shared>>)
      tpu.yield
    }) : () -> ()
    %barrier3A_56 = arith.constant 0 : index
    tpu.barrier barrier_id(%barrier3A_56)
    %dma_start3A_57 = arith.constant 0 : i32
    %dma_start3A_58 = arith.constant 0 : i32
    %dma_start3A_59 = arith.constant 0 : i32
    %dma_start3A_60 = arith.constant 0 : i32
    %dma_start3A_61 = tpu.memref_slice %arg12[%dma_start3A_58, %dma_start3A_59, %dma_start3A_60] : memref<4x128x32xf32, #tpu.memory_space<vmem>> -> memref<1x128x32xf32, #tpu.memory_space<vmem>>
    %dma_start3A_62 = tpu.memref_squeeze %dma_start3A_61 : memref<1x128x32xf32, #tpu.memory_space<vmem>> -> memref<128x32xf32, #tpu.memory_space<vmem>>
    %dma_start3A_63 = arith.constant 0 : i32
    %dma_start3A_64 = tpu.memref_slice %arg8[%dma_start3A_57, %dma_start3A_63] : memref<80x128xi32, #tpu.memory_space<vmem>> -> memref<1x128xi32, #tpu.memory_space<vmem>>
    %dma_start3A_65 = tpu.memref_squeeze %dma_start3A_64 : memref<1x128xi32, #tpu.memory_space<vmem>> -> memref<128xi32, #tpu.memory_space<vmem>>
    %dma_start3A_66 = arith.constant 0 : i32
    %dma_start3A_67 = arith.constant 0 : i32
    %dma_start3A_68 = tpu.memref_slice %arg3[%dma_start3A_66, %dma_start3A_67] : memref<10240x32xf32, #tpu.memory_space<hbm>> -> memref<10240x32xf32, #tpu.memory_space<hbm>>
    tpu.enqueue_indirect_dma source(%dma_start3A_68 : memref<10240x32xf32, #tpu.memory_space<hbm>>) target(%dma_start3A_62 : memref<128x32xf32, #tpu.memory_space<vmem>>) offsets(%dma_start3A_65 : memref<128xi32, #tpu.memory_space<vmem>>) semaphore(%arg15 : memref<!tpu.dma_semaphore, #tpu.memory_space<semaphore_mem>>)
    %dma_start3A_69 = arith.constant 1 : i32
    %dma_start3A_70 = arith.constant 1 : i32
    %dma_start3A_71 = arith.constant 0 : i32
    %dma_start3A_72 = arith.constant 0 : i32
    %dma_start3A_73 = tpu.memref_slice %arg12[%dma_start3A_70, %dma_start3A_71, %dma_start3A_72] : memref<4x128x32xf32, #tpu.memory_space<vmem>> -> memref<1x128x32xf32, #tpu.memory_space<vmem>>
    %dma_start3A_74 = tpu.memref_squeeze %dma_start3A_73 : memref<1x128x32xf32, #tpu.memory_space<vmem>> -> memref<128x32xf32, #tpu.memory_space<vmem>>
    %dma_start3A_75 = arith.constant 0 : i32
    %dma_start3A_76 = tpu.memref_slice %arg8[%dma_start3A_69, %dma_start3A_75] : memref<80x128xi32, #tpu.memory_space<vmem>> -> memref<1x128xi32, #tpu.memory_space<vmem>>
    %dma_start3A_77 = tpu.memref_squeeze %dma_start3A_76 : memref<1x128xi32, #tpu.memory_space<vmem>> -> memref<128xi32, #tpu.memory_space<vmem>>
    %dma_start3A_78 = arith.constant 0 : i32
    %dma_start3A_79 = arith.constant 0 : i32
    %dma_start3A_80 = tpu.memref_slice %arg3[%dma_start3A_78, %dma_start3A_79] : memref<10240x32xf32, #tpu.memory_space<hbm>> -> memref<10240x32xf32, #tpu.memory_space<hbm>>
    tpu.enqueue_indirect_dma source(%dma_start3A_80 : memref<10240x32xf32, #tpu.memory_space<hbm>>) target(%dma_start3A_74 : memref<128x32xf32, #tpu.memory_space<vmem>>) offsets(%dma_start3A_77 : memref<128xi32, #tpu.memory_space<vmem>>) semaphore(%arg15 : memref<!tpu.dma_semaphore, #tpu.memory_space<semaphore_mem>>)
    %dma_start3A_81 = arith.constant 2 : i32
    %dma_start3A_82 = arith.constant 2 : i32
    %dma_start3A_83 = arith.constant 0 : i32
    %dma_start3A_84 = arith.constant 0 : i32
    %dma_start3A_85 = tpu.memref_slice %arg12[%dma_start3A_82, %dma_start3A_83, %dma_start3A_84] : memref<4x128x32xf32, #tpu.memory_space<vmem>> -> memref<1x128x32xf32, #tpu.memory_space<vmem>>
    %dma_start3A_86 = tpu.memref_squeeze %dma_start3A_85 : memref<1x128x32xf32, #tpu.memory_space<vmem>> -> memref<128x32xf32, #tpu.memory_space<vmem>>
    %dma_start3A_87 = arith.constant 0 : i32
    %dma_start3A_88 = tpu.memref_slice %arg8[%dma_start3A_81, %dma_start3A_87] : memref<80x128xi32, #tpu.memory_space<vmem>> -> memref<1x128xi32, #tpu.memory_space<vmem>>
    %dma_start3A_89 = tpu.memref_squeeze %dma_start3A_88 : memref<1x128xi32, #tpu.memory_space<vmem>> -> memref<128xi32, #tpu.memory_space<vmem>>
    %dma_start3A_90 = arith.constant 0 : i32
    %dma_start3A_91 = arith.constant 0 : i32
    %dma_start3A_92 = tpu.memref_slice %arg3[%dma_start3A_90, %dma_start3A_91] : memref<10240x32xf32, #tpu.memory_space<hbm>> -> memref<10240x32xf32, #tpu.memory_space<hbm>>
    tpu.enqueue_indirect_dma source(%dma_start3A_92 : memref<10240x32xf32, #tpu.memory_space<hbm>>) target(%dma_start3A_86 : memref<128x32xf32, #tpu.memory_space<vmem>>) offsets(%dma_start3A_89 : memref<128xi32, #tpu.memory_space<vmem>>) semaphore(%arg15 : memref<!tpu.dma_semaphore, #tpu.memory_space<semaphore_mem>>)
    %dma_start3A_93 = arith.constant 3 : i32
    %dma_start3A_94 = arith.constant 3 : i32
    %dma_start3A_95 = arith.constant 0 : i32
    %dma_start3A_96 = arith.constant 0 : i32
    %dma_start3A_97 = tpu.memref_slice %arg12[%dma_start3A_94, %dma_start3A_95, %dma_start3A_96] : memref<4x128x32xf32, #tpu.memory_space<vmem>> -> memref<1x128x32xf32, #tpu.memory_space<vmem>>
    %dma_start3A_98 = tpu.memref_squeeze %dma_start3A_97 : memref<1x128x32xf32, #tpu.memory_space<vmem>> -> memref<128x32xf32, #tpu.memory_space<vmem>>
    %dma_start3A_99 = arith.constant 0 : i32
    %dma_start3A_100 = tpu.memref_slice %arg8[%dma_start3A_93, %dma_start3A_99] : memref<80x128xi32, #tpu.memory_space<vmem>> -> memref<1x128xi32, #tpu.memory_space<vmem>>
    %dma_start3A_101 = tpu.memref_squeeze %dma_start3A_100 : memref<1x128xi32, #tpu.memory_space<vmem>> -> memref<128xi32, #tpu.memory_space<vmem>>
    %dma_start3A_102 = arith.constant 0 : i32
    %dma_start3A_103 = arith.constant 0 : i32
    %dma_start3A_104 = tpu.memref_slice %arg3[%dma_start3A_102, %dma_start3A_103] : memref<10240x32xf32, #tpu.memory_space<hbm>> -> memref<10240x32xf32, #tpu.memory_space<hbm>>
    tpu.enqueue_indirect_dma source(%dma_start3A_104 : memref<10240x32xf32, #tpu.memory_space<hbm>>) target(%dma_start3A_98 : memref<128x32xf32, #tpu.memory_space<vmem>>) offsets(%dma_start3A_101 : memref<128xi32, #tpu.memory_space<vmem>>) semaphore(%arg15 : memref<!tpu.dma_semaphore, #tpu.memory_space<semaphore_mem>>)
    %scan3A_105 = arith.constant 0 : i32
    %scan3A_106 = arith.constant 0 : i32
    %scan3A_107 = arith.constant 10 : i32
    %scan3A_108 = arith.addi %scan3A_106, %scan3A_107 : i32
    %scan3A_109 = arith.constant 1 : i32
    scf.for %scan3A_113 = %scan3A_106 to %scan3A_108 step %scan3A_109  : i32 {
      %mul3A_114 = arith.constant 2 : i32
      %mul3A_115 = arith.muli %scan3A_113, %mul3A_114 : i32
      %add3A_116 = arith.constant 0 : i32
      %add3A_117 = arith.addi %mul3A_115, %add3A_116 : i32
      %add3A_118 = arith.constant 1 : i32
      %add3A_119 = arith.addi %add3A_117, %add3A_118 : i32
      %lt3A = arith.constant 20 : i32
      %lt3A_120 = arith.cmpi slt, %add3A_119, %lt3A : i32
      %convert_element_type3A = arith.extui %lt3A_120 : i1 to i32
      %cond3A = arith.constant 0 : i32
      %cond3A_121 = arith.cmpi ne, %convert_element_type3A, %cond3A : i32
      scf.if %cond3A_121 {
        %ge3A = arith.constant 1 : i32
        %ge3A_252 = arith.cmpi sge, %add3A_117, %ge3A : i32
        %convert_element_type3A_253 = arith.extui %ge3A_252 : i1 to i32
        %cond3A_254 = arith.constant 0 : i32
        %cond3A_255 = arith.cmpi ne, %convert_element_type3A_253, %cond3A_254 : i32
        scf.if %cond3A_255 {
          %sub3A = arith.constant 1 : i32
          %sub3A_318 = arith.subi %add3A_117, %sub3A : i32
        } else {
        }
        %add3A_256 = arith.constant 1 : i32
        %add3A_257 = arith.addi %add3A_117, %add3A_256 : i32
        %mul3A_258 = arith.constant 4 : i32
        %mul3A_259 = arith.muli %add3A_257, %mul3A_258 : i32
        %add3A_260 = arith.constant 0 : i32
        %add3A_261 = arith.addi %mul3A_259, %add3A_260 : i32
        %dma_start3A_262 = arith.constant 0 : i32
        %dma_start3A_263 = arith.constant 0 : i32
        %dma_start3A_264 = arith.constant 0 : i32
        %dma_start3A_265 = tpu.memref_slice %arg13[%dma_start3A_262, %dma_start3A_263, %dma_start3A_264] : memref<4x128x32xf32, #tpu.memory_space<vmem>> -> memref<1x128x32xf32, #tpu.memory_space<vmem>>
        %dma_start3A_266 = tpu.memref_squeeze %dma_start3A_265 : memref<1x128x32xf32, #tpu.memory_space<vmem>> -> memref<128x32xf32, #tpu.memory_space<vmem>>
        %dma_start3A_267 = arith.constant 0 : i32
        %dma_start3A_268 = tpu.memref_slice %arg8[%add3A_261, %dma_start3A_267] : memref<80x128xi32, #tpu.memory_space<vmem>> -> memref<1x128xi32, #tpu.memory_space<vmem>>
        %dma_start3A_269 = tpu.memref_squeeze %dma_start3A_268 : memref<1x128xi32, #tpu.memory_space<vmem>> -> memref<128xi32, #tpu.memory_space<vmem>>
        %dma_start3A_270 = arith.constant 0 : i32
        %dma_start3A_271 = arith.constant 0 : i32
        %dma_start3A_272 = tpu.memref_slice %arg3[%dma_start3A_270, %dma_start3A_271] : memref<10240x32xf32, #tpu.memory_space<hbm>> -> memref<10240x32xf32, #tpu.memory_space<hbm>>
        tpu.enqueue_indirect_dma source(%dma_start3A_272 : memref<10240x32xf32, #tpu.memory_space<hbm>>) target(%dma_start3A_266 : memref<128x32xf32, #tpu.memory_space<vmem>>) offsets(%dma_start3A_269 : memref<128xi32, #tpu.memory_space<vmem>>) semaphore(%arg16 : memref<!tpu.dma_semaphore, #tpu.memory_space<semaphore_mem>>)
        %mul3A_273 = arith.constant 4 : i32
        %mul3A_274 = arith.muli %add3A_257, %mul3A_273 : i32
        %add3A_275 = arith.constant 1 : i32
        %add3A_276 = arith.addi %mul3A_274, %add3A_275 : i32
        %dma_start3A_277 = arith.constant 1 : i32
        %dma_start3A_278 = arith.constant 0 : i32
        %dma_start3A_279 = arith.constant 0 : i32
        %dma_start3A_280 = tpu.memref_slice %arg13[%dma_start3A_277, %dma_start3A_278, %dma_start3A_279] : memref<4x128x32xf32, #tpu.memory_space<vmem>> -> memref<1x128x32xf32, #tpu.memory_space<vmem>>
        %dma_start3A_281 = tpu.memref_squeeze %dma_start3A_280 : memref<1x128x32xf32, #tpu.memory_space<vmem>> -> memref<128x32xf32, #tpu.memory_space<vmem>>
        %dma_start3A_282 = arith.constant 0 : i32
        %dma_start3A_283 = tpu.memref_slice %arg8[%add3A_276, %dma_start3A_282] : memref<80x128xi32, #tpu.memory_space<vmem>> -> memref<1x128xi32, #tpu.memory_space<vmem>>
        %dma_start3A_284 = tpu.memref_squeeze %dma_start3A_283 : memref<1x128xi32, #tpu.memory_space<vmem>> -> memref<128xi32, #tpu.memory_space<vmem>>
        %dma_start3A_285 = arith.constant 0 : i32
        %dma_start3A_286 = arith.constant 0 : i32
        %dma_start3A_287 = tpu.memref_slice %arg3[%dma_start3A_285, %dma_start3A_286] : memref<10240x32xf32, #tpu.memory_space<hbm>> -> memref<10240x32xf32, #tpu.memory_space<hbm>>
        tpu.enqueue_indirect_dma source(%dma_start3A_287 : memref<10240x32xf32, #tpu.memory_space<hbm>>) target(%dma_start3A_281 : memref<128x32xf32, #tpu.memory_space<vmem>>) offsets(%dma_start3A_284 : memref<128xi32, #tpu.memory_space<vmem>>) semaphore(%arg16 : memref<!tpu.dma_semaphore, #tpu.memory_space<semaphore_mem>>)
        %mul3A_288 = arith.constant 4 : i32
        %mul3A_289 = arith.muli %add3A_257, %mul3A_288 : i32
        %add3A_290 = arith.constant 2 : i32
        %add3A_291 = arith.addi %mul3A_289, %add3A_290 : i32
        %dma_start3A_292 = arith.constant 2 : i32
        %dma_start3A_293 = arith.constant 0 : i32
        %dma_start3A_294 = arith.constant 0 : i32
        %dma_start3A_295 = tpu.memref_slice %arg13[%dma_start3A_292, %dma_start3A_293, %dma_start3A_294] : memref<4x128x32xf32, #tpu.memory_space<vmem>> -> memref<1x128x32xf32, #tpu.memory_space<vmem>>
        %dma_start3A_296 = tpu.memref_squeeze %dma_start3A_295 : memref<1x128x32xf32, #tpu.memory_space<vmem>> -> memref<128x32xf32, #tpu.memory_space<vmem>>
        %dma_start3A_297 = arith.constant 0 : i32
        %dma_start3A_298 = tpu.memref_slice %arg8[%add3A_291, %dma_start3A_297] : memref<80x128xi32, #tpu.memory_space<vmem>> -> memref<1x128xi32, #tpu.memory_space<vmem>>
        %dma_start3A_299 = tpu.memref_squeeze %dma_start3A_298 : memref<1x128xi32, #tpu.memory_space<vmem>> -> memref<128xi32, #tpu.memory_space<vmem>>
        %dma_start3A_300 = arith.constant 0 : i32
        %dma_start3A_301 = arith.constant 0 : i32
        %dma_start3A_302 = tpu.memref_slice %arg3[%dma_start3A_300, %dma_start3A_301] : memref<10240x32xf32, #tpu.memory_space<hbm>> -> memref<10240x32xf32, #tpu.memory_space<hbm>>
        tpu.enqueue_indirect_dma source(%dma_start3A_302 : memref<10240x32xf32, #tpu.memory_space<hbm>>) target(%dma_start3A_296 : memref<128x32xf32, #tpu.memory_space<vmem>>) offsets(%dma_start3A_299 : memref<128xi32, #tpu.memory_space<vmem>>) semaphore(%arg16 : memref<!tpu.dma_semaphore, #tpu.memory_space<semaphore_mem>>)
        %mul3A_303 = arith.constant 4 : i32
        %mul3A_304 = arith.muli %add3A_257, %mul3A_303 : i32
        %add3A_305 = arith.constant 3 : i32
        %add3A_306 = arith.addi %mul3A_304, %add3A_305 : i32
        %dma_start3A_307 = arith.constant 3 : i32
        %dma_start3A_308 = arith.constant 0 : i32
        %dma_start3A_309 = arith.constant 0 : i32
        %dma_start3A_310 = tpu.memref_slice %arg13[%dma_start3A_307, %dma_start3A_308, %dma_start3A_309] : memref<4x128x32xf32, #tpu.memory_space<vmem>> -> memref<1x128x32xf32, #tpu.memory_space<vmem>>
        %dma_start3A_311 = tpu.memref_squeeze %dma_start3A_310 : memref<1x128x32xf32, #tpu.memory_space<vmem>> -> memref<128x32xf32, #tpu.memory_space<vmem>>
        %dma_start3A_312 = arith.constant 0 : i32
        %dma_start3A_313 = tpu.memref_slice %arg8[%add3A_306, %dma_start3A_312] : memref<80x128xi32, #tpu.memory_space<vmem>> -> memref<1x128xi32, #tpu.memory_space<vmem>>
        %dma_start3A_314 = tpu.memref_squeeze %dma_start3A_313 : memref<1x128xi32, #tpu.memory_space<vmem>> -> memref<128xi32, #tpu.memory_space<vmem>>
        %dma_start3A_315 = arith.constant 0 : i32
        %dma_start3A_316 = arith.constant 0 : i32
        %dma_start3A_317 = tpu.memref_slice %arg3[%dma_start3A_315, %dma_start3A_316] : memref<10240x32xf32, #tpu.memory_space<hbm>> -> memref<10240x32xf32, #tpu.memory_space<hbm>>
        tpu.enqueue_indirect_dma source(%dma_start3A_317 : memref<10240x32xf32, #tpu.memory_space<hbm>>) target(%dma_start3A_311 : memref<128x32xf32, #tpu.memory_space<vmem>>) offsets(%dma_start3A_314 : memref<128xi32, #tpu.memory_space<vmem>>) semaphore(%arg16 : memref<!tpu.dma_semaphore, #tpu.memory_space<semaphore_mem>>)
      } else {
      }
      %mul3A_122 = arith.constant 4 : i32
      %mul3A_123 = arith.muli %add3A_117, %mul3A_122 : i32
      %add3A_124 = arith.constant 0 : i32
      %add3A_125 = arith.addi %mul3A_123, %add3A_124 : i32
      %dma_wait3A = arith.constant 0 : i32
      %dma_wait3A_126 = arith.constant 0 : i32
      %dma_wait3A_127 = arith.constant 0 : i32
      %dma_wait3A_128 = tpu.memref_slice %arg12[%dma_wait3A, %dma_wait3A_126, %dma_wait3A_127] : memref<4x128x32xf32, #tpu.memory_space<vmem>> -> memref<1x128x32xf32, #tpu.memory_space<vmem>>
      %dma_wait3A_129 = tpu.memref_squeeze %dma_wait3A_128 : memref<1x128x32xf32, #tpu.memory_space<vmem>> -> memref<128x32xf32, #tpu.memory_space<vmem>>
      %dma_wait3A_130 = arith.constant 0 : i32
      %dma_wait3A_131 = tpu.memref_slice %arg8[%add3A_125, %dma_wait3A_130] : memref<80x128xi32, #tpu.memory_space<vmem>> -> memref<1x128xi32, #tpu.memory_space<vmem>>
      %dma_wait3A_132 = tpu.memref_squeeze %dma_wait3A_131 : memref<1x128xi32, #tpu.memory_space<vmem>> -> memref<128xi32, #tpu.memory_space<vmem>>
      %dma_wait3A_133 = arith.constant 0 : i32
      %dma_wait3A_134 = arith.constant 0 : i32
      %dma_wait3A_135 = tpu.memref_slice %arg3[%dma_wait3A_133, %dma_wait3A_134] : memref<10240x32xf32, #tpu.memory_space<hbm>> -> memref<10240x32xf32, #tpu.memory_space<hbm>>
      tpu.wait_indirect_dma semaphore(%arg15 : memref<!tpu.dma_semaphore, #tpu.memory_space<semaphore_mem>>) src(%dma_wait3A_135 : memref<10240x32xf32, #tpu.memory_space<hbm>>) dst(%dma_wait3A_129 : memref<128x32xf32, #tpu.memory_space<vmem>>)
      %mul3A_136 = arith.constant 4 : i32
      %mul3A_137 = arith.muli %add3A_117, %mul3A_136 : i32
      %add3A_138 = arith.constant 1 : i32
      %add3A_139 = arith.addi %mul3A_137, %add3A_138 : i32
      %dma_wait3A_140 = arith.constant 1 : i32
      %dma_wait3A_141 = arith.constant 0 : i32
      %dma_wait3A_142 = arith.constant 0 : i32
      %dma_wait3A_143 = tpu.memref_slice %arg12[%dma_wait3A_140, %dma_wait3A_141, %dma_wait3A_142] : memref<4x128x32xf32, #tpu.memory_space<vmem>> -> memref<1x128x32xf32, #tpu.memory_space<vmem>>
      %dma_wait3A_144 = tpu.memref_squeeze %dma_wait3A_143 : memref<1x128x32xf32, #tpu.memory_space<vmem>> -> memref<128x32xf32, #tpu.memory_space<vmem>>
      %dma_wait3A_145 = arith.constant 0 : i32
      %dma_wait3A_146 = tpu.memref_slice %arg8[%add3A_139, %dma_wait3A_145] : memref<80x128xi32, #tpu.memory_space<vmem>> -> memref<1x128xi32, #tpu.memory_space<vmem>>
      %dma_wait3A_147 = tpu.memref_squeeze %dma_wait3A_146 : memref<1x128xi32, #tpu.memory_space<vmem>> -> memref<128xi32, #tpu.memory_space<vmem>>
      %dma_wait3A_148 = arith.constant 0 : i32
      %dma_wait3A_149 = arith.constant 0 : i32
      %dma_wait3A_150 = tpu.memref_slice %arg3[%dma_wait3A_148, %dma_wait3A_149] : memref<10240x32xf32, #tpu.memory_space<hbm>> -> memref<10240x32xf32, #tpu.memory_space<hbm>>
      tpu.wait_indirect_dma semaphore(%arg15 : memref<!tpu.dma_semaphore, #tpu.memory_space<semaphore_mem>>) src(%dma_wait3A_150 : memref<10240x32xf32, #tpu.memory_space<hbm>>) dst(%dma_wait3A_144 : memref<128x32xf32, #tpu.memory_space<vmem>>)
      %mul3A_151 = arith.constant 4 : i32
      %mul3A_152 = arith.muli %add3A_117, %mul3A_151 : i32
      %add3A_153 = arith.constant 2 : i32
      %add3A_154 = arith.addi %mul3A_152, %add3A_153 : i32
      %dma_wait3A_155 = arith.constant 2 : i32
      %dma_wait3A_156 = arith.constant 0 : i32
      %dma_wait3A_157 = arith.constant 0 : i32
      %dma_wait3A_158 = tpu.memref_slice %arg12[%dma_wait3A_155, %dma_wait3A_156, %dma_wait3A_157] : memref<4x128x32xf32, #tpu.memory_space<vmem>> -> memref<1x128x32xf32, #tpu.memory_space<vmem>>
      %dma_wait3A_159 = tpu.memref_squeeze %dma_wait3A_158 : memref<1x128x32xf32, #tpu.memory_space<vmem>> -> memref<128x32xf32, #tpu.memory_space<vmem>>
      %dma_wait3A_160 = arith.constant 0 : i32
      %dma_wait3A_161 = tpu.memref_slice %arg8[%add3A_154, %dma_wait3A_160] : memref<80x128xi32, #tpu.memory_space<vmem>> -> memref<1x128xi32, #tpu.memory_space<vmem>>
      %dma_wait3A_162 = tpu.memref_squeeze %dma_wait3A_161 : memref<1x128xi32, #tpu.memory_space<vmem>> -> memref<128xi32, #tpu.memory_space<vmem>>
      %dma_wait3A_163 = arith.constant 0 : i32
      %dma_wait3A_164 = arith.constant 0 : i32
      %dma_wait3A_165 = tpu.memref_slice %arg3[%dma_wait3A_163, %dma_wait3A_164] : memref<10240x32xf32, #tpu.memory_space<hbm>> -> memref<10240x32xf32, #tpu.memory_space<hbm>>
      tpu.wait_indirect_dma semaphore(%arg15 : memref<!tpu.dma_semaphore, #tpu.memory_space<semaphore_mem>>) src(%dma_wait3A_165 : memref<10240x32xf32, #tpu.memory_space<hbm>>) dst(%dma_wait3A_159 : memref<128x32xf32, #tpu.memory_space<vmem>>)
      %mul3A_166 = arith.constant 4 : i32
      %mul3A_167 = arith.muli %add3A_117, %mul3A_166 : i32
      %add3A_168 = arith.constant 3 : i32
      %add3A_169 = arith.addi %mul3A_167, %add3A_168 : i32
      %dma_wait3A_170 = arith.constant 3 : i32
      %dma_wait3A_171 = arith.constant 0 : i32
      %dma_wait3A_172 = arith.constant 0 : i32
      %dma_wait3A_173 = tpu.memref_slice %arg12[%dma_wait3A_170, %dma_wait3A_171, %dma_wait3A_172] : memref<4x128x32xf32, #tpu.memory_space<vmem>> -> memref<1x128x32xf32, #tpu.memory_space<vmem>>
      %dma_wait3A_174 = tpu.memref_squeeze %dma_wait3A_173 : memref<1x128x32xf32, #tpu.memory_space<vmem>> -> memref<128x32xf32, #tpu.memory_space<vmem>>
      %dma_wait3A_175 = arith.constant 0 : i32
      %dma_wait3A_176 = tpu.memref_slice %arg8[%add3A_169, %dma_wait3A_175] : memref<80x128xi32, #tpu.memory_space<vmem>> -> memref<1x128xi32, #tpu.memory_space<vmem>>
      %dma_wait3A_177 = tpu.memref_squeeze %dma_wait3A_176 : memref<1x128xi32, #tpu.memory_space<vmem>> -> memref<128xi32, #tpu.memory_space<vmem>>
      %dma_wait3A_178 = arith.constant 0 : i32
      %dma_wait3A_179 = arith.constant 0 : i32
      %dma_wait3A_180 = tpu.memref_slice %arg3[%dma_wait3A_178, %dma_wait3A_179] : memref<10240x32xf32, #tpu.memory_space<hbm>> -> memref<10240x32xf32, #tpu.memory_space<hbm>>
      tpu.wait_indirect_dma semaphore(%arg15 : memref<!tpu.dma_semaphore, #tpu.memory_space<semaphore_mem>>) src(%dma_wait3A_180 : memref<10240x32xf32, #tpu.memory_space<hbm>>) dst(%dma_wait3A_174 : memref<128x32xf32, #tpu.memory_space<vmem>>)
      %mul3A_181 = arith.constant 2 : i32
      %mul3A_182 = arith.muli %scan3A_113, %mul3A_181 : i32
      %add3A_183 = arith.constant 1 : i32
      %add3A_184 = arith.addi %mul3A_182, %add3A_183 : i32
      %add3A_185 = arith.constant 1 : i32
      %add3A_186 = arith.addi %add3A_184, %add3A_185 : i32
      %lt3A_187 = arith.constant 20 : i32
      %lt3A_188 = arith.cmpi slt, %add3A_186, %lt3A_187 : i32
      %convert_element_type3A_189 = arith.extui %lt3A_188 : i1 to i32
      %cond3A_190 = arith.constant 0 : i32
      %cond3A_191 = arith.cmpi ne, %convert_element_type3A_189, %cond3A_190 : i32
      scf.if %cond3A_191 {
        %ge3A = arith.constant 1 : i32
        %ge3A_252 = arith.cmpi sge, %add3A_184, %ge3A : i32
        %convert_element_type3A_253 = arith.extui %ge3A_252 : i1 to i32
        %cond3A_254 = arith.constant 0 : i32
        %cond3A_255 = arith.cmpi ne, %convert_element_type3A_253, %cond3A_254 : i32
        scf.if %cond3A_255 {
          %sub3A = arith.constant 1 : i32
          %sub3A_318 = arith.subi %add3A_184, %sub3A : i32
        } else {
        }
        %add3A_256 = arith.constant 1 : i32
        %add3A_257 = arith.addi %add3A_184, %add3A_256 : i32
        %mul3A_258 = arith.constant 4 : i32
        %mul3A_259 = arith.muli %add3A_257, %mul3A_258 : i32
        %add3A_260 = arith.constant 0 : i32
        %add3A_261 = arith.addi %mul3A_259, %add3A_260 : i32
        %dma_start3A_262 = arith.constant 0 : i32
        %dma_start3A_263 = arith.constant 0 : i32
        %dma_start3A_264 = arith.constant 0 : i32
        %dma_start3A_265 = tpu.memref_slice %arg12[%dma_start3A_262, %dma_start3A_263, %dma_start3A_264] : memref<4x128x32xf32, #tpu.memory_space<vmem>> -> memref<1x128x32xf32, #tpu.memory_space<vmem>>
        %dma_start3A_266 = tpu.memref_squeeze %dma_start3A_265 : memref<1x128x32xf32, #tpu.memory_space<vmem>> -> memref<128x32xf32, #tpu.memory_space<vmem>>
        %dma_start3A_267 = arith.constant 0 : i32
        %dma_start3A_268 = tpu.memref_slice %arg8[%add3A_261, %dma_start3A_267] : memref<80x128xi32, #tpu.memory_space<vmem>> -> memref<1x128xi32, #tpu.memory_space<vmem>>
        %dma_start3A_269 = tpu.memref_squeeze %dma_start3A_268 : memref<1x128xi32, #tpu.memory_space<vmem>> -> memref<128xi32, #tpu.memory_space<vmem>>
        %dma_start3A_270 = arith.constant 0 : i32
        %dma_start3A_271 = arith.constant 0 : i32
        %dma_start3A_272 = tpu.memref_slice %arg3[%dma_start3A_270, %dma_start3A_271] : memref<10240x32xf32, #tpu.memory_space<hbm>> -> memref<10240x32xf32, #tpu.memory_space<hbm>>
        tpu.enqueue_indirect_dma source(%dma_start3A_272 : memref<10240x32xf32, #tpu.memory_space<hbm>>) target(%dma_start3A_266 : memref<128x32xf32, #tpu.memory_space<vmem>>) offsets(%dma_start3A_269 : memref<128xi32, #tpu.memory_space<vmem>>) semaphore(%arg15 : memref<!tpu.dma_semaphore, #tpu.memory_space<semaphore_mem>>)
        %mul3A_273 = arith.constant 4 : i32
        %mul3A_274 = arith.muli %add3A_257, %mul3A_273 : i32
        %add3A_275 = arith.constant 1 : i32
        %add3A_276 = arith.addi %mul3A_274, %add3A_275 : i32
        %dma_start3A_277 = arith.constant 1 : i32
        %dma_start3A_278 = arith.constant 0 : i32
        %dma_start3A_279 = arith.constant 0 : i32
        %dma_start3A_280 = tpu.memref_slice %arg12[%dma_start3A_277, %dma_start3A_278, %dma_start3A_279] : memref<4x128x32xf32, #tpu.memory_space<vmem>> -> memref<1x128x32xf32, #tpu.memory_space<vmem>>
        %dma_start3A_281 = tpu.memref_squeeze %dma_start3A_280 : memref<1x128x32xf32, #tpu.memory_space<vmem>> -> memref<128x32xf32, #tpu.memory_space<vmem>>
        %dma_start3A_282 = arith.constant 0 : i32
        %dma_start3A_283 = tpu.memref_slice %arg8[%add3A_276, %dma_start3A_282] : memref<80x128xi32, #tpu.memory_space<vmem>> -> memref<1x128xi32, #tpu.memory_space<vmem>>
        %dma_start3A_284 = tpu.memref_squeeze %dma_start3A_283 : memref<1x128xi32, #tpu.memory_space<vmem>> -> memref<128xi32, #tpu.memory_space<vmem>>
        %dma_start3A_285 = arith.constant 0 : i32
        %dma_start3A_286 = arith.constant 0 : i32
        %dma_start3A_287 = tpu.memref_slice %arg3[%dma_start3A_285, %dma_start3A_286] : memref<10240x32xf32, #tpu.memory_space<hbm>> -> memref<10240x32xf32, #tpu.memory_space<hbm>>
        tpu.enqueue_indirect_dma source(%dma_start3A_287 : memref<10240x32xf32, #tpu.memory_space<hbm>>) target(%dma_start3A_281 : memref<128x32xf32, #tpu.memory_space<vmem>>) offsets(%dma_start3A_284 : memref<128xi32, #tpu.memory_space<vmem>>) semaphore(%arg15 : memref<!tpu.dma_semaphore, #tpu.memory_space<semaphore_mem>>)
        %mul3A_288 = arith.constant 4 : i32
        %mul3A_289 = arith.muli %add3A_257, %mul3A_288 : i32
        %add3A_290 = arith.constant 2 : i32
        %add3A_291 = arith.addi %mul3A_289, %add3A_290 : i32
        %dma_start3A_292 = arith.constant 2 : i32
        %dma_start3A_293 = arith.constant 0 : i32
        %dma_start3A_294 = arith.constant 0 : i32
        %dma_start3A_295 = tpu.memref_slice %arg12[%dma_start3A_292, %dma_start3A_293, %dma_start3A_294] : memref<4x128x32xf32, #tpu.memory_space<vmem>> -> memref<1x128x32xf32, #tpu.memory_space<vmem>>
        %dma_start3A_296 = tpu.memref_squeeze %dma_start3A_295 : memref<1x128x32xf32, #tpu.memory_space<vmem>> -> memref<128x32xf32, #tpu.memory_space<vmem>>
        %dma_start3A_297 = arith.constant 0 : i32
        %dma_start3A_298 = tpu.memref_slice %arg8[%add3A_291, %dma_start3A_297] : memref<80x128xi32, #tpu.memory_space<vmem>> -> memref<1x128xi32, #tpu.memory_space<vmem>>
        %dma_start3A_299 = tpu.memref_squeeze %dma_start3A_298 : memref<1x128xi32, #tpu.memory_space<vmem>> -> memref<128xi32, #tpu.memory_space<vmem>>
        %dma_start3A_300 = arith.constant 0 : i32
        %dma_start3A_301 = arith.constant 0 : i32
        %dma_start3A_302 = tpu.memref_slice %arg3[%dma_start3A_300, %dma_start3A_301] : memref<10240x32xf32, #tpu.memory_space<hbm>> -> memref<10240x32xf32, #tpu.memory_space<hbm>>
        tpu.enqueue_indirect_dma source(%dma_start3A_302 : memref<10240x32xf32, #tpu.memory_space<hbm>>) target(%dma_start3A_296 : memref<128x32xf32, #tpu.memory_space<vmem>>) offsets(%dma_start3A_299 : memref<128xi32, #tpu.memory_space<vmem>>) semaphore(%arg15 : memref<!tpu.dma_semaphore, #tpu.memory_space<semaphore_mem>>)
        %mul3A_303 = arith.constant 4 : i32
        %mul3A_304 = arith.muli %add3A_257, %mul3A_303 : i32
        %add3A_305 = arith.constant 3 : i32
        %add3A_306 = arith.addi %mul3A_304, %add3A_305 : i32
        %dma_start3A_307 = arith.constant 3 : i32
        %dma_start3A_308 = arith.constant 0 : i32
        %dma_start3A_309 = arith.constant 0 : i32
        %dma_start3A_310 = tpu.memref_slice %arg12[%dma_start3A_307, %dma_start3A_308, %dma_start3A_309] : memref<4x128x32xf32, #tpu.memory_space<vmem>> -> memref<1x128x32xf32, #tpu.memory_space<vmem>>
        %dma_start3A_311 = tpu.memref_squeeze %dma_start3A_310 : memref<1x128x32xf32, #tpu.memory_space<vmem>> -> memref<128x32xf32, #tpu.memory_space<vmem>>
        %dma_start3A_312 = arith.constant 0 : i32
        %dma_start3A_313 = tpu.memref_slice %arg8[%add3A_306, %dma_start3A_312] : memref<80x128xi32, #tpu.memory_space<vmem>> -> memref<1x128xi32, #tpu.memory_space<vmem>>
        %dma_start3A_314 = tpu.memref_squeeze %dma_start3A_313 : memref<1x128xi32, #tpu.memory_space<vmem>> -> memref<128xi32, #tpu.memory_space<vmem>>
        %dma_start3A_315 = arith.constant 0 : i32
        %dma_start3A_316 = arith.constant 0 : i32
        %dma_start3A_317 = tpu.memref_slice %arg3[%dma_start3A_315, %dma_start3A_316] : memref<10240x32xf32, #tpu.memory_space<hbm>> -> memref<10240x32xf32, #tpu.memory_space<hbm>>
        tpu.enqueue_indirect_dma source(%dma_start3A_317 : memref<10240x32xf32, #tpu.memory_space<hbm>>) target(%dma_start3A_311 : memref<128x32xf32, #tpu.memory_space<vmem>>) offsets(%dma_start3A_314 : memref<128xi32, #tpu.memory_space<vmem>>) semaphore(%arg15 : memref<!tpu.dma_semaphore, #tpu.memory_space<semaphore_mem>>)
      } else {
      }
      %mul3A_192 = arith.constant 4 : i32
      %mul3A_193 = arith.muli %add3A_184, %mul3A_192 : i32
      %add3A_194 = arith.constant 0 : i32
      %add3A_195 = arith.addi %mul3A_193, %add3A_194 : i32
      %dma_wait3A_196 = arith.constant 0 : i32
      %dma_wait3A_197 = arith.constant 0 : i32
      %dma_wait3A_198 = arith.constant 0 : i32
      %dma_wait3A_199 = tpu.memref_slice %arg13[%dma_wait3A_196, %dma_wait3A_197, %dma_wait3A_198] : memref<4x128x32xf32, #tpu.memory_space<vmem>> -> memref<1x128x32xf32, #tpu.memory_space<vmem>>
      %dma_wait3A_200 = tpu.memref_squeeze %dma_wait3A_199 : memref<1x128x32xf32, #tpu.memory_space<vmem>> -> memref<128x32xf32, #tpu.memory_space<vmem>>
      %dma_wait3A_201 = arith.constant 0 : i32
      %dma_wait3A_202 = tpu.memref_slice %arg8[%add3A_195, %dma_wait3A_201] : memref<80x128xi32, #tpu.memory_space<vmem>> -> memref<1x128xi32, #tpu.memory_space<vmem>>
      %dma_wait3A_203 = tpu.memref_squeeze %dma_wait3A_202 : memref<1x128xi32, #tpu.memory_space<vmem>> -> memref<128xi32, #tpu.memory_space<vmem>>
      %dma_wait3A_204 = arith.constant 0 : i32
      %dma_wait3A_205 = arith.constant 0 : i32
      %dma_wait3A_206 = tpu.memref_slice %arg3[%dma_wait3A_204, %dma_wait3A_205] : memref<10240x32xf32, #tpu.memory_space<hbm>> -> memref<10240x32xf32, #tpu.memory_space<hbm>>
      tpu.wait_indirect_dma semaphore(%arg16 : memref<!tpu.dma_semaphore, #tpu.memory_space<semaphore_mem>>) src(%dma_wait3A_206 : memref<10240x32xf32, #tpu.memory_space<hbm>>) dst(%dma_wait3A_200 : memref<128x32xf32, #tpu.memory_space<vmem>>)
      %mul3A_207 = arith.constant 4 : i32
      %mul3A_208 = arith.muli %add3A_184, %mul3A_207 : i32
      %add3A_209 = arith.constant 1 : i32
      %add3A_210 = arith.addi %mul3A_208, %add3A_209 : i32
      %dma_wait3A_211 = arith.constant 1 : i32
      %dma_wait3A_212 = arith.constant 0 : i32
      %dma_wait3A_213 = arith.constant 0 : i32
      %dma_wait3A_214 = tpu.memref_slice %arg13[%dma_wait3A_211, %dma_wait3A_212, %dma_wait3A_213] : memref<4x128x32xf32, #tpu.memory_space<vmem>> -> memref<1x128x32xf32, #tpu.memory_space<vmem>>
      %dma_wait3A_215 = tpu.memref_squeeze %dma_wait3A_214 : memref<1x128x32xf32, #tpu.memory_space<vmem>> -> memref<128x32xf32, #tpu.memory_space<vmem>>
      %dma_wait3A_216 = arith.constant 0 : i32
      %dma_wait3A_217 = tpu.memref_slice %arg8[%add3A_210, %dma_wait3A_216] : memref<80x128xi32, #tpu.memory_space<vmem>> -> memref<1x128xi32, #tpu.memory_space<vmem>>
      %dma_wait3A_218 = tpu.memref_squeeze %dma_wait3A_217 : memref<1x128xi32, #tpu.memory_space<vmem>> -> memref<128xi32, #tpu.memory_space<vmem>>
      %dma_wait3A_219 = arith.constant 0 : i32
      %dma_wait3A_220 = arith.constant 0 : i32
      %dma_wait3A_221 = tpu.memref_slice %arg3[%dma_wait3A_219, %dma_wait3A_220] : memref<10240x32xf32, #tpu.memory_space<hbm>> -> memref<10240x32xf32, #tpu.memory_space<hbm>>
      tpu.wait_indirect_dma semaphore(%arg16 : memref<!tpu.dma_semaphore, #tpu.memory_space<semaphore_mem>>) src(%dma_wait3A_221 : memref<10240x32xf32, #tpu.memory_space<hbm>>) dst(%dma_wait3A_215 : memref<128x32xf32, #tpu.memory_space<vmem>>)
      %mul3A_222 = arith.constant 4 : i32
      %mul3A_223 = arith.muli %add3A_184, %mul3A_222 : i32
      %add3A_224 = arith.constant 2 : i32
      %add3A_225 = arith.addi %mul3A_223, %add3A_224 : i32
      %dma_wait3A_226 = arith.constant 2 : i32
      %dma_wait3A_227 = arith.constant 0 : i32
      %dma_wait3A_228 = arith.constant 0 : i32
      %dma_wait3A_229 = tpu.memref_slice %arg13[%dma_wait3A_226, %dma_wait3A_227, %dma_wait3A_228] : memref<4x128x32xf32, #tpu.memory_space<vmem>> -> memref<1x128x32xf32, #tpu.memory_space<vmem>>
      %dma_wait3A_230 = tpu.memref_squeeze %dma_wait3A_229 : memref<1x128x32xf32, #tpu.memory_space<vmem>> -> memref<128x32xf32, #tpu.memory_space<vmem>>
      %dma_wait3A_231 = arith.constant 0 : i32
      %dma_wait3A_232 = tpu.memref_slice %arg8[%add3A_225, %dma_wait3A_231] : memref<80x128xi32, #tpu.memory_space<vmem>> -> memref<1x128xi32, #tpu.memory_space<vmem>>
      %dma_wait3A_233 = tpu.memref_squeeze %dma_wait3A_232 : memref<1x128xi32, #tpu.memory_space<vmem>> -> memref<128xi32, #tpu.memory_space<vmem>>
      %dma_wait3A_234 = arith.constant 0 : i32
      %dma_wait3A_235 = arith.constant 0 : i32
      %dma_wait3A_236 = tpu.memref_slice %arg3[%dma_wait3A_234, %dma_wait3A_235] : memref<10240x32xf32, #tpu.memory_space<hbm>> -> memref<10240x32xf32, #tpu.memory_space<hbm>>
      tpu.wait_indirect_dma semaphore(%arg16 : memref<!tpu.dma_semaphore, #tpu.memory_space<semaphore_mem>>) src(%dma_wait3A_236 : memref<10240x32xf32, #tpu.memory_space<hbm>>) dst(%dma_wait3A_230 : memref<128x32xf32, #tpu.memory_space<vmem>>)
      %mul3A_237 = arith.constant 4 : i32
      %mul3A_238 = arith.muli %add3A_184, %mul3A_237 : i32
      %add3A_239 = arith.constant 3 : i32
      %add3A_240 = arith.addi %mul3A_238, %add3A_239 : i32
      %dma_wait3A_241 = arith.constant 3 : i32
      %dma_wait3A_242 = arith.constant 0 : i32
      %dma_wait3A_243 = arith.constant 0 : i32
      %dma_wait3A_244 = tpu.memref_slice %arg13[%dma_wait3A_241, %dma_wait3A_242, %dma_wait3A_243] : memref<4x128x32xf32, #tpu.memory_space<vmem>> -> memref<1x128x32xf32, #tpu.memory_space<vmem>>
      %dma_wait3A_245 = tpu.memref_squeeze %dma_wait3A_244 : memref<1x128x32xf32, #tpu.memory_space<vmem>> -> memref<128x32xf32, #tpu.memory_space<vmem>>
      %dma_wait3A_246 = arith.constant 0 : i32
      %dma_wait3A_247 = tpu.memref_slice %arg8[%add3A_240, %dma_wait3A_246] : memref<80x128xi32, #tpu.memory_space<vmem>> -> memref<1x128xi32, #tpu.memory_space<vmem>>
      %dma_wait3A_248 = tpu.memref_squeeze %dma_wait3A_247 : memref<1x128xi32, #tpu.memory_space<vmem>> -> memref<128xi32, #tpu.memory_space<vmem>>
      %dma_wait3A_249 = arith.constant 0 : i32
      %dma_wait3A_250 = arith.constant 0 : i32
      %dma_wait3A_251 = tpu.memref_slice %arg3[%dma_wait3A_249, %dma_wait3A_250] : memref<10240x32xf32, #tpu.memory_space<hbm>> -> memref<10240x32xf32, #tpu.memory_space<hbm>>
      tpu.wait_indirect_dma semaphore(%arg16 : memref<!tpu.dma_semaphore, #tpu.memory_space<semaphore_mem>>) src(%dma_wait3A_251 : memref<10240x32xf32, #tpu.memory_space<hbm>>) dst(%dma_wait3A_245 : memref<128x32xf32, #tpu.memory_space<vmem>>)
    }
    %scan3A_110 = arith.constant 10 : i32
    %barrier3A_111 = arith.constant 0 : index
    tpu.barrier barrier_id(%barrier3A_111)
    %run_scoped3A_112 = arith.constant 1 : i32
    "tpu.region"() ({
      %run_scoped3A_113 = tpu.sem_alloc : memref<!tpu.dma_semaphore, #tpu.memory_space<semaphore_mem>>
      %dma_start3A_114 = arith.constant 0 : i32
      %dma_start3A_115 = tpu.memref_slice %arg7[%arg0, %run_scoped3A_112, %mul3A_2, %dma_start3A_114] : memref<2x2x10240x64xf32, #tpu.memory_space<hbm>> -> memref<1x1x640x64xf32, #tpu.memory_space<hbm>>
      %dma_start3A_116 = tpu.memref_squeeze %dma_start3A_115 : memref<1x1x640x64xf32, #tpu.memory_space<hbm>> -> memref<640x64xf32, #tpu.memory_space<hbm>>
      %dma_start3A_117 = arith.constant 0 : i32
      %dma_start3A_118 = tpu.memref_slice %arg14[%mul3A_2, %dma_start3A_117] : memref<10240x64xf32, #tpu.memory_space<vmem_shared>> -> memref<640x64xf32, #tpu.memory_space<vmem_shared>>
      tpu.enqueue_dma source(%dma_start3A_118 : memref<640x64xf32, #tpu.memory_space<vmem_shared>>) target(%dma_start3A_116 : memref<640x64xf32, #tpu.memory_space<hbm>>) target_semaphore(%run_scoped3A_113 : memref<!tpu.dma_semaphore, #tpu.memory_space<semaphore_mem>>)
      %dma_wait3A = arith.constant 0 : i32
      %dma_wait3A_119 = tpu.memref_slice %arg7[%arg0, %run_scoped3A_112, %mul3A_2, %dma_wait3A] : memref<2x2x10240x64xf32, #tpu.memory_space<hbm>> -> memref<1x1x640x64xf32, #tpu.memory_space<hbm>>
      %dma_wait3A_120 = tpu.memref_squeeze %dma_wait3A_119 : memref<1x1x640x64xf32, #tpu.memory_space<hbm>> -> memref<640x64xf32, #tpu.memory_space<hbm>>
      %dma_wait3A_121 = arith.constant 0 : i32
      %dma_wait3A_122 = tpu.memref_slice %arg14[%mul3A_2, %dma_wait3A_121] : memref<10240x64xf32, #tpu.memory_space<vmem_shared>> -> memref<640x64xf32, #tpu.memory_space<vmem_shared>>
      tpu.wait_dma2 semaphore(%run_scoped3A_113 : memref<!tpu.dma_semaphore, #tpu.memory_space<semaphore_mem>>) src(%dma_wait3A_122 : memref<640x64xf32, #tpu.memory_space<vmem_shared>>) dst(%dma_wait3A_120 : memref<640x64xf32, #tpu.memory_space<hbm>>)
      tpu.yield
    }) : () -> ()
    return
  }
}

module attributes {stable_mosaic.version = 14 : i64} {
  func.func @_tc_body(%arg0: i32, %arg1: memref<2x2x512x64xf32, #tpu.memory_space<vmem>>, %arg2: memref<2x512x8xf32, #tpu.memory_space<vmem>>, %arg3: memref<512x64xf32, #tpu.memory_space<vmem>>, %arg4: memref<512x64xf32, #tpu.memory_space<vmem>>, %arg5: memref<128x128xf32, #tpu.memory_space<vmem>>, %arg6: memref<128x128xf32, #tpu.memory_space<vmem>>, %arg7: memref<1x128xf32, #tpu.memory_space<vmem>>, %arg8: memref<512x64xf32, #tpu.memory_space<vmem>>, %arg9: memref<512x64xf32, #tpu.memory_space<vmem>>) attributes {dimension_semantics = [#tpu.dimension_semantics<arbitrary>], iteration_bounds = array<i64: 20>, scalar_prefetch = 0 : i64, scratch_operands = 0 : i64, tpu.core_type = #tpu.core_type<tc>, window_params = [{transform_indices = @transform_0, window_bounds = array<i64: 2, 2, 512, 64>}, {transform_indices = @transform_1, window_bounds = array<i64: 2, 512, 8>}, {transform_indices = @transform_2, window_bounds = array<i64: 512, 64>}, {transform_indices = @transform_3, window_bounds = array<i64: 512, 64>}, {pipeline_mode = #tpu.pipeline_mode<synchronous>, transform_indices = @transform_4, window_bounds = array<i64: 128, 128>}, {pipeline_mode = #tpu.pipeline_mode<synchronous>, transform_indices = @transform_5, window_bounds = array<i64: 128, 128>}, {pipeline_mode = #tpu.pipeline_mode<synchronous>, transform_indices = @transform_6, window_bounds = array<i64: 1, 128>}, {transform_indices = @transform_7, window_bounds = array<i64: 512, 64>}, {transform_indices = @transform_8, window_bounds = array<i64: 512, 64>}]} {
    %get3A = arith.constant 0 : index
    %get3A_0 = arith.constant 0 : index
    %get3A_1 = arith.constant 0 : index
    %get3A_2 = vector.load %arg2[%get3A, %get3A_0, %get3A_1] : memref<2x512x8xf32, #tpu.memory_space<vmem>>, vector<1x512x8xf32>
    %get3A_3 = vector.shape_cast %get3A_2 : vector<1x512x8xf32> to vector<512x8xf32>
    %get3A_4 = arith.constant 1 : index
    %get3A_5 = arith.constant 0 : index
    %get3A_6 = arith.constant 0 : index
    %get3A_7 = vector.load %arg2[%get3A_4, %get3A_5, %get3A_6] : memref<2x512x8xf32, #tpu.memory_space<vmem>>, vector<1x512x8xf32>
    %get3A_8 = vector.shape_cast %get3A_7 : vector<1x512x8xf32> to vector<512x8xf32>
    %add3A = arith.addf %get3A_3, %get3A_8 : vector<512x8xf32>
    %slice3A = vector.extract_strided_slice %add3A {offsets = [0, 0], sizes = [512, 1], strides = [1, 1]} : vector<512x8xf32> to vector<512x1xf32>
    %max3A = arith.constant 1.000000e+00 : f32
    %max3A_9 = vector.broadcast %max3A : f32 to vector<512x1xf32>
    %max3A_10 = arith.maximumf %slice3A, %max3A_9 : vector<512x1xf32>
    %div3A = arith.constant 1.000000e+00 : f32
    %div3A_11 = vector.broadcast %div3A : f32 to vector<512x1xf32>
    %div3A_12 = arith.divf %div3A_11, %max3A_10 : vector<512x1xf32>
    %get3A_13 = arith.constant 0 : index
    %get3A_14 = arith.constant 0 : index
    %get3A_15 = arith.constant 0 : index
    %get3A_16 = arith.constant 0 : index
    %get3A_17 = vector.load %arg1[%get3A_13, %get3A_14, %get3A_15, %get3A_16] : memref<2x2x512x64xf32, #tpu.memory_space<vmem>>, vector<1x1x512x64xf32>
    %get3A_18 = vector.shape_cast %get3A_17 : vector<1x1x512x64xf32> to vector<512x64xf32>
    %get3A_19 = arith.constant 1 : index
    %get3A_20 = arith.constant 0 : index
    %get3A_21 = arith.constant 0 : index
    %get3A_22 = arith.constant 0 : index
    %get3A_23 = vector.load %arg1[%get3A_19, %get3A_20, %get3A_21, %get3A_22] : memref<2x2x512x64xf32, #tpu.memory_space<vmem>>, vector<1x1x512x64xf32>
    %get3A_24 = vector.shape_cast %get3A_23 : vector<1x1x512x64xf32> to vector<512x64xf32>
    %add3A_25 = arith.addf %get3A_18, %get3A_24 : vector<512x64xf32>
    %mul3A = vector.broadcast %div3A_12 : vector<512x1xf32> to vector<512x64xf32>
    %mul3A_26 = arith.mulf %add3A_25, %mul3A : vector<512x64xf32>
    %get3A_27 = arith.constant 0 : index
    %get3A_28 = arith.constant 0 : index
    %get3A_29 = vector.load %arg5[%get3A_27, %get3A_28] : memref<128x128xf32, #tpu.memory_space<vmem>>, vector<64x128xf32>
    %dot_general3A = arith.constant dense<0.000000e+00> : vector<512x128xf32>
    %dot_general3A_30 = tpu.matmul %mul3A_26, %get3A_29, %dot_general3A {dimension_numbers = #tpu.dot_dimension_numbers<[1], [0], [0], [1], [0, 0, 1, 1], [], []>, transpose_lhs_hint = false} : vector<512x64xf32>, vector<64x128xf32>, vector<512x128xf32> -> vector<512x128xf32>
    %get3A_31 = arith.constant 0 : index
    %get3A_32 = arith.constant 1 : index
    %get3A_33 = arith.constant 0 : index
    %get3A_34 = arith.constant 0 : index
    %get3A_35 = vector.load %arg1[%get3A_31, %get3A_32, %get3A_33, %get3A_34] : memref<2x2x512x64xf32, #tpu.memory_space<vmem>>, vector<1x1x512x64xf32>
    %get3A_36 = vector.shape_cast %get3A_35 : vector<1x1x512x64xf32> to vector<512x64xf32>
    %get3A_37 = arith.constant 1 : index
    %get3A_38 = arith.constant 1 : index
    %get3A_39 = arith.constant 0 : index
    %get3A_40 = arith.constant 0 : index
    %get3A_41 = vector.load %arg1[%get3A_37, %get3A_38, %get3A_39, %get3A_40] : memref<2x2x512x64xf32, #tpu.memory_space<vmem>>, vector<1x1x512x64xf32>
    %get3A_42 = vector.shape_cast %get3A_41 : vector<1x1x512x64xf32> to vector<512x64xf32>
    %add3A_43 = arith.addf %get3A_36, %get3A_42 : vector<512x64xf32>
    %mul3A_44 = vector.broadcast %div3A_12 : vector<512x1xf32> to vector<512x64xf32>
    %mul3A_45 = arith.mulf %add3A_43, %mul3A_44 : vector<512x64xf32>
    %get3A_46 = arith.constant 64 : index
    %get3A_47 = arith.constant 0 : index
    %get3A_48 = vector.load %arg5[%get3A_46, %get3A_47] : memref<128x128xf32, #tpu.memory_space<vmem>>, vector<64x128xf32>
    %dot_general3A_49 = arith.constant dense<0.000000e+00> : vector<512x128xf32>
    %dot_general3A_50 = tpu.matmul %mul3A_45, %get3A_48, %dot_general3A_49 {dimension_numbers = #tpu.dot_dimension_numbers<[1], [0], [0], [1], [0, 0, 1, 1], [], []>, transpose_lhs_hint = false} : vector<512x64xf32>, vector<64x128xf32>, vector<512x128xf32> -> vector<512x128xf32>
    %add3A_51 = arith.addf %dot_general3A_30, %dot_general3A_50 : vector<512x128xf32>
    %get3A_52 = arith.constant 0 : index
    %get3A_53 = arith.constant 0 : index
    %get3A_54 = vector.load %arg3[%get3A_52, %get3A_53] : memref<512x64xf32, #tpu.memory_space<vmem>>, vector<512x64xf32>
    %get3A_55 = arith.constant 0 : index
    %get3A_56 = arith.constant 0 : index
    %get3A_57 = vector.load %arg6[%get3A_55, %get3A_56] : memref<128x128xf32, #tpu.memory_space<vmem>>, vector<64x128xf32>
    %dot_general3A_58 = arith.constant dense<0.000000e+00> : vector<512x128xf32>
    %dot_general3A_59 = tpu.matmul %get3A_54, %get3A_57, %dot_general3A_58 {dimension_numbers = #tpu.dot_dimension_numbers<[1], [0], [0], [1], [0, 0, 1, 1], [], []>, transpose_lhs_hint = false} : vector<512x64xf32>, vector<64x128xf32>, vector<512x128xf32> -> vector<512x128xf32>
    %add3A_60 = arith.addf %add3A_51, %dot_general3A_59 : vector<512x128xf32>
    %get3A_61 = arith.constant 0 : index
    %get3A_62 = arith.constant 0 : index
    %get3A_63 = vector.load %arg4[%get3A_61, %get3A_62] : memref<512x64xf32, #tpu.memory_space<vmem>>, vector<512x64xf32>
    %get3A_64 = arith.constant 64 : index
    %get3A_65 = arith.constant 0 : index
    %get3A_66 = vector.load %arg6[%get3A_64, %get3A_65] : memref<128x128xf32, #tpu.memory_space<vmem>>, vector<64x128xf32>
    %dot_general3A_67 = arith.constant dense<0.000000e+00> : vector<512x128xf32>
    %dot_general3A_68 = tpu.matmul %get3A_63, %get3A_66, %dot_general3A_67 {dimension_numbers = #tpu.dot_dimension_numbers<[1], [0], [0], [1], [0, 0, 1, 1], [], []>, transpose_lhs_hint = false} : vector<512x64xf32>, vector<64x128xf32>, vector<512x128xf32> -> vector<512x128xf32>
    %add3A_69 = arith.addf %add3A_60, %dot_general3A_68 : vector<512x128xf32>
    %get3A_70 = arith.constant 0 : index
    %get3A_71 = arith.constant 0 : index
    %get3A_72 = vector.load %arg7[%get3A_70, %get3A_71] : memref<1x128xf32, #tpu.memory_space<vmem>>, vector<1x128xf32>
    %add3A_73 = vector.broadcast %get3A_72 : vector<1x128xf32> to vector<512x128xf32>
    %add3A_74 = arith.addf %add3A_69, %add3A_73 : vector<512x128xf32>
    %max3A_75 = arith.constant 0.000000e+00 : f32
    %max3A_76 = vector.broadcast %max3A_75 : f32 to vector<512x128xf32>
    %max3A_77 = arith.maximumf %add3A_74, %max3A_76 : vector<512x128xf32>
    %slice3A_78 = vector.extract_strided_slice %max3A_77 {offsets = [0, 0], sizes = [512, 64], strides = [1, 1]} : vector<512x128xf32> to vector<512x64xf32>
    %swap3A = arith.constant 0 : index
    %swap3A_79 = arith.constant 0 : index
    %swap3A_80 = vector.load %arg8[%swap3A, %swap3A_79] : memref<512x64xf32, #tpu.memory_space<vmem>>, vector<512x64xf32>
    tpu.vector_store %arg8[%swap3A, %swap3A_79], %slice3A_78 {strides = array<i32>} : memref<512x64xf32, #tpu.memory_space<vmem>>, vector<512x64xf32>,
    %slice3A_81 = vector.extract_strided_slice %max3A_77 {offsets = [0, 64], sizes = [512, 64], strides = [1, 1]} : vector<512x128xf32> to vector<512x64xf32>
    %swap3A_82 = arith.constant 0 : index
    %swap3A_83 = arith.constant 0 : index
    %swap3A_84 = vector.load %arg9[%swap3A_82, %swap3A_83] : memref<512x64xf32, #tpu.memory_space<vmem>>, vector<512x64xf32>
    tpu.vector_store %arg9[%swap3A_82, %swap3A_83], %slice3A_81 {strides = array<i32>} : memref<512x64xf32, #tpu.memory_space<vmem>>, vector<512x64xf32>,
    return
  }
  func.func @transform_0(%arg0: i32) -> (i32, i32, i32, i32) {
    %c0_i32 = arith.constant 0 : i32
    %c0_i32_0 = arith.constant 0 : i32
    %c0_i32_1 = arith.constant 0 : i32
    %c0_i32_2 = arith.constant 0 : i32
    return %c0_i32, %c0_i32_0, %arg0, %c0_i32_1 : i32, i32, i32, i32
  }
  func.func @transform_1(%arg0: i32) -> (i32, i32, i32) {
    %c0_i32 = arith.constant 0 : i32
    %c0_i32_0 = arith.constant 0 : i32
    %c0_i32_1 = arith.constant 0 : i32
    return %c0_i32, %arg0, %c0_i32_0 : i32, i32, i32
  }
  func.func @transform_2(%arg0: i32) -> (i32, i32) {
    %c0_i32 = arith.constant 0 : i32
    %c0_i32_0 = arith.constant 0 : i32
    return %arg0, %c0_i32 : i32, i32
  }
  func.func @transform_3(%arg0: i32) -> (i32, i32) {
    %c0_i32 = arith.constant 0 : i32
    %c0_i32_0 = arith.constant 0 : i32
    return %arg0, %c0_i32 : i32, i32
  }
  func.func @transform_4(%arg0: i32) -> (i32, i32) {
    %c0_i32 = arith.constant 0 : i32
    %c0_i32_0 = arith.constant 0 : i32
    %c0_i32_1 = arith.constant 0 : i32
    return %c0_i32, %c0_i32_0 : i32, i32
  }
  func.func @transform_5(%arg0: i32) -> (i32, i32) {
    %c0_i32 = arith.constant 0 : i32
    %c0_i32_0 = arith.constant 0 : i32
    %c0_i32_1 = arith.constant 0 : i32
    return %c0_i32, %c0_i32_0 : i32, i32
  }
  func.func @transform_6(%arg0: i32) -> (i32, i32) {
    %c0_i32 = arith.constant 0 : i32
    %c0_i32_0 = arith.constant 0 : i32
    %c0_i32_1 = arith.constant 0 : i32
    return %c0_i32, %c0_i32_0 : i32, i32
  }
  func.func @transform_7(%arg0: i32) -> (i32, i32) {
    %c0_i32 = arith.constant 0 : i32
    %c0_i32_0 = arith.constant 0 : i32
    return %arg0, %c0_i32 : i32, i32
  }
  func.func @transform_8(%arg0: i32) -> (i32, i32) {
    %c0_i32 = arith.constant 0 : i32
    %c0_i32_0 = arith.constant 0 : i32
    return %arg0, %c0_i32 : i32, i32
  }
}

module attributes {stable_mosaic.version = 14 : i64} {
  func.func @_tc_body(%arg0: i32, %arg1: memref<2x2x512x64xf32, #tpu.memory_space<vmem>>, %arg2: memref<2x512x8xf32, #tpu.memory_space<vmem>>, %arg3: memref<512x64xf32, #tpu.memory_space<vmem>>, %arg4: memref<512x64xf32, #tpu.memory_space<vmem>>, %arg5: memref<128x128xf32, #tpu.memory_space<vmem>>, %arg6: memref<128x128xf32, #tpu.memory_space<vmem>>, %arg7: memref<1x128xf32, #tpu.memory_space<vmem>>, %arg8: memref<512x128xf32, #tpu.memory_space<vmem>>) attributes {dimension_semantics = [#tpu.dimension_semantics<arbitrary>], iteration_bounds = array<i64: 20>, scalar_prefetch = 0 : i64, scratch_operands = 0 : i64, tpu.core_type = #tpu.core_type<tc>, window_params = [{transform_indices = @transform_0, window_bounds = array<i64: 2, 2, 512, 64>}, {transform_indices = @transform_1, window_bounds = array<i64: 2, 512, 8>}, {transform_indices = @transform_2, window_bounds = array<i64: 512, 64>}, {transform_indices = @transform_3, window_bounds = array<i64: 512, 64>}, {pipeline_mode = #tpu.pipeline_mode<synchronous>, transform_indices = @transform_4, window_bounds = array<i64: 128, 128>}, {pipeline_mode = #tpu.pipeline_mode<synchronous>, transform_indices = @transform_5, window_bounds = array<i64: 128, 128>}, {pipeline_mode = #tpu.pipeline_mode<synchronous>, transform_indices = @transform_6, window_bounds = array<i64: 1, 128>}, {transform_indices = @transform_7, window_bounds = array<i64: 512, 128>}]} {
    %get3A = arith.constant 0 : index
    %get3A_0 = arith.constant 0 : index
    %get3A_1 = arith.constant 0 : index
    %get3A_2 = vector.load %arg2[%get3A, %get3A_0, %get3A_1] : memref<2x512x8xf32, #tpu.memory_space<vmem>>, vector<1x512x8xf32>
    %get3A_3 = vector.shape_cast %get3A_2 : vector<1x512x8xf32> to vector<512x8xf32>
    %get3A_4 = arith.constant 1 : index
    %get3A_5 = arith.constant 0 : index
    %get3A_6 = arith.constant 0 : index
    %get3A_7 = vector.load %arg2[%get3A_4, %get3A_5, %get3A_6] : memref<2x512x8xf32, #tpu.memory_space<vmem>>, vector<1x512x8xf32>
    %get3A_8 = vector.shape_cast %get3A_7 : vector<1x512x8xf32> to vector<512x8xf32>
    %add3A = arith.addf %get3A_3, %get3A_8 : vector<512x8xf32>
    %slice3A = vector.extract_strided_slice %add3A {offsets = [0, 0], sizes = [512, 1], strides = [1, 1]} : vector<512x8xf32> to vector<512x1xf32>
    %max3A = arith.constant 1.000000e+00 : f32
    %max3A_9 = vector.broadcast %max3A : f32 to vector<512x1xf32>
    %max3A_10 = arith.maximumf %slice3A, %max3A_9 : vector<512x1xf32>
    %div3A = arith.constant 1.000000e+00 : f32
    %div3A_11 = vector.broadcast %div3A : f32 to vector<512x1xf32>
    %div3A_12 = arith.divf %div3A_11, %max3A_10 : vector<512x1xf32>
    %get3A_13 = arith.constant 0 : index
    %get3A_14 = arith.constant 0 : index
    %get3A_15 = arith.constant 0 : index
    %get3A_16 = arith.constant 0 : index
    %get3A_17 = vector.load %arg1[%get3A_13, %get3A_14, %get3A_15, %get3A_16] : memref<2x2x512x64xf32, #tpu.memory_space<vmem>>, vector<1x1x512x64xf32>
    %get3A_18 = vector.shape_cast %get3A_17 : vector<1x1x512x64xf32> to vector<512x64xf32>
    %get3A_19 = arith.constant 1 : index
    %get3A_20 = arith.constant 0 : index
    %get3A_21 = arith.constant 0 : index
    %get3A_22 = arith.constant 0 : index
    %get3A_23 = vector.load %arg1[%get3A_19, %get3A_20, %get3A_21, %get3A_22] : memref<2x2x512x64xf32, #tpu.memory_space<vmem>>, vector<1x1x512x64xf32>
    %get3A_24 = vector.shape_cast %get3A_23 : vector<1x1x512x64xf32> to vector<512x64xf32>
    %add3A_25 = arith.addf %get3A_18, %get3A_24 : vector<512x64xf32>
    %mul3A = vector.broadcast %div3A_12 : vector<512x1xf32> to vector<512x64xf32>
    %mul3A_26 = arith.mulf %add3A_25, %mul3A : vector<512x64xf32>
    %get3A_27 = arith.constant 0 : index
    %get3A_28 = arith.constant 0 : index
    %get3A_29 = vector.load %arg5[%get3A_27, %get3A_28] : memref<128x128xf32, #tpu.memory_space<vmem>>, vector<64x128xf32>
    %dot_general3A = arith.constant dense<0.000000e+00> : vector<512x128xf32>
    %dot_general3A_30 = tpu.matmul %mul3A_26, %get3A_29, %dot_general3A {dimension_numbers = #tpu.dot_dimension_numbers<[1], [0], [0], [1], [0, 0, 1, 1], [], []>, transpose_lhs_hint = false} : vector<512x64xf32>, vector<64x128xf32>, vector<512x128xf32> -> vector<512x128xf32>
    %get3A_31 = arith.constant 0 : index
    %get3A_32 = arith.constant 1 : index
    %get3A_33 = arith.constant 0 : index
    %get3A_34 = arith.constant 0 : index
    %get3A_35 = vector.load %arg1[%get3A_31, %get3A_32, %get3A_33, %get3A_34] : memref<2x2x512x64xf32, #tpu.memory_space<vmem>>, vector<1x1x512x64xf32>
    %get3A_36 = vector.shape_cast %get3A_35 : vector<1x1x512x64xf32> to vector<512x64xf32>
    %get3A_37 = arith.constant 1 : index
    %get3A_38 = arith.constant 1 : index
    %get3A_39 = arith.constant 0 : index
    %get3A_40 = arith.constant 0 : index
    %get3A_41 = vector.load %arg1[%get3A_37, %get3A_38, %get3A_39, %get3A_40] : memref<2x2x512x64xf32, #tpu.memory_space<vmem>>, vector<1x1x512x64xf32>
    %get3A_42 = vector.shape_cast %get3A_41 : vector<1x1x512x64xf32> to vector<512x64xf32>
    %add3A_43 = arith.addf %get3A_36, %get3A_42 : vector<512x64xf32>
    %mul3A_44 = vector.broadcast %div3A_12 : vector<512x1xf32> to vector<512x64xf32>
    %mul3A_45 = arith.mulf %add3A_43, %mul3A_44 : vector<512x64xf32>
    %get3A_46 = arith.constant 64 : index
    %get3A_47 = arith.constant 0 : index
    %get3A_48 = vector.load %arg5[%get3A_46, %get3A_47] : memref<128x128xf32, #tpu.memory_space<vmem>>, vector<64x128xf32>
    %dot_general3A_49 = arith.constant dense<0.000000e+00> : vector<512x128xf32>
    %dot_general3A_50 = tpu.matmul %mul3A_45, %get3A_48, %dot_general3A_49 {dimension_numbers = #tpu.dot_dimension_numbers<[1], [0], [0], [1], [0, 0, 1, 1], [], []>, transpose_lhs_hint = false} : vector<512x64xf32>, vector<64x128xf32>, vector<512x128xf32> -> vector<512x128xf32>
    %add3A_51 = arith.addf %dot_general3A_30, %dot_general3A_50 : vector<512x128xf32>
    %get3A_52 = arith.constant 0 : index
    %get3A_53 = arith.constant 0 : index
    %get3A_54 = vector.load %arg3[%get3A_52, %get3A_53] : memref<512x64xf32, #tpu.memory_space<vmem>>, vector<512x64xf32>
    %get3A_55 = arith.constant 0 : index
    %get3A_56 = arith.constant 0 : index
    %get3A_57 = vector.load %arg6[%get3A_55, %get3A_56] : memref<128x128xf32, #tpu.memory_space<vmem>>, vector<64x128xf32>
    %dot_general3A_58 = arith.constant dense<0.000000e+00> : vector<512x128xf32>
    %dot_general3A_59 = tpu.matmul %get3A_54, %get3A_57, %dot_general3A_58 {dimension_numbers = #tpu.dot_dimension_numbers<[1], [0], [0], [1], [0, 0, 1, 1], [], []>, transpose_lhs_hint = false} : vector<512x64xf32>, vector<64x128xf32>, vector<512x128xf32> -> vector<512x128xf32>
    %add3A_60 = arith.addf %add3A_51, %dot_general3A_59 : vector<512x128xf32>
    %get3A_61 = arith.constant 0 : index
    %get3A_62 = arith.constant 0 : index
    %get3A_63 = vector.load %arg4[%get3A_61, %get3A_62] : memref<512x64xf32, #tpu.memory_space<vmem>>, vector<512x64xf32>
    %get3A_64 = arith.constant 64 : index
    %get3A_65 = arith.constant 0 : index
    %get3A_66 = vector.load %arg6[%get3A_64, %get3A_65] : memref<128x128xf32, #tpu.memory_space<vmem>>, vector<64x128xf32>
    %dot_general3A_67 = arith.constant dense<0.000000e+00> : vector<512x128xf32>
    %dot_general3A_68 = tpu.matmul %get3A_63, %get3A_66, %dot_general3A_67 {dimension_numbers = #tpu.dot_dimension_numbers<[1], [0], [0], [1], [0, 0, 1, 1], [], []>, transpose_lhs_hint = false} : vector<512x64xf32>, vector<64x128xf32>, vector<512x128xf32> -> vector<512x128xf32>
    %add3A_69 = arith.addf %add3A_60, %dot_general3A_68 : vector<512x128xf32>
    %get3A_70 = arith.constant 0 : index
    %get3A_71 = arith.constant 0 : index
    %get3A_72 = vector.load %arg7[%get3A_70, %get3A_71] : memref<1x128xf32, #tpu.memory_space<vmem>>, vector<1x128xf32>
    %add3A_73 = vector.broadcast %get3A_72 : vector<1x128xf32> to vector<512x128xf32>
    %add3A_74 = arith.addf %add3A_69, %add3A_73 : vector<512x128xf32>
    %swap3A = arith.constant 0 : index
    %swap3A_75 = arith.constant 0 : index
    %swap3A_76 = vector.load %arg8[%swap3A, %swap3A_75] : memref<512x128xf32, #tpu.memory_space<vmem>>, vector<512x128xf32>
    tpu.vector_store %arg8[%swap3A, %swap3A_75], %add3A_74 {strides = array<i32>} : memref<512x128xf32, #tpu.memory_space<vmem>>, vector<512x128xf32>,
    return
  }
  func.func @transform_0(%arg0: i32) -> (i32, i32, i32, i32) {
    %c0_i32 = arith.constant 0 : i32
    %c0_i32_0 = arith.constant 0 : i32
    %c0_i32_1 = arith.constant 0 : i32
    %c0_i32_2 = arith.constant 0 : i32
    return %c0_i32, %c0_i32_0, %arg0, %c0_i32_1 : i32, i32, i32, i32
  }
  func.func @transform_1(%arg0: i32) -> (i32, i32, i32) {
    %c0_i32 = arith.constant 0 : i32
    %c0_i32_0 = arith.constant 0 : i32
    %c0_i32_1 = arith.constant 0 : i32
    return %c0_i32, %arg0, %c0_i32_0 : i32, i32, i32
  }
  func.func @transform_2(%arg0: i32) -> (i32, i32) {
    %c0_i32 = arith.constant 0 : i32
    %c0_i32_0 = arith.constant 0 : i32
    return %arg0, %c0_i32 : i32, i32
  }
  func.func @transform_3(%arg0: i32) -> (i32, i32) {
    %c0_i32 = arith.constant 0 : i32
    %c0_i32_0 = arith.constant 0 : i32
    return %arg0, %c0_i32 : i32, i32
  }
  func.func @transform_4(%arg0: i32) -> (i32, i32) {
    %c0_i32 = arith.constant 0 : i32
    %c0_i32_0 = arith.constant 0 : i32
    %c0_i32_1 = arith.constant 0 : i32
    return %c0_i32, %c0_i32_0 : i32, i32
  }
  func.func @transform_5(%arg0: i32) -> (i32, i32) {
    %c0_i32 = arith.constant 0 : i32
    %c0_i32_0 = arith.constant 0 : i32
    %c0_i32_1 = arith.constant 0 : i32
    return %c0_i32, %c0_i32_0 : i32, i32
  }
  func.func @transform_6(%arg0: i32) -> (i32, i32) {
    %c0_i32 = arith.constant 0 : i32
    %c0_i32_0 = arith.constant 0 : i32
    %c0_i32_1 = arith.constant 0 : i32
    return %c0_i32, %c0_i32_0 : i32, i32
  }
  func.func @transform_7(%arg0: i32) -> (i32, i32) {
    %c0_i32 = arith.constant 0 : i32
    %c0_i32_0 = arith.constant 0 : i32
    return %arg0, %c0_i32 : i32, i32
  }
}

</mosaic_0001>

<sc_bundles>
// kernel: kernel.10.cloned.1.call-start
scs
__scs_entry_jumppad:
0x0: {  	(pc) =	sbr.rel $0x88, $3  }
0x1: {  	(tag) =	ssettag $0x0;
	lr =	simm.s32 $0x1  }
0x2: {  	[smem:$0x3F99] =	sst lr;
	_ =	strace $0xD0000000  }
0x3: {  	_ = 	snop  }
0x4: {  	_ = 	snop  }
0x5: {  	_ = 	snop  }
0x6: {  	_ = 	snop  }
0x7: {  	_ = 	snop  }
__scs_overlays_trampoline_lowered:
0x8: {  	[smem:$0x3FA8] =	sst s0  }
0x9: {  	[smem:$0x3FA9] =	sst s1  }
0xa: {  	[smem:$0x3FAA] =	sst s2  }
0xb: {  	[smem:$0x3FAB] =	sst s3  }
0xc: {  	[smem:$0x3FAC] =	sst s4  }
0xd: {  	[smem:$0x3FAD] =	sst s5  }
0xe: {  	[smem:$0x3FAE] =	sst s6  }
0xf: {  	[smem:$0x3FAF] =	sst s7  }
0x10: {  	[smem:$0x3FB0] =	sst s8  }
0x11: {  	[smem:$0x3FB1] =	sst s9;
	s0 =	simm.s32 @!p0 $0x0  }
0x12: {  	s1 =	sld [smem:$0x3F97];
	s0 =	simm.s32 @p0 $0x1  }
0x13: {  	[smem:$0x3FB2] =	sst s0;
	s0 =	simm.s32 @!p1 $0x0  }
0x14: {  	s2 =	sld [smem:$0x3F96];
	s0 =	simm.s32 @p1 $0x1  }
0x15: {  	[smem:$0x3FB3] =	sst s0;
	s0 =	simm.s32 @!p2 $0x0  }
0x16: {  	s3 =	sld [smem:$0x3FDB];
	s0 =	simm.s32 @p2 $0x1  }
0x17: {  	s4 =	simm.s32 $0x1BF5;
	[smem:$0x3FB5] =	sst s0  }
0x18: {  	s0 =	sld [smem:$0x3F98];
	_ =	swait.ge [sflag:s4], $0x0  }
0x19: {  	s7 =	sld [smem:$0x3F99]  }
0x1a: {  	s8 =	sadd.s32 $0xFFFFE003, lr  }
0x1b: {  	s9 =	sadd.s32 $0xFFFFFEF7, lr;
	s5 =	simm.s32 $0xFFFFFFFF;
	p2 =	slt.u32 s8, $0xFFFFF086  }
0x1c: {  	p1 =	slt.u32 s9, $0xF7A;
	s5 =	simm.s32 @!p2 $0x0  }
0x1d: {  	s5 =	simm.s32 @p1 $0x1;
	p0 =	seq.s32 s7, s2  }
0x1e: {  	s7 =	smul.u32 @!p0 $0xF7A, s2;
	p2 =	seq.s32 @!p0 s5, $0x0  }
0x1f: {  	s9 =	smul.u32 $0xF7A, s1;
	s8 =	simm.s32 @!p0 $0x1BF5;
	p2 =	por !p2, p0  }
0x20: {  	[sflag:s8] =	ssyncset.s32 @!p0 $0xFFFFF086;
	s6 =	sadd.s32 @!p0 s3, s7;
	s7 =	simm.s32 @!p0 $0x108  }
0x21: {  	s3 =	sadd.s32 s3, s9;
	s6 =	sadd.s32 @!p0 $0x88, s6;
	s7 =	simm.s32 @p2 $0x1082  }
0x22: {  	[simem:s7], [sflag:s8] =	dma.local @!p0 [hbm:s6], $0xF7A  }
0x23: {  	s9 =	sor.u32 $0xD0000000, s2;
	s6 =	simm.s32 $0x108;
	_ =	swait.ge @!p0 [sflag:s8], $0x0  }
0x24: {  	s3 =	sadd.s32 $0x88, s3;
	s6 =	simm.s32 @!p1 $0x1082;
	[sflag:s4] =	ssyncset.s32 $0xFFFFF086  }
0x25: {  	[simem:s6], [sflag:s4] =	dma.local [hbm:s3], $0xF7A  }
0x26: {  	[smem:$0x3F99] =	sst s1;
	(tag) =	ssettag s2;
	_ =	strace s9  }
0x27: {  	s1 =	sld [smem:$0x3FA9]  }
0x28: {  	s2 =	sld [smem:$0x3FAA]  }
0x29: {  	s4 =	sld [smem:$0x3FAC]  }
0x2a: {  	p0 =	seq.s32 s5, $0x0;
	s5 =	sld [smem:$0x3FAD]  }
0x2b: {  	s6 =	sld [smem:$0x3FAE]  }
0x2c: {  	s7 =	sld [smem:$0x3FAF]  }
0x2d: {  	s3 =	simm.s32 $0x108;
	s8 =	sld [smem:$0x3FB0]  }
0x2e: {  	s3 =	simm.s32 @!p0 $0x1082;
	s9 =	sld [smem:$0x3FB1]  }
0x2f: {  	lr =	sadd.s32 s0, s3;
	s0 =	sld [smem:$0x3FA8]  }
0x30: {  	s3 =	sld [smem:$0x3FAB]  }
0x31: {  	[smem:$0x3FB4] =	sst s10  }
0x32: {  	s10 =	sld [smem:$0x3FB2];
	_ =	sdelay $0x3  }
0x33: {  	p0 =	seq.s32 s10, $0x1;
	s10 =	sld [smem:$0x3FB4];
	_ =	sdelay $0x3  }
0x34: {  	[smem:$0x3FB4] =	sst s10  }
0x35: {  	s10 =	sld [smem:$0x3FB3];
	_ =	sdelay $0x3  }
0x36: {  	p1 =	seq.s32 s10, $0x1;
	s10 =	sld [smem:$0x3FB4];
	_ =	sdelay $0x3  }
0x37: {  	[smem:$0x3FB4] =	sst s10  }
0x38: {  	s10 =	sld [smem:$0x3FB5]  }
0x39: {  	_ = 	snop;
	(pc) =	sbr.ind lr, $3  }
0x3a: {  	_ = 	snop  }
0x3b: {  	_ = 	snop  }
0x3c: {  	p2 =	seq.s32 s10, $0x1;
	s10 =	sld [smem:$0x3FB4]  }
0x3d: {  	_ =	shalt  }
0x3e: {  	_ =	shalt  }
0x3f: {  	_ =	shalt  }
0x40: {  	_ =	shalt  }
0x41: {  	_ =	shalt  }
0x42: {  	_ =	shalt  }
0x43: {  	_ =	shalt  }
0x44: {  	_ =	shalt  }
0x45: {  	_ =	shalt  }
0x46: {  	_ =	shalt  }
0x47: {  	_ =	shalt  }
0x48: {  	_ =	shalt  }
0x49: {  	_ =	shalt  }
0x4a: {  	_ =	shalt  }
0x4b: {  	_ =	shalt  }
0x4c: {  	_ =	shalt  }
0x4d: {  	_ =	shalt  }
0x4e: {  	_ =	shalt  }
0x4f: {  	_ =	shalt  }
0x50: {  	_ =	shalt  }
0x51: {  	_ =	shalt  }
0x52: {  	_ =	shalt  }
0x53: {  	_ =	shalt  }
0x54: {  	_ =	shalt  }
0x55: {  	_ =	shalt  }
0x56: {  	_ =	shalt  }
0x57: {  	_ =	shalt  }
0x58: {  	_ =	shalt  }
0x59: {  	_ =	shalt  }
0x5a: {  	_ =	shalt  }
0x5b: {  	_ =	shalt  }
0x5c: {  	_ =	shalt  }
0x5d: {  	_ =	shalt  }
0x5e: {  	_ =	shalt  }
0x5f: {  	_ =	shalt  }
0x60: {  	_ =	shalt  }
0x61: {  	_ =	shalt  }
0x62: {  	_ =	shalt  }
0x63: {  	_ =	shalt  }
0x64: {  	_ =	shalt  }
0x65: {  	_ =	shalt  }
0x66: {  	_ =	shalt  }
0x67: {  	_ =	shalt  }
0x68: {  	_ =	shalt  }
0x69: {  	_ =	shalt  }
0x6a: {  	_ =	shalt  }
0x6b: {  	_ =	shalt  }
0x6c: {  	_ =	shalt  }
0x6d: {  	_ =	shalt  }
0x6e: {  	_ =	shalt  }
0x6f: {  	_ =	shalt  }
0x70: {  	_ =	shalt  }
0x71: {  	_ =	shalt  }
0x72: {  	_ =	shalt  }
0x73: {  	_ =	shalt  }
0x74: {  	_ =	shalt  }
0x75: {  	_ =	shalt  }
0x76: {  	_ =	shalt  }
0x77: {  	_ =	shalt  }
0x78: {  	_ =	shalt  }
0x79: {  	_ =	shalt  }
0x7a: {  	_ =	shalt  }
0x7b: {  	_ =	shalt  }
0x7c: {  	_ =	shalt  }
0x7d: {  	_ =	shalt  }
0x7e: {  	_ =	shalt  }
0x7f: {  	_ =	shalt  }
0x80: {  	_ =	shalt  }
0x81: {  	_ =	shalt  }
0x82: {  	_ =	shalt  }
0x83: {  	_ =	shalt  }
0x84: {  	_ =	shalt  }
0x85: {  	_ =	shalt  }
0x86: {  	_ =	shalt  }
0x87: {  	_ =	shalt  }
.Lfunc_end0:
.L_simem_size_0:
called_computation.1_lowered:
.L_overlay_start_0:
0x88: {  	s2 =	sld [smem:$0x3FD9]  }
0x89: {  	s3 =	sld [smem:$0x3FFE];
	_ =	sdelay $0x1  }
0x8a: {  	s1 =	srdreg.scid  }
0x8b: {  	s0 =	sand.u32 $0x1, s1  }
0x8c: {  	s17 =	sshll.u32 s0, $0xA;
	s2 =	sadd.s32 s3, s2  }
0x8d: {  	s2 =	sadd.s32 s2, s17  }
0x8e: {  	[smem:$0x3FC0] =	sst s2  }
0x8f: {  	_ = 	snop  }
0x90: {  	s2 =	sld [smem:$0x3FD0];
	(tm) =	ssettm $0x1  }
0x91: {  	s18 =	sld [smem:$0x3FFB];
	_ =	sdelay $0x3  }
0x92: {  	_ =	strace s18  }
0x93: {  	s3 =	sld [smem:$0x3FFC];
	_ =	sdelay $0x3  }
0x94: {  	_ =	strace s3  }
0x95: {  	s3 =	sld [smem:$0x3FFD];
	_ =	sdelay $0x3  }
0x96: {  	_ =	strace s3  }
0x97: {  	_ =	strace $0x8FFFFFFF  }
0x98: {  	s19 =	sld [smem:$0x3FDB];
	_ =	sdelay $0x1  }
0x99: {  	s4 =	simm.s32 $_scs_section_size  }
0x9a: {  	s5 =	simm.s32 $_size__tile_overlayer_lowered;
	s6 =	simm.s32 $_tile_overlayer_lowered  }
0x9b: {  	s22 =	simm.s32 $0x1BFF;
	s21 =	sshll.u32 s6, $0x1;
	s3 =	sadd.s32 s4, s19  }
0x9c: {  	s7 =	simm.s32 $0x0;
	s20 =	sshll.u32 s5, $0x1;
	s5 =	sadd.s32 s21, s3  }
0x9d: {  	[timem:s7], [sflag:s22] =	dma.local [hbm:s5], s20  }
0x9e: {  	_ =	swait.ge [sflag:s22], s20  }
0x9f: {  	s4 =	ssub.s32 $0x0, s20;
	[sflag:s22] =	ssyncset.done $0x0  }
0xa0: {  	[sflag:s22] =	ssyncadd.s32 s4;
	_ =	sdelay $0x1  }
0xa1: {  	s23 =	simm.s32 $0x1B8B  }
0xa2: {  	_ =	swait.ge [sflag:s23], $0x1  }
0xa3: {  	[sflag:s23] =	ssyncset.done $0x0  }
0xa4: {  	s25 =	simm.s32 $0x1B8E;
	s24 =	sld [smem:$0x3FFE];
	[sflag:s23] =	ssyncadd.s32 $0xFFFFFFFF  }
0xa5: {  	s26 =	simm.s32 $execute0_lowered;
	[smem:$0x3FD2] =	sst s25  }
0xa6: {  	s5 =	sshll.u32 s26, $0x1;
	_ =	strace $0x80000046;
	[dreg:$0x1] =	wrdreg $0xFFFFFFFF  }
0xa7: {  	s28 =	simm.s32 $_size_execute0_lowered;
	s3 =	sadd.s32 s3, s5;
	[dreg:$0x0] =	wrdreg $0x0  }
0xa8: {  	s5 =	sshll.u32 s28, $0x1;
	[dreg:$0x2] =	wrdreg s3  }
0xa9: {  	[dreg:$0x3] =	wrdreg s5  }
0xaa: {  	[dreg:$0x4] =	wrdreg $0xC0  }
0xab: {  	_ =	task [dreg:s7], $0x5FFFF  }
0xac: {  	[dreg:$0x1] =	wrdreg $0xFFFFFFFF  }
0xad: {  	[dreg:$0x0] =	wrdreg $0x60  }
0xae: {  	[dreg:$0x2] =	wrdreg s2  }
0xaf: {  	[dreg:$0x3] =	wrdreg s24  }
0xb0: {  	[dreg:$0x4] =	wrdreg $0xD0000  }
0xb1: {  	[dreg:$0x5] =	wrdreg $0xA  }
0xb2: {  	_ =	task.clear_ibuf [dreg:s7], $0x6FFFF;
	_ =	strace $0x90000046  }
0xb3: {  	s29 =	simm.s32 $0xA;
	_ =	strace $0x80000048  }
0xb4: {  	_ =	swait.ge [sflag:s29], $0x1  }
0xb5: {  	[sflag:s29] =	ssyncadd.s32 $0xFFFFFFFF  }
0xb6: {  	_ =	strace $0x90000048  }
0xb7: {  	_ =	sfence  }
0xb8: {  	s30 =	sld [smem:$0x0];
	_ =	sdelay $0x2  }
0xb9: {  	s31 =	sshll.u32 s1, $0xD;
	s1 =	sshrl.u32 s1, $0x2  }
0xba: {  	s3 =	sand.u32 $0x4000, s31;
	s1 =	sadd.s32 s1, s30  }
0xbb: {  	s0 =	sor.u32 s3, s0;
	s1 =	sshll.u32 s1, $0x11  }
0xbc: {  	s0 =	sor.u32 s1, s0  }
0xbd: {  	s0 =	sadd.s32 $0x8F2B, s0  }
0xbe: {  	[sflag:s0] =	ssyncadd.remote.s32 $0x1  }
0xbf: {  	_ =	sfence.sel $0xFFFF  }
0xc0: {  	[dreg:$0x0] =	wrdreg $0xFFFFFFFF;
	(pc) =	sbr.abs _section_cstart, $3  }
0xc1: {  	[dreg:$0x1] =	wrdreg $0xFFFFFFFF  }
0xc2: {  	_ =	task.clear_ibuf [dreg:s7], $0x2FFFF;
	_ =	strace $0x9FFFFFFF  }
0xc3: {  	(tm) =	ssettm $0x7FFFFFFF  }
tec
execute0_lowered:
.L_overlay_start_1:
0x0: {  	(tag) =	ssettag $0x1  }
0x1: {  	s2 =	rddreg [dreg:$0x0]  }
0x2: {  	s0 =	rddreg [dreg:$0x1]  }
0x3: {  	s1 =	srdreg.scid;
	s6 =	rddreg [dreg:$0x2]  }
0x4: {  	s12 =	stileid.u32;
	s3 =	simm.s32 $0x0;
	s11 =	simm.s32 $0x3  }
0x5: {  	s15 =	simm.s32 $0x80;
	s16 =	simm.s32 $0x5000;
	s17 =	simm.s32 $0x6000  }
0x6: {  	s18 =	simm.s32 $0x100;
	s19 =	simm.s32 $0x7000;
	s20 =	simm.s32 $0x180  }
0x7: {  	s21 =	simm.s32 $0x8000;
	s22 =	simm.s32 $0x9000;
	s28 =	simm.s32 $0x2  }
0x8: {  	s29 =	simm.s32 $0x2600;
	s30 =	simm.s32 $0x2680;
	s31 =	simm.s32 $0x2700  }
0x9: {  	s1 =	sand.u32 $0x1, s1;
	s7 =	smul.u32 $0xA000, s12;
	[smem:$0x7FF] =	sst s3  }
0xa: {  	s26 =	sshll.u32 s12, $0x6;
	s4 =	sshll.u32 s1, $0x4;
	s5 =	smul.u32 $0x140000, s1  }
0xb: {  	_ =	strace $0x80000047;
	s1 =	ssub.s32 $0x2, s1;
	s4 =	sor.u32 s12, s4  }
0xc: {  	s13 =	sor.u32 $0x1C03, s26;
	s26 =	simm.s32 $0x1;
	s8 =	smul.u32 $0x500, s4  }
0xd: {  	s23 =	sshrl.u32 s1, $0x1;
	s6 =	sadd.s32 s7, s6;
	s4 =	sadd.s32 $0x1800, s0  }
0xe: {  	s5 =	sadd.s32 s7, s5;
	s1 =	ssub.s32 s1, s23;
	s8 =	sadd.s32 s8, s0  }
0xf: {  	s9 =	sshrl.u32 s5, $0x3;
	s5 =	sadd.s32 $0x1F800, s0;
	s24 =	sadd.s32 $0x15800, s8  }
0x10: {  	s0 =	sadd.s32 s9, s0;
	s8 =	sadd.s32 $0xB800, s8;
	[dreg:$0x4] =	wrdreg s24  }
0x11: {  	s14 =	sshrl.u32 s6, $0x3;
	s25 =	sadd.s32 $0x20C00, s0;
	[dreg:$0x5] =	wrdreg s8  }
0x12: {  	s23 =	simm.s32 $0xA000;
	s0 =	sadd.s32 $0x34C00, s0;
	[dreg:$0x6] =	wrdreg s25  }
0x13: {  	s10 =	smax.u32 s1, $0x1;
	s1 =	simm.s32 $0x0;
	[dreg:$0x7] =	wrdreg s0  }
0x14: {  	s24 =	simm.s32 $0xB000;
	s25 =	simm.s32 $0xC000;
	s0 =	simm.s32 $0x2780  }
.LBB2_1:
0x15: {  	s6 =	rddreg [dreg:$0x4]  }
0x16: {  	[tilespmem:s3], [sflag:$0x3] =	stream.linear.gather [hbm4b:s6+s3], $0x2800, $0x38;
	[tilespmem:$0x17000] =	vst v63  }
0x17: {  	_ =	swait.ge [sflag:s11], $0x2800  }
0x18: {  	[sflag:s11] =	ssyncset.done $0x0  }
0x19: {  	s7 =	simm.s32 $0x2800;
	s12 =	rddreg [dreg:$0x5];
	[sflag:s11] =	ssyncadd.s32 $0xFFFFD800  }
0x1a: {  	[tilespmem:s7], [sflag:$0x3] =	stream.linear.gather [hbm4b:s12+s3], $0x2800, $0x38;
	[tilespmem:$0x17000] =	vst v63  }
0x1b: {  	_ =	swait.ge [sflag:s11], $0x2800  }
0x1c: {  	[sflag:s11] =	ssyncset.done $0x0  }
0x1d: {  	[sflag:s11] =	ssyncadd.s32 $0xFFFFD800  }
0x1e: {  	[spmem:s14], [sflag:s13] =	dma.local [hbm:s5], $0x1400  }
0x1f: {  	_ =	swait.ge [sflag:s11], $0x1400  }
0x20: {  	[sflag:s11] =	ssyncset.done $0x0  }
0x21: {  	[sflag:s11] =	ssyncadd.s32 $0xFFFFEC00  }
0x22: {  	[bflag:$0x0] =	sbarrier.arrive $0xFFFF  }
0x23: {  	[tilespmem:s16], [sflag:$0x1] =	stream.indirect.gather [hbm4b:s2+s15], $0x20, s3, s15, $0xb8;
	[tilespmem:$0x17000] =	vst v63  }
0x24: {  	_ = 	snop  }
0x25: {  	[tilespmem:s17], [sflag:$0x1] =	stream.indirect.gather [hbm4b:s2+s15], $0x20, s15, s15, $0xb8;
	[tilespmem:$0x17000] =	vst v63  }
0x26: {  	_ = 	snop  }
0x27: {  	[tilespmem:s19], [sflag:$0x1] =	stream.indirect.gather [hbm4b:s2+s15], $0x20, s18, s15, $0xb8;
	[tilespmem:$0x17000] =	vst v63  }
0x28: {  	_ = 	snop  }
0x29: {  	[tilespmem:s21], [sflag:$0x1] =	stream.indirect.gather [hbm4b:s2+s15], $0x20, s20, s15, $0xb8;
	[tilespmem:$0x17000] =	vst v63  }
0x2a: {  	s7 =	simm.s32 $0x200  }
0x2b: {  	[tilespmem:s22], [sflag:$0x2] =	stream.indirect.gather [hbm4b:s2+s15], $0x20, s7, s15, $0xb8;
	[tilespmem:$0x17000] =	vst v63  }
0x2c: {  	s8 =	simm.s32 $0x280  }
0x2d: {  	[tilespmem:s23], [sflag:$0x2] =	stream.indirect.gather [hbm4b:s2+s15], $0x20, s8, s15, $0xb8;
	[tilespmem:$0x17000] =	vst v63  }
0x2e: {  	s9 =	simm.s32 $0x300  }
0x2f: {  	[tilespmem:s24], [sflag:$0x2] =	stream.indirect.gather [hbm4b:s2+s15], $0x20, s9, s15, $0xb8;
	[tilespmem:$0x17000] =	vst v63  }
0x30: {  	s12 =	simm.s32 $0x380  }
0x31: {  	[tilespmem:s25], [sflag:$0x2] =	stream.indirect.gather [hbm4b:s2+s15], $0x20, s12, s15, $0xb8;
	[tilespmem:$0x17000] =	vst v63  }
0x32: {  	_ =	swait.ge [sflag:s26], $0x1000  }
0x33: {  	[sflag:s26] =	ssyncset.done $0x0  }
0x34: {  	[sflag:s26] =	ssyncadd.s32 $0xFFFFF000  }
0x35: {  	_ =	swait.ge [sflag:s26], $0x1000  }
0x36: {  	[sflag:s26] =	ssyncset.done $0x0  }
0x37: {  	[sflag:s26] =	ssyncadd.s32 $0xFFFFF000  }
0x38: {  	_ =	swait.ge [sflag:s26], $0x1000  }
0x39: {  	[sflag:s26] =	ssyncset.done $0x0  }
0x3a: {  	[sflag:s26] =	ssyncadd.s32 $0xFFFFF000  }
0x3b: {  	_ =	swait.ge [sflag:s26], $0x1000  }
0x3c: {  	[sflag:s26] =	ssyncset.done $0x0  }
0x3d: {  	s7 =	simm.s32 $0x400;
	[sflag:s26] =	ssyncadd.s32 $0xFFFFF000  }
0x3e: {  	[tilespmem:s16], [sflag:$0x1] =	stream.indirect.gather [hbm4b:s2+s15], $0x20, s7, s15, $0xb8;
	[tilespmem:$0x17000] =	vst v63  }
0x3f: {  	s8 =	simm.s32 $0x480  }
0x40: {  	[tilespmem:s17], [sflag:$0x1] =	stream.indirect.gather [hbm4b:s2+s15], $0x20, s8, s15, $0xb8;
	[tilespmem:$0x17000] =	vst v63  }
0x41: {  	s9 =	simm.s32 $0x500  }
0x42: {  	[tilespmem:s19], [sflag:$0x1] =	stream.indirect.gather [hbm4b:s2+s15], $0x20, s9, s15, $0xb8;
	[tilespmem:$0x17000] =	vst v63  }
0x43: {  	s12 =	simm.s32 $0x580  }
0x44: {  	[tilespmem:s21], [sflag:$0x1] =	stream.indirect.gather [hbm4b:s2+s15], $0x20, s12, s15, $0xb8;
	[tilespmem:$0x17000] =	vst v63  }
0x45: {  	_ =	swait.ge [sflag:s28], $0x1000  }
0x46: {  	[sflag:s28] =	ssyncset.done $0x0  }
0x47: {  	[sflag:s28] =	ssyncadd.s32 $0xFFFFF000  }
0x48: {  	_ =	swait.ge [sflag:s28], $0x1000  }
0x49: {  	[sflag:s28] =	ssyncset.done $0x0  }
0x4a: {  	[sflag:s28] =	ssyncadd.s32 $0xFFFFF000  }
0x4b: {  	_ =	swait.ge [sflag:s28], $0x1000  }
0x4c: {  	[sflag:s28] =	ssyncset.done $0x0  }
0x4d: {  	[sflag:s28] =	ssyncadd.s32 $0xFFFFF000  }
0x4e: {  	_ =	swait.ge [sflag:s28], $0x1000  }
0x4f: {  	s6 =	simm.s32 $0x2000;
	s12 =	simm.s32 $0x400;
	[sflag:s28] =	ssyncset.done $0x0  }
.LBB2_2:
0x50: {  	s9 =	sadd.s32 $0x200, s12  }
0x51: {  	[sflag:s28] =	ssyncadd.s32 $0xFFFFF000;
	s7 =	smov.u32 s6;
	s8 =	sadd.s32 $0x1000, s6  }
0x52: {  	[tilespmem:s22], [sflag:$0x2] =	stream.indirect.gather [hbm4b:s2+s15], $0x20, s9, s15, $0xb8;
	[tilespmem:$0x17000] =	vst v63  }
0x53: {  	p0 =	sne.s32 s6, $0x8000;
	s6 =	sadd.s32 $0x280, s12  }
0x54: {  	[tilespmem:s23], [sflag:$0x2] =	stream.indirect.gather [hbm4b:s2+s15], $0x20, s6, s15, $0xb8;
	[tilespmem:$0x17000] =	vst v63  }
0x55: {  	s6 =	sadd.s32 $0x300, s12  }
0x56: {  	[tilespmem:s24], [sflag:$0x2] =	stream.indirect.gather [hbm4b:s2+s15], $0x20, s6, s15, $0xb8;
	[tilespmem:$0x17000] =	vst v63  }
0x57: {  	s6 =	sadd.s32 $0x380, s12  }
0x58: {  	[tilespmem:s25], [sflag:$0x2] =	stream.indirect.gather [hbm4b:s2+s15], $0x20, s6, s15, $0xb8;
	[tilespmem:$0x17000] =	vst v63  }
0x59: {  	_ =	swait.ge [sflag:s26], $0x1000  }
0x5a: {  	[sflag:s26] =	ssyncset.done $0x0  }
0x5b: {  	[sflag:s26] =	ssyncadd.s32 $0xFFFFF000  }
0x5c: {  	_ =	swait.ge [sflag:s26], $0x1000  }
0x5d: {  	[sflag:s26] =	ssyncset.done $0x0  }
0x5e: {  	[sflag:s26] =	ssyncadd.s32 $0xFFFFF000  }
0x5f: {  	_ =	swait.ge [sflag:s26], $0x1000  }
0x60: {  	[sflag:s26] =	ssyncset.done $0x0  }
0x61: {  	[sflag:s26] =	ssyncadd.s32 $0xFFFFF000  }
0x62: {  	_ =	swait.ge [sflag:s26], $0x1000  }
0x63: {  	[sflag:s26] =	ssyncset.done $0x0  }
0x64: {  	s6 =	sadd.s32 $0x400, s12;
	[sflag:s26] =	ssyncadd.s32 $0xFFFFF000  }
0x65: {  	[tilespmem:s16], [sflag:$0x1] =	stream.indirect.gather [hbm4b:s2+s15], $0x20, s6, s15, $0xb8;
	[tilespmem:$0x17000] =	vst v63  }
0x66: {  	s6 =	sadd.s32 $0x480, s12  }
0x67: {  	[tilespmem:s17], [sflag:$0x1] =	stream.indirect.gather [hbm4b:s2+s15], $0x20, s6, s15, $0xb8;
	[tilespmem:$0x17000] =	vst v63  }
0x68: {  	s6 =	sadd.s32 $0x500, s12  }
0x69: {  	[tilespmem:s19], [sflag:$0x1] =	stream.indirect.gather [hbm4b:s2+s15], $0x20, s6, s15, $0xb8;
	[tilespmem:$0x17000] =	vst v63  }
0x6a: {  	s6 =	sadd.s32 $0x580, s12  }
0x6b: {  	[tilespmem:s21], [sflag:$0x1] =	stream.indirect.gather [hbm4b:s2+s15], $0x20, s6, s15, $0xb8;
	[tilespmem:$0x17000] =	vst v63  }
0x6c: {  	_ =	swait.ge [sflag:s28], $0x1000  }
0x6d: {  	[sflag:s28] =	ssyncset.done $0x0  }
0x6e: {  	[sflag:s28] =	ssyncadd.s32 $0xFFFFF000  }
0x6f: {  	_ =	swait.ge [sflag:s28], $0x1000  }
0x70: {  	[sflag:s28] =	ssyncset.done $0x0  }
0x71: {  	[sflag:s28] =	ssyncadd.s32 $0xFFFFF000  }
.Ltmp0:
0x72: {  	_ =	swait.ge [sflag:s28], $0x1000;
	(pc) =	sbr.rel @p0 .LBB2_2-.Ltmp0, $4  }
0x73: {  	[sflag:s28] =	ssyncset.done $0x0  }
0x74: {  	[sflag:s28] =	ssyncadd.s32 $0xFFFFF000  }
0x75: {  	_ =	swait.ge [sflag:s28], $0x1000  }
0x76: {  	s12 =	sshra.s32 s7, $0x2;
	s6 =	smov.u32 s8;
	[sflag:s28] =	ssyncset.done $0x0  }
0x77: {  	s6 =	sadd.s32 $0x200, s12;
	[sflag:s28] =	ssyncadd.s32 $0xFFFFF000  }
0x78: {  	[tilespmem:s22], [sflag:$0x2] =	stream.indirect.gather [hbm4b:s2+s15], $0x20, s6, s15, $0xb8;
	[tilespmem:$0x17000] =	vst v63  }
0x79: {  	s8 =	sadd.s32 $0x280, s12  }
0x7a: {  	[tilespmem:s23], [sflag:$0x2] =	stream.indirect.gather [hbm4b:s2+s15], $0x20, s8, s15, $0xb8;
	[tilespmem:$0x17000] =	vst v63  }
0x7b: {  	s9 =	sadd.s32 $0x300, s12  }
0x7c: {  	[tilespmem:s24], [sflag:$0x2] =	stream.indirect.gather [hbm4b:s2+s15], $0x20, s9, s15, $0xb8;
	[tilespmem:$0x17000] =	vst v63  }
0x7d: {  	s7 =	sadd.s32 $0x380, s12  }
0x7e: {  	[tilespmem:s25], [sflag:$0x2] =	stream.indirect.gather [hbm4b:s2+s15], $0x20, s7, s15, $0xb8;
	[tilespmem:$0x17000] =	vst v63  }
0x7f: {  	_ =	swait.ge [sflag:s26], $0x1000  }
0x80: {  	[sflag:s26] =	ssyncset.done $0x0  }
0x81: {  	[sflag:s26] =	ssyncadd.s32 $0xFFFFF000  }
0x82: {  	_ =	swait.ge [sflag:s26], $0x1000  }
0x83: {  	[sflag:s26] =	ssyncset.done $0x0  }
0x84: {  	[sflag:s26] =	ssyncadd.s32 $0xFFFFF000  }
0x85: {  	_ =	swait.ge [sflag:s26], $0x1000  }
0x86: {  	[sflag:s26] =	ssyncset.done $0x0  }
0x87: {  	[sflag:s26] =	ssyncadd.s32 $0xFFFFF000  }
0x88: {  	_ =	swait.ge [sflag:s26], $0x1000  }
0x89: {  	[sflag:s26] =	ssyncset.done $0x0  }
0x8a: {  	s8 =	sadd.s32 $0x400, s12;
	[sflag:s26] =	ssyncadd.s32 $0xFFFFF000  }
0x8b: {  	[tilespmem:s16], [sflag:$0x1] =	stream.indirect.gather [hbm4b:s2+s15], $0x20, s8, s15, $0xb8;
	[tilespmem:$0x17000] =	vst v63  }
0x8c: {  	s9 =	sadd.s32 $0x480, s12  }
0x8d: {  	[tilespmem:s17], [sflag:$0x1] =	stream.indirect.gather [hbm4b:s2+s15], $0x20, s9, s15, $0xb8;
	[tilespmem:$0x17000] =	vst v63  }
0x8e: {  	s7 =	sadd.s32 $0x500, s12  }
0x8f: {  	[tilespmem:s19], [sflag:$0x1] =	stream.indirect.gather [hbm4b:s2+s15], $0x20, s7, s15, $0xb8;
	[tilespmem:$0x17000] =	vst v63  }
0x90: {  	s8 =	sadd.s32 $0x580, s12  }
0x91: {  	[tilespmem:s21], [sflag:$0x1] =	stream.indirect.gather [hbm4b:s2+s15], $0x20, s8, s15, $0xb8;
	[tilespmem:$0x17000] =	vst v63  }
0x92: {  	_ =	swait.ge [sflag:s28], $0x1000  }
0x93: {  	[sflag:s28] =	ssyncset.done $0x0  }
0x94: {  	[sflag:s28] =	ssyncadd.s32 $0xFFFFF000  }
0x95: {  	_ =	swait.ge [sflag:s28], $0x1000  }
0x96: {  	[sflag:s28] =	ssyncset.done $0x0  }
0x97: {  	[sflag:s28] =	ssyncadd.s32 $0xFFFFF000  }
0x98: {  	_ =	swait.ge [sflag:s28], $0x1000  }
0x99: {  	[sflag:s28] =	ssyncset.done $0x0  }
0x9a: {  	[sflag:s28] =	ssyncadd.s32 $0xFFFFF000  }
0x9b: {  	_ =	swait.ge [sflag:s28], $0x1000  }
0x9c: {  	[sflag:s28] =	ssyncset.done $0x0  }
0x9d: {  	[sflag:s28] =	ssyncadd.s32 $0xFFFFF000  }
0x9e: {  	[tilespmem:s22], [sflag:$0x2] =	stream.indirect.gather [hbm4b:s2+s15], $0x20, s29, s15, $0xb8;
	[tilespmem:$0x17000] =	vst v63  }
0x9f: {  	_ = 	snop  }
0xa0: {  	[tilespmem:s23], [sflag:$0x2] =	stream.indirect.gather [hbm4b:s2+s15], $0x20, s30, s15, $0xb8;
	[tilespmem:$0x17000] =	vst v63  }
0xa1: {  	_ = 	snop  }
0xa2: {  	[tilespmem:s24], [sflag:$0x2] =	stream.indirect.gather [hbm4b:s2+s15], $0x20, s31, s15, $0xb8;
	[tilespmem:$0x17000] =	vst v63  }
0xa3: {  	_ = 	snop  }
0xa4: {  	[tilespmem:s25], [sflag:$0x2] =	stream.indirect.gather [hbm4b:s2+s15], $0x20, s0, s15, $0xb8;
	[tilespmem:$0x17000] =	vst v63  }
0xa5: {  	_ =	swait.ge [sflag:s26], $0x1000  }
0xa6: {  	[sflag:s26] =	ssyncset.done $0x0  }
0xa7: {  	[sflag:s26] =	ssyncadd.s32 $0xFFFFF000  }
0xa8: {  	_ =	swait.ge [sflag:s26], $0x1000  }
0xa9: {  	[sflag:s26] =	ssyncset.done $0x0  }
0xaa: {  	[sflag:s26] =	ssyncadd.s32 $0xFFFFF000  }
0xab: {  	_ =	swait.ge [sflag:s26], $0x1000  }
0xac: {  	[sflag:s26] =	ssyncset.done $0x0  }
0xad: {  	[sflag:s26] =	ssyncadd.s32 $0xFFFFF000  }
0xae: {  	_ =	swait.ge [sflag:s26], $0x1000  }
0xaf: {  	[sflag:s26] =	ssyncset.done $0x0  }
0xb0: {  	[sflag:s26] =	ssyncadd.s32 $0xFFFFF000  }
0xb1: {  	_ =	swait.ge [sflag:s28], $0x1000  }
0xb2: {  	[sflag:s28] =	ssyncset.done $0x0  }
0xb3: {  	[sflag:s28] =	ssyncadd.s32 $0xFFFFF000  }
0xb4: {  	_ =	swait.ge [sflag:s28], $0x1000  }
0xb5: {  	[sflag:s28] =	ssyncset.done $0x0  }
0xb6: {  	[sflag:s28] =	ssyncadd.s32 $0xFFFFF000  }
0xb7: {  	_ =	swait.ge [sflag:s28], $0x1000  }
0xb8: {  	[sflag:s28] =	ssyncset.done $0x0  }
0xb9: {  	[sflag:s28] =	ssyncadd.s32 $0xFFFFF000  }
0xba: {  	_ =	swait.ge [sflag:s28], $0x1000  }
0xbb: {  	[sflag:s28] =	ssyncset.done $0x0  }
0xbc: {  	[sflag:s28] =	ssyncadd.s32 $0xFFFFF000  }
0xbd: {  	[bflag:$0x0] =	sbarrier.arrive $0xFFFF  }
0xbe: {  	s9 =	rddreg [dreg:$0x6]  }
0xbf: {  	[hbm:s9], [sflag:s13] =	dma.local [spmem:s14], $0x1400  }
0xc0: {  	_ =	swait.ge [sflag:s11], $0x1400  }
0xc1: {  	[sflag:s11] =	ssyncset.done $0x0  }
0xc2: {  	[sflag:s11] =	ssyncadd.s32 $0xFFFFEC00  }
0xc3: {  	[spmem:s14], [sflag:s13] =	dma.local [hbm:s5], $0x1400  }
0xc4: {  	_ =	swait.ge [sflag:s11], $0x1400  }
0xc5: {  	[sflag:s11] =	ssyncset.done $0x0  }
0xc6: {  	[sflag:s11] =	ssyncadd.s32 $0xFFFFEC00  }
0xc7: {  	s12 =	simm.s32 $0x0;
	[bflag:$0x0] =	sbarrier.arrive $0xFFFF  }
0xc8: {  	[tilespmem:s16], [sflag:$0x1] =	stream.indirect.gather [hbm4b:s4+s15], $0x20, s12, s15, $0xb8;
	[tilespmem:$0x17000] =	vst v63  }
0xc9: {  	_ = 	snop  }
0xca: {  	[tilespmem:s17], [sflag:$0x1] =	stream.indirect.gather [hbm4b:s4+s15], $0x20, s15, s15, $0xb8;
	[tilespmem:$0x17000] =	vst v63  }
0xcb: {  	_ = 	snop  }
0xcc: {  	[tilespmem:s19], [sflag:$0x1] =	stream.indirect.gather [hbm4b:s4+s15], $0x20, s18, s15, $0xb8;
	[tilespmem:$0x17000] =	vst v63  }
0xcd: {  	_ = 	snop  }
0xce: {  	[tilespmem:s21], [sflag:$0x1] =	stream.indirect.gather [hbm4b:s4+s15], $0x20, s20, s15, $0xb8;
	[tilespmem:$0x17000] =	vst v63  }
0xcf: {  	s7 =	simm.s32 $0x200  }
0xd0: {  	[tilespmem:s22], [sflag:$0x2] =	stream.indirect.gather [hbm4b:s4+s15], $0x20, s7, s15, $0xb8;
	[tilespmem:$0x17000] =	vst v63  }
0xd1: {  	s8 =	simm.s32 $0x280  }
0xd2: {  	[tilespmem:s23], [sflag:$0x2] =	stream.indirect.gather [hbm4b:s4+s15], $0x20, s8, s15, $0xb8;
	[tilespmem:$0x17000] =	vst v63  }
0xd3: {  	s9 =	simm.s32 $0x300  }
0xd4: {  	[tilespmem:s24], [sflag:$0x2] =	stream.indirect.gather [hbm4b:s4+s15], $0x20, s9, s15, $0xb8;
	[tilespmem:$0x17000] =	vst v63  }
0xd5: {  	s12 =	simm.s32 $0x380  }
0xd6: {  	[tilespmem:s25], [sflag:$0x2] =	stream.indirect.gather [hbm4b:s4+s15], $0x20, s12, s15, $0xb8;
	[tilespmem:$0x17000] =	vst v63  }
0xd7: {  	_ =	swait.ge [sflag:s26], $0x1000  }
0xd8: {  	[sflag:s26] =	ssyncset.done $0x0  }
0xd9: {  	[sflag:s26] =	ssyncadd.s32 $0xFFFFF000  }
0xda: {  	_ =	swait.ge [sflag:s26], $0x1000  }
0xdb: {  	[sflag:s26] =	ssyncset.done $0x0  }
0xdc: {  	[sflag:s26] =	ssyncadd.s32 $0xFFFFF000  }
0xdd: {  	_ =	swait.ge [sflag:s26], $0x1000  }
0xde: {  	[sflag:s26] =	ssyncset.done $0x0  }
0xdf: {  	[sflag:s26] =	ssyncadd.s32 $0xFFFFF000  }
0xe0: {  	_ =	swait.ge [sflag:s26], $0x1000  }
0xe1: {  	[sflag:s26] =	ssyncset.done $0x0  }
0xe2: {  	s7 =	simm.s32 $0x400;
	[sflag:s26] =	ssyncadd.s32 $0xFFFFF000  }
0xe3: {  	[tilespmem:s16], [sflag:$0x1] =	stream.indirect.gather [hbm4b:s4+s15], $0x20, s7, s15, $0xb8;
	[tilespmem:$0x17000] =	vst v63  }
0xe4: {  	s8 =	simm.s32 $0x480  }
0xe5: {  	[tilespmem:s17], [sflag:$0x1] =	stream.indirect.gather [hbm4b:s4+s15], $0x20, s8, s15, $0xb8;
	[tilespmem:$0x17000] =	vst v63  }
0xe6: {  	s9 =	simm.s32 $0x500  }
0xe7: {  	[tilespmem:s19], [sflag:$0x1] =	stream.indirect.gather [hbm4b:s4+s15], $0x20, s9, s15, $0xb8;
	[tilespmem:$0x17000] =	vst v63  }
0xe8: {  	s12 =	simm.s32 $0x580  }
0xe9: {  	[tilespmem:s21], [sflag:$0x1] =	stream.indirect.gather [hbm4b:s4+s15], $0x20, s12, s15, $0xb8;
	[tilespmem:$0x17000] =	vst v63  }
0xea: {  	_ =	swait.ge [sflag:s28], $0x1000  }
0xeb: {  	[sflag:s28] =	ssyncset.done $0x0  }
0xec: {  	[sflag:s28] =	ssyncadd.s32 $0xFFFFF000  }
0xed: {  	_ =	swait.ge [sflag:s28], $0x1000  }
0xee: {  	[sflag:s28] =	ssyncset.done $0x0  }
0xef: {  	[sflag:s28] =	ssyncadd.s32 $0xFFFFF000  }
0xf0: {  	_ =	swait.ge [sflag:s28], $0x1000  }
0xf1: {  	[sflag:s28] =	ssyncset.done $0x0  }
0xf2: {  	[sflag:s28] =	ssyncadd.s32 $0xFFFFF000  }
0xf3: {  	_ =	swait.ge [sflag:s28], $0x1000  }
0xf4: {  	s8 =	simm.s32 $0x2000;
	s12 =	simm.s32 $0x400;
	[sflag:s28] =	ssyncset.done $0x0  }
.LBB2_4:
0xf5: {  	s9 =	sadd.s32 $0x200, s12  }
0xf6: {  	[sflag:s28] =	ssyncadd.s32 $0xFFFFF000;
	s7 =	smov.u32 s8;
	s6 =	sadd.s32 $0x1000, s8  }
0xf7: {  	[tilespmem:s22], [sflag:$0x2] =	stream.indirect.gather [hbm4b:s4+s15], $0x20, s9, s15, $0xb8;
	[tilespmem:$0x17000] =	vst v63  }
0xf8: {  	p0 =	sne.s32 s8, $0x8000;
	s8 =	sadd.s32 $0x280, s12  }
0xf9: {  	[tilespmem:s23], [sflag:$0x2] =	stream.indirect.gather [hbm4b:s4+s15], $0x20, s8, s15, $0xb8;
	[tilespmem:$0x17000] =	vst v63  }
0xfa: {  	s8 =	sadd.s32 $0x300, s12  }
0xfb: {  	[tilespmem:s24], [sflag:$0x2] =	stream.indirect.gather [hbm4b:s4+s15], $0x20, s8, s15, $0xb8;
	[tilespmem:$0x17000] =	vst v63  }
0xfc: {  	s8 =	sadd.s32 $0x380, s12  }
0xfd: {  	[tilespmem:s25], [sflag:$0x2] =	stream.indirect.gather [hbm4b:s4+s15], $0x20, s8, s15, $0xb8;
	[tilespmem:$0x17000] =	vst v63  }
0xfe: {  	_ =	swait.ge [sflag:s26], $0x1000  }
0xff: {  	[sflag:s26] =	ssyncset.done $0x0  }
0x100: {  	[sflag:s26] =	ssyncadd.s32 $0xFFFFF000  }
0x101: {  	_ =	swait.ge [sflag:s26], $0x1000  }
0x102: {  	[sflag:s26] =	ssyncset.done $0x0  }
0x103: {  	[sflag:s26] =	ssyncadd.s32 $0xFFFFF000  }
0x104: {  	_ =	swait.ge [sflag:s26], $0x1000  }
0x105: {  	[sflag:s26] =	ssyncset.done $0x0  }
0x106: {  	[sflag:s26] =	ssyncadd.s32 $0xFFFFF000  }
0x107: {  	_ =	swait.ge [sflag:s26], $0x1000  }
0x108: {  	[sflag:s26] =	ssyncset.done $0x0  }
0x109: {  	s8 =	sadd.s32 $0x400, s12;
	[sflag:s26] =	ssyncadd.s32 $0xFFFFF000  }
0x10a: {  	[tilespmem:s16], [sflag:$0x1] =	stream.indirect.gather [hbm4b:s4+s15], $0x20, s8, s15, $0xb8;
	[tilespmem:$0x17000] =	vst v63  }
0x10b: {  	s8 =	sadd.s32 $0x480, s12  }
0x10c: {  	[tilespmem:s17], [sflag:$0x1] =	stream.indirect.gather [hbm4b:s4+s15], $0x20, s8, s15, $0xb8;
	[tilespmem:$0x17000] =	vst v63  }
0x10d: {  	s8 =	sadd.s32 $0x500, s12  }
0x10e: {  	[tilespmem:s19], [sflag:$0x1] =	stream.indirect.gather [hbm4b:s4+s15], $0x20, s8, s15, $0xb8;
	[tilespmem:$0x17000] =	vst v63  }
0x10f: {  	s8 =	sadd.s32 $0x580, s12  }
0x110: {  	[tilespmem:s21], [sflag:$0x1] =	stream.indirect.gather [hbm4b:s4+s15], $0x20, s8, s15, $0xb8;
	[tilespmem:$0x17000] =	vst v63  }
0x111: {  	_ =	swait.ge [sflag:s28], $0x1000  }
0x112: {  	[sflag:s28] =	ssyncset.done $0x0  }
0x113: {  	[sflag:s28] =	ssyncadd.s32 $0xFFFFF000  }
0x114: {  	_ =	swait.ge [sflag:s28], $0x1000  }
0x115: {  	[sflag:s28] =	ssyncset.done $0x0  }
0x116: {  	[sflag:s28] =	ssyncadd.s32 $0xFFFFF000  }
.Ltmp1:
0x117: {  	_ =	swait.ge [sflag:s28], $0x1000;
	(pc) =	sbr.rel @p0 .LBB2_4-.Ltmp1, $4  }
0x118: {  	[sflag:s28] =	ssyncset.done $0x0  }
0x119: {  	[sflag:s28] =	ssyncadd.s32 $0xFFFFF000  }
0x11a: {  	_ =	swait.ge [sflag:s28], $0x1000  }
0x11b: {  	s12 =	sshra.s32 s7, $0x2;
	s8 =	smov.u32 s6;
	[sflag:s28] =	ssyncset.done $0x0  }
0x11c: {  	s6 =	sadd.s32 $0x200, s12;
	[sflag:s28] =	ssyncadd.s32 $0xFFFFF000  }
0x11d: {  	[tilespmem:s22], [sflag:$0x2] =	stream.indirect.gather [hbm4b:s4+s15], $0x20, s6, s15, $0xb8;
	[tilespmem:$0x17000] =	vst v63  }
0x11e: {  	s9 =	sadd.s32 $0x280, s12  }
0x11f: {  	[tilespmem:s23], [sflag:$0x2] =	stream.indirect.gather [hbm4b:s4+s15], $0x20, s9, s15, $0xb8;
	[tilespmem:$0x17000] =	vst v63  }
0x120: {  	s7 =	sadd.s32 $0x300, s12  }
0x121: {  	[tilespmem:s24], [sflag:$0x2] =	stream.indirect.gather [hbm4b:s4+s15], $0x20, s7, s15, $0xb8;
	[tilespmem:$0x17000] =	vst v63  }
0x122: {  	s8 =	sadd.s32 $0x380, s12  }
0x123: {  	[tilespmem:s25], [sflag:$0x2] =	stream.indirect.gather [hbm4b:s4+s15], $0x20, s8, s15, $0xb8;
	[tilespmem:$0x17000] =	vst v63  }
0x124: {  	_ =	swait.ge [sflag:s26], $0x1000  }
0x125: {  	[sflag:s26] =	ssyncset.done $0x0  }
0x126: {  	[sflag:s26] =	ssyncadd.s32 $0xFFFFF000  }
0x127: {  	_ =	swait.ge [sflag:s26], $0x1000  }
0x128: {  	[sflag:s26] =	ssyncset.done $0x0  }
0x129: {  	[sflag:s26] =	ssyncadd.s32 $0xFFFFF000  }
0x12a: {  	_ =	swait.ge [sflag:s26], $0x1000  }
0x12b: {  	[sflag:s26] =	ssyncset.done $0x0  }
0x12c: {  	[sflag:s26] =	ssyncadd.s32 $0xFFFFF000  }
0x12d: {  	_ =	swait.ge [sflag:s26], $0x1000  }
0x12e: {  	[sflag:s26] =	ssyncset.done $0x0  }
0x12f: {  	s9 =	sadd.s32 $0x400, s12;
	[sflag:s26] =	ssyncadd.s32 $0xFFFFF000  }
0x130: {  	[tilespmem:s16], [sflag:$0x1] =	stream.indirect.gather [hbm4b:s4+s15], $0x20, s9, s15, $0xb8;
	[tilespmem:$0x17000] =	vst v63  }
0x131: {  	s7 =	sadd.s32 $0x480, s12  }
0x132: {  	[tilespmem:s17], [sflag:$0x1] =	stream.indirect.gather [hbm4b:s4+s15], $0x20, s7, s15, $0xb8;
	[tilespmem:$0x17000] =	vst v63  }
0x133: {  	s8 =	sadd.s32 $0x500, s12  }
0x134: {  	[tilespmem:s19], [sflag:$0x1] =	stream.indirect.gather [hbm4b:s4+s15], $0x20, s8, s15, $0xb8;
	[tilespmem:$0x17000] =	vst v63  }
0x135: {  	s9 =	sadd.s32 $0x580, s12  }
0x136: {  	[tilespmem:s21], [sflag:$0x1] =	stream.indirect.gather [hbm4b:s4+s15], $0x20, s9, s15, $0xb8;
	[tilespmem:$0x17000] =	vst v63  }
0x137: {  	_ =	swait.ge [sflag:s28], $0x1000  }
0x138: {  	[sflag:s28] =	ssyncset.done $0x0  }
0x139: {  	[sflag:s28] =	ssyncadd.s32 $0xFFFFF000  }
0x13a: {  	_ =	swait.ge [sflag:s28], $0x1000  }
0x13b: {  	[sflag:s28] =	ssyncset.done $0x0  }
0x13c: {  	[sflag:s28] =	ssyncadd.s32 $0xFFFFF000  }
0x13d: {  	_ =	swait.ge [sflag:s28], $0x1000  }
0x13e: {  	[sflag:s28] =	ssyncset.done $0x0  }
0x13f: {  	[sflag:s28] =	ssyncadd.s32 $0xFFFFF000  }
0x140: {  	_ =	swait.ge [sflag:s28], $0x1000  }
0x141: {  	[sflag:s28] =	ssyncset.done $0x0  }
0x142: {  	[sflag:s28] =	ssyncadd.s32 $0xFFFFF000  }
0x143: {  	[tilespmem:s22], [sflag:$0x2] =	stream.indirect.gather [hbm4b:s4+s15], $0x20, s29, s15, $0xb8;
	[tilespmem:$0x17000] =	vst v63  }
0x144: {  	_ = 	snop  }
0x145: {  	[tilespmem:s23], [sflag:$0x2] =	stream.indirect.gather [hbm4b:s4+s15], $0x20, s30, s15, $0xb8;
	[tilespmem:$0x17000] =	vst v63  }
0x146: {  	_ = 	snop  }
0x147: {  	[tilespmem:s24], [sflag:$0x2] =	stream.indirect.gather [hbm4b:s4+s15], $0x20, s31, s15, $0xb8;
	[tilespmem:$0x17000] =	vst v63  }
0x148: {  	_ = 	snop  }
0x149: {  	[tilespmem:s25], [sflag:$0x2] =	stream.indirect.gather [hbm4b:s4+s15], $0x20, s0, s15, $0xb8;
	[tilespmem:$0x17000] =	vst v63  }
0x14a: {  	_ =	swait.ge [sflag:s26], $0x1000  }
0x14b: {  	[sflag:s26] =	ssyncset.done $0x0  }
0x14c: {  	[sflag:s26] =	ssyncadd.s32 $0xFFFFF000  }
0x14d: {  	_ =	swait.ge [sflag:s26], $0x1000  }
0x14e: {  	[sflag:s26] =	ssyncset.done $0x0  }
0x14f: {  	[sflag:s26] =	ssyncadd.s32 $0xFFFFF000  }
0x150: {  	_ =	swait.ge [sflag:s26], $0x1000  }
0x151: {  	[sflag:s26] =	ssyncset.done $0x0  }
0x152: {  	[sflag:s26] =	ssyncadd.s32 $0xFFFFF000  }
0x153: {  	_ =	swait.ge [sflag:s26], $0x1000  }
0x154: {  	[sflag:s26] =	ssyncset.done $0x0  }
0x155: {  	[sflag:s26] =	ssyncadd.s32 $0xFFFFF000  }
0x156: {  	_ =	swait.ge [sflag:s28], $0x1000  }
0x157: {  	[sflag:s28] =	ssyncset.done $0x0  }
0x158: {  	[sflag:s28] =	ssyncadd.s32 $0xFFFFF000  }
0x159: {  	_ =	swait.ge [sflag:s28], $0x1000  }
0x15a: {  	[sflag:s28] =	ssyncset.done $0x0  }
0x15b: {  	[sflag:s28] =	ssyncadd.s32 $0xFFFFF000  }
0x15c: {  	_ =	swait.ge [sflag:s28], $0x1000  }
0x15d: {  	[sflag:s28] =	ssyncset.done $0x0  }
0x15e: {  	[sflag:s28] =	ssyncadd.s32 $0xFFFFF000  }
0x15f: {  	_ =	swait.ge [sflag:s28], $0x1000  }
0x160: {  	[sflag:s28] =	ssyncset.done $0x0  }
0x161: {  	s1 =	sadd.s32 $0x1, s1;
	[sflag:s28] =	ssyncadd.s32 $0xFFFFF000  }
0x162: {  	p0 =	sne.s32 s1, s10;
	[bflag:$0x0] =	sbarrier.arrive $0xFFFF  }
.Ltmp2:
0x163: {  	s12 =	rddreg [dreg:$0x7];
	(pc) =	sbr.rel @p0 .LBB2_1-.Ltmp2, $4  }
0x164: {  	[hbm:s12], [sflag:s13] =	dma.local [spmem:s14], $0x1400  }
0x165: {  	_ =	swait.ge [sflag:s11], $0x1400  }
0x166: {  	[sflag:s11] =	ssyncset.done $0x0  }
0x167: {  	[sflag:s11] =	ssyncadd.s32 $0xFFFFEC00  }
0x168: {  	_ =	sfence.sel $0x180000  }
0x169: {  	[bflag:$0x0] =	sbarrier.arrive $0xFFFF  }
0x16a: {  	_ =	strace $0x90000047  }
0x16b: {  	s0 =	stileid.u32;
	[bflag:$0x2] =	sbarrier.arrive $0xFFFF  }
0x16c: {  	p0 =	sne.s32 s0, $0x0;
	s0 =	rddreg [dreg:$0x3]  }
0x16d: {  	s0 =	sadd.s32 @!p0 $0x100000, s0  }
0x16e: {  	[sflag:s0] =	ssyncadd.tile.s32 @!p0 $0x1;
	_ =	shalt  }
.Lfunc_end2:
_tile_overlayer_lowered:
.L_overlay_start_2:
0x16f: {  	(tag) =	ssettag $0x2  }
0x170: {  	s0 =	rddreg [dreg:$0x0];
	s2 =	stileid.u32  }
0x171: {  	s1 =	rddreg [dreg:$0x1];
	p0 =	sne.s32 s2, $0x0  }
0x172: {  	s3 =	rddreg [dreg:$0x2];
	[bflag:$0x3] =	sbarrier.arrive $0xFFFF;
	s2 =	simm.s32 @!p0 $0x1C03  }
0x173: {  	[timem:s3], [sflag:s2] =	dma.local @!p0 [hbm:s0], s1  }
0x174: {  	s0 =	simm.s32 @!p0 $0x3  }
0x175: {  	_ =	swait.ge @!p0 [sflag:s0], s1  }
0x176: {  	s1 =	ssub.s32 @!p0 $0x0, s1;
	[sflag:s0] =	ssyncset.done @!p0 $0x0  }
0x177: {  	[sflag:s0] =	ssyncadd.s32 @!p0 s1  }
0x178: {  	[bflag:$0x3] =	sbarrier.arrive $0xFFFF  }
0x179: {  	_ =	shalt  }

// kernel: kernel.13.cloned.1.call-start
scs
__scs_entry_jumppad:
0x0: {  	(pc) =	sbr.rel $0x88, $3  }
0x1: {  	(tag) =	ssettag $0x0;
	lr =	simm.s32 $0x1  }
0x2: {  	[smem:$0x3F99] =	sst lr;
	_ =	strace $0xD0000000  }
0x3: {  	_ = 	snop  }
0x4: {  	_ = 	snop  }
0x5: {  	_ = 	snop  }
0x6: {  	_ = 	snop  }
0x7: {  	_ = 	snop  }
__scs_overlays_trampoline_lowered:
0x8: {  	[smem:$0x3FA8] =	sst s0  }
0x9: {  	[smem:$0x3FA9] =	sst s1  }
0xa: {  	[smem:$0x3FAA] =	sst s2  }
0xb: {  	[smem:$0x3FAB] =	sst s3  }
0xc: {  	[smem:$0x3FAC] =	sst s4  }
0xd: {  	[smem:$0x3FAD] =	sst s5  }
0xe: {  	[smem:$0x3FAE] =	sst s6  }
0xf: {  	[smem:$0x3FAF] =	sst s7  }
0x10: {  	[smem:$0x3FB0] =	sst s8  }
0x11: {  	[smem:$0x3FB1] =	sst s9;
	s0 =	simm.s32 @!p0 $0x0  }
0x12: {  	s1 =	sld [smem:$0x3F97];
	s0 =	simm.s32 @p0 $0x1  }
0x13: {  	[smem:$0x3FB2] =	sst s0;
	s0 =	simm.s32 @!p1 $0x0  }
0x14: {  	s2 =	sld [smem:$0x3F96];
	s0 =	simm.s32 @p1 $0x1  }
0x15: {  	[smem:$0x3FB3] =	sst s0;
	s0 =	simm.s32 @!p2 $0x0  }
0x16: {  	s3 =	sld [smem:$0x3FDB];
	s0 =	simm.s32 @p2 $0x1  }
0x17: {  	s4 =	simm.s32 $0x1BF5;
	[smem:$0x3FB5] =	sst s0  }
0x18: {  	s0 =	sld [smem:$0x3F98];
	_ =	swait.ge [sflag:s4], $0x0  }
0x19: {  	s7 =	sld [smem:$0x3F99]  }
0x1a: {  	s8 =	sadd.s32 $0xFFFFE003, lr  }
0x1b: {  	s9 =	sadd.s32 $0xFFFFFEF7, lr;
	s5 =	simm.s32 $0xFFFFFFFF;
	p2 =	slt.u32 s8, $0xFFFFF086  }
0x1c: {  	p1 =	slt.u32 s9, $0xF7A;
	s5 =	simm.s32 @!p2 $0x0  }
0x1d: {  	s5 =	simm.s32 @p1 $0x1;
	p0 =	seq.s32 s7, s2  }
0x1e: {  	s7 =	smul.u32 @!p0 $0xF7A, s2;
	p2 =	seq.s32 @!p0 s5, $0x0  }
0x1f: {  	s9 =	smul.u32 $0xF7A, s1;
	s8 =	simm.s32 @!p0 $0x1BF5;
	p2 =	por !p2, p0  }
0x20: {  	[sflag:s8] =	ssyncset.s32 @!p0 $0xFFFFF086;
	s6 =	sadd.s32 @!p0 s3, s7;
	s7 =	simm.s32 @!p0 $0x108  }
0x21: {  	s3 =	sadd.s32 s3, s9;
	s6 =	sadd.s32 @!p0 $0x88, s6;
	s7 =	simm.s32 @p2 $0x1082  }
0x22: {  	[simem:s7], [sflag:s8] =	dma.local @!p0 [hbm:s6], $0xF7A  }
0x23: {  	s9 =	sor.u32 $0xD0000000, s2;
	s6 =	simm.s32 $0x108;
	_ =	swait.ge @!p0 [sflag:s8], $0x0  }
0x24: {  	s3 =	sadd.s32 $0x88, s3;
	s6 =	simm.s32 @!p1 $0x1082;
	[sflag:s4] =	ssyncset.s32 $0xFFFFF086  }
0x25: {  	[simem:s6], [sflag:s4] =	dma.local [hbm:s3], $0xF7A  }
0x26: {  	[smem:$0x3F99] =	sst s1;
	(tag) =	ssettag s2;
	_ =	strace s9  }
0x27: {  	s1 =	sld [smem:$0x3FA9]  }
0x28: {  	s2 =	sld [smem:$0x3FAA]  }
0x29: {  	s4 =	sld [smem:$0x3FAC]  }
0x2a: {  	p0 =	seq.s32 s5, $0x0;
	s5 =	sld [smem:$0x3FAD]  }
0x2b: {  	s6 =	sld [smem:$0x3FAE]  }
0x2c: {  	s7 =	sld [smem:$0x3FAF]  }
0x2d: {  	s3 =	simm.s32 $0x108;
	s8 =	sld [smem:$0x3FB0]  }
0x2e: {  	s3 =	simm.s32 @!p0 $0x1082;
	s9 =	sld [smem:$0x3FB1]  }
0x2f: {  	lr =	sadd.s32 s0, s3;
	s0 =	sld [smem:$0x3FA8]  }
0x30: {  	s3 =	sld [smem:$0x3FAB]  }
0x31: {  	[smem:$0x3FB4] =	sst s10  }
0x32: {  	s10 =	sld [smem:$0x3FB2];
	_ =	sdelay $0x3  }
0x33: {  	p0 =	seq.s32 s10, $0x1;
	s10 =	sld [smem:$0x3FB4];
	_ =	sdelay $0x3  }
0x34: {  	[smem:$0x3FB4] =	sst s10  }
0x35: {  	s10 =	sld [smem:$0x3FB3];
	_ =	sdelay $0x3  }
0x36: {  	p1 =	seq.s32 s10, $0x1;
	s10 =	sld [smem:$0x3FB4];
	_ =	sdelay $0x3  }
0x37: {  	[smem:$0x3FB4] =	sst s10  }
0x38: {  	s10 =	sld [smem:$0x3FB5]  }
0x39: {  	_ = 	snop;
	(pc) =	sbr.ind lr, $3  }
0x3a: {  	_ = 	snop  }
0x3b: {  	_ = 	snop  }
0x3c: {  	p2 =	seq.s32 s10, $0x1;
	s10 =	sld [smem:$0x3FB4]  }
0x3d: {  	_ =	shalt  }
0x3e: {  	_ =	shalt  }
0x3f: {  	_ =	shalt  }
0x40: {  	_ =	shalt  }
0x41: {  	_ =	shalt  }
0x42: {  	_ =	shalt  }
0x43: {  	_ =	shalt  }
0x44: {  	_ =	shalt  }
0x45: {  	_ =	shalt  }
0x46: {  	_ =	shalt  }
0x47: {  	_ =	shalt  }
0x48: {  	_ =	shalt  }
0x49: {  	_ =	shalt  }
0x4a: {  	_ =	shalt  }
0x4b: {  	_ =	shalt  }
0x4c: {  	_ =	shalt  }
0x4d: {  	_ =	shalt  }
0x4e: {  	_ =	shalt  }
0x4f: {  	_ =	shalt  }
0x50: {  	_ =	shalt  }
0x51: {  	_ =	shalt  }
0x52: {  	_ =	shalt  }
0x53: {  	_ =	shalt  }
0x54: {  	_ =	shalt  }
0x55: {  	_ =	shalt  }
0x56: {  	_ =	shalt  }
0x57: {  	_ =	shalt  }
0x58: {  	_ =	shalt  }
0x59: {  	_ =	shalt  }
0x5a: {  	_ =	shalt  }
0x5b: {  	_ =	shalt  }
0x5c: {  	_ =	shalt  }
0x5d: {  	_ =	shalt  }
0x5e: {  	_ =	shalt  }
0x5f: {  	_ =	shalt  }
0x60: {  	_ =	shalt  }
0x61: {  	_ =	shalt  }
0x62: {  	_ =	shalt  }
0x63: {  	_ =	shalt  }
0x64: {  	_ =	shalt  }
0x65: {  	_ =	shalt  }
0x66: {  	_ =	shalt  }
0x67: {  	_ =	shalt  }
0x68: {  	_ =	shalt  }
0x69: {  	_ =	shalt  }
0x6a: {  	_ =	shalt  }
0x6b: {  	_ =	shalt  }
0x6c: {  	_ =	shalt  }
0x6d: {  	_ =	shalt  }
0x6e: {  	_ =	shalt  }
0x6f: {  	_ =	shalt  }
0x70: {  	_ =	shalt  }
0x71: {  	_ =	shalt  }
0x72: {  	_ =	shalt  }
0x73: {  	_ =	shalt  }
0x74: {  	_ =	shalt  }
0x75: {  	_ =	shalt  }
0x76: {  	_ =	shalt  }
0x77: {  	_ =	shalt  }
0x78: {  	_ =	shalt  }
0x79: {  	_ =	shalt  }
0x7a: {  	_ =	shalt  }
0x7b: {  	_ =	shalt  }
0x7c: {  	_ =	shalt  }
0x7d: {  	_ =	shalt  }
0x7e: {  	_ =	shalt  }
0x7f: {  	_ =	shalt  }
0x80: {  	_ =	shalt  }
0x81: {  	_ =	shalt  }
0x82: {  	_ =	shalt  }
0x83: {  	_ =	shalt  }
0x84: {  	_ =	shalt  }
0x85: {  	_ =	shalt  }
0x86: {  	_ =	shalt  }
0x87: {  	_ =	shalt  }
.Lfunc_end0:
.L_simem_size_0:
called_computation.2_lowered:
.L_overlay_start_0:
0x88: {  	s2 =	sld [smem:$0x3FD9]  }
0x89: {  	s3 =	sld [smem:$0x3FFE];
	_ =	sdelay $0x1  }
0x8a: {  	s1 =	srdreg.scid  }
0x8b: {  	s0 =	sand.u32 $0x1, s1  }
0x8c: {  	s17 =	sshll.u32 s0, $0xA;
	s2 =	sadd.s32 s3, s2  }
0x8d: {  	s2 =	sadd.s32 s2, s17  }
0x8e: {  	[smem:$0x3FC0] =	sst s2  }
0x8f: {  	_ = 	snop  }
0x90: {  	s2 =	sld [smem:$0x3FD0];
	(tm) =	ssettm $0x1  }
0x91: {  	s18 =	sld [smem:$0x3FFB];
	_ =	sdelay $0x3  }
0x92: {  	_ =	strace s18  }
0x93: {  	s3 =	sld [smem:$0x3FFC];
	_ =	sdelay $0x3  }
0x94: {  	_ =	strace s3  }
0x95: {  	s3 =	sld [smem:$0x3FFD];
	_ =	sdelay $0x3  }
0x96: {  	_ =	strace s3  }
0x97: {  	_ =	strace $0x8FFFFFFF  }
0x98: {  	s19 =	sld [smem:$0x3FDB];
	_ =	sdelay $0x1  }
0x99: {  	s4 =	simm.s32 $_scs_section_size  }
0x9a: {  	s5 =	simm.s32 $_size__tile_overlayer_lowered;
	s6 =	simm.s32 $_tile_overlayer_lowered  }
0x9b: {  	s22 =	simm.s32 $0x1BFF;
	s21 =	sshll.u32 s6, $0x1;
	s3 =	sadd.s32 s4, s19  }
0x9c: {  	s7 =	simm.s32 $0x0;
	s20 =	sshll.u32 s5, $0x1;
	s5 =	sadd.s32 s21, s3  }
0x9d: {  	[timem:s7], [sflag:s22] =	dma.local [hbm:s5], s20  }
0x9e: {  	_ =	swait.ge [sflag:s22], s20  }
0x9f: {  	s4 =	ssub.s32 $0x0, s20;
	[sflag:s22] =	ssyncset.done $0x0  }
0xa0: {  	[sflag:s22] =	ssyncadd.s32 s4;
	_ =	sdelay $0x1  }
0xa1: {  	s23 =	simm.s32 $0x1B8B  }
0xa2: {  	_ =	swait.ge [sflag:s23], $0x1  }
0xa3: {  	[sflag:s23] =	ssyncset.done $0x0  }
0xa4: {  	s25 =	simm.s32 $0x1B8E;
	s24 =	sld [smem:$0x3FFE];
	[sflag:s23] =	ssyncadd.s32 $0xFFFFFFFF  }
0xa5: {  	s26 =	simm.s32 $execute0_lowered;
	[smem:$0x3FD2] =	sst s25  }
0xa6: {  	s5 =	sshll.u32 s26, $0x1;
	_ =	strace $0x8000004C;
	[dreg:$0x1] =	wrdreg $0xFFFFFFFF  }
0xa7: {  	s28 =	simm.s32 $_size_execute0_lowered;
	s3 =	sadd.s32 s3, s5;
	[dreg:$0x0] =	wrdreg $0x0  }
0xa8: {  	s5 =	sshll.u32 s28, $0x1;
	[dreg:$0x2] =	wrdreg s3  }
0xa9: {  	[dreg:$0x3] =	wrdreg s5  }
0xaa: {  	[dreg:$0x4] =	wrdreg $0xC0  }
0xab: {  	_ =	task [dreg:s7], $0x5FFFF  }
0xac: {  	[dreg:$0x1] =	wrdreg $0xFFFFFFFF  }
0xad: {  	[dreg:$0x0] =	wrdreg $0x60  }
0xae: {  	[dreg:$0x2] =	wrdreg s2  }
0xaf: {  	[dreg:$0x3] =	wrdreg s24  }
0xb0: {  	[dreg:$0x4] =	wrdreg $0xD0000  }
0xb1: {  	[dreg:$0x5] =	wrdreg $0x9  }
0xb2: {  	_ =	task.clear_ibuf [dreg:s7], $0x6FFFF;
	_ =	strace $0x9000004C  }
0xb3: {  	s29 =	simm.s32 $0x9;
	_ =	strace $0x8000004E  }
0xb4: {  	_ =	swait.ge [sflag:s29], $0x1  }
0xb5: {  	[sflag:s29] =	ssyncadd.s32 $0xFFFFFFFF  }
0xb6: {  	_ =	strace $0x9000004E  }
0xb7: {  	_ =	sfence  }
0xb8: {  	s30 =	sld [smem:$0x0];
	_ =	sdelay $0x2  }
0xb9: {  	s31 =	sshll.u32 s1, $0xD;
	s1 =	sshrl.u32 s1, $0x2  }
0xba: {  	s3 =	sand.u32 $0x4000, s31;
	s1 =	sadd.s32 s1, s30  }
0xbb: {  	s0 =	sor.u32 s3, s0;
	s1 =	sshll.u32 s1, $0x11  }
0xbc: {  	s0 =	sor.u32 s1, s0  }
0xbd: {  	s0 =	sadd.s32 $0x8F2B, s0  }
0xbe: {  	[sflag:s0] =	ssyncadd.remote.s32 $0x1  }
0xbf: {  	_ =	sfence.sel $0xFFFF  }
0xc0: {  	[dreg:$0x0] =	wrdreg $0xFFFFFFFF;
	(pc) =	sbr.abs _section_cstart, $3  }
0xc1: {  	[dreg:$0x1] =	wrdreg $0xFFFFFFFF  }
0xc2: {  	_ =	task.clear_ibuf [dreg:s7], $0x2FFFF;
	_ =	strace $0x9FFFFFFF  }
0xc3: {  	(tm) =	ssettm $0x7FFFFFFF  }
tec
execute0_lowered:
.L_overlay_start_1:
0x0: {  	(tag) =	ssettag $0x1  }
0x1: {  	s2 =	rddreg [dreg:$0x0]  }
0x2: {  	s0 =	rddreg [dreg:$0x1]  }
0x3: {  	s1 =	srdreg.scid;
	s6 =	rddreg [dreg:$0x2]  }
0x4: {  	s12 =	stileid.u32;
	s3 =	simm.s32 $0x0;
	s11 =	simm.s32 $0x3  }
0x5: {  	s15 =	simm.s32 $0x80;
	s16 =	simm.s32 $0x5000;
	s17 =	simm.s32 $0x6000  }
0x6: {  	s18 =	simm.s32 $0x100;
	s19 =	simm.s32 $0x7000;
	s20 =	simm.s32 $0x180  }
0x7: {  	s21 =	simm.s32 $0x8000;
	s22 =	simm.s32 $0x9000;
	s28 =	simm.s32 $0x2  }
0x8: {  	s29 =	simm.s32 $0x2600;
	s30 =	simm.s32 $0x2680;
	s31 =	simm.s32 $0x2700  }
0x9: {  	s1 =	sand.u32 $0x1, s1;
	s7 =	smul.u32 $0xA000, s12;
	[smem:$0x7FF] =	sst s3  }
0xa: {  	s26 =	sshll.u32 s12, $0x6;
	s4 =	sshll.u32 s1, $0x4;
	s5 =	smul.u32 $0x140000, s1  }
0xb: {  	_ =	strace $0x8000004D;
	s1 =	ssub.s32 $0x2, s1;
	s4 =	sor.u32 s12, s4  }
0xc: {  	s13 =	sor.u32 $0x1C03, s26;
	s26 =	simm.s32 $0x1;
	s8 =	smul.u32 $0x500, s4  }
0xd: {  	s23 =	sshrl.u32 s1, $0x1;
	s6 =	sadd.s32 s7, s6;
	s4 =	sadd.s32 $0x1800, s0  }
0xe: {  	s5 =	sadd.s32 s7, s5;
	s1 =	ssub.s32 s1, s23;
	s8 =	sadd.s32 s8, s0  }
0xf: {  	s9 =	sshrl.u32 s5, $0x3;
	s5 =	sadd.s32 $0x1F800, s0;
	s24 =	sadd.s32 $0x15800, s8  }
0x10: {  	s0 =	sadd.s32 s9, s0;
	s8 =	sadd.s32 $0xB800, s8;
	[dreg:$0x4] =	wrdreg s24  }
0x11: {  	s14 =	sshrl.u32 s6, $0x3;
	s25 =	sadd.s32 $0x70C00, s0;
	[dreg:$0x5] =	wrdreg s8  }
0x12: {  	s23 =	simm.s32 $0xA000;
	s0 =	sadd.s32 $0x84C00, s0;
	[dreg:$0x6] =	wrdreg s25  }
0x13: {  	s10 =	smax.u32 s1, $0x1;
	s1 =	simm.s32 $0x0;
	[dreg:$0x7] =	wrdreg s0  }
0x14: {  	s24 =	simm.s32 $0xB000;
	s25 =	simm.s32 $0xC000;
	s0 =	simm.s32 $0x2780  }
.LBB2_1:
0x15: {  	s6 =	rddreg [dreg:$0x4]  }
0x16: {  	[tilespmem:s3], [sflag:$0x3] =	stream.linear.gather [hbm4b:s6+s3], $0x2800, $0x38;
	[tilespmem:$0x17000] =	vst v63  }
0x17: {  	_ =	swait.ge [sflag:s11], $0x2800  }
0x18: {  	[sflag:s11] =	ssyncset.done $0x0  }
0x19: {  	s7 =	simm.s32 $0x2800;
	s12 =	rddreg [dreg:$0x5];
	[sflag:s11] =	ssyncadd.s32 $0xFFFFD800  }
0x1a: {  	[tilespmem:s7], [sflag:$0x3] =	stream.linear.gather [hbm4b:s12+s3], $0x2800, $0x38;
	[tilespmem:$0x17000] =	vst v63  }
0x1b: {  	_ =	swait.ge [sflag:s11], $0x2800  }
0x1c: {  	[sflag:s11] =	ssyncset.done $0x0  }
0x1d: {  	[sflag:s11] =	ssyncadd.s32 $0xFFFFD800  }
0x1e: {  	[spmem:s14], [sflag:s13] =	dma.local [hbm:s5], $0x1400  }
0x1f: {  	_ =	swait.ge [sflag:s11], $0x1400  }
0x20: {  	[sflag:s11] =	ssyncset.done $0x0  }
0x21: {  	[sflag:s11] =	ssyncadd.s32 $0xFFFFEC00  }
0x22: {  	[bflag:$0x0] =	sbarrier.arrive $0xFFFF  }
0x23: {  	[tilespmem:s16], [sflag:$0x1] =	stream.indirect.gather [hbm4b:s2+s15], $0x20, s3, s15, $0xb8;
	[tilespmem:$0x17000] =	vst v63  }
0x24: {  	_ = 	snop  }
0x25: {  	[tilespmem:s17], [sflag:$0x1] =	stream.indirect.gather [hbm4b:s2+s15], $0x20, s15, s15, $0xb8;
	[tilespmem:$0x17000] =	vst v63  }
0x26: {  	_ = 	snop  }
0x27: {  	[tilespmem:s19], [sflag:$0x1] =	stream.indirect.gather [hbm4b:s2+s15], $0x20, s18, s15, $0xb8;
	[tilespmem:$0x17000] =	vst v63  }
0x28: {  	_ = 	snop  }
0x29: {  	[tilespmem:s21], [sflag:$0x1] =	stream.indirect.gather [hbm4b:s2+s15], $0x20, s20, s15, $0xb8;
	[tilespmem:$0x17000] =	vst v63  }
0x2a: {  	s7 =	simm.s32 $0x200  }
0x2b: {  	[tilespmem:s22], [sflag:$0x2] =	stream.indirect.gather [hbm4b:s2+s15], $0x20, s7, s15, $0xb8;
	[tilespmem:$0x17000] =	vst v63  }
0x2c: {  	s8 =	simm.s32 $0x280  }
0x2d: {  	[tilespmem:s23], [sflag:$0x2] =	stream.indirect.gather [hbm4b:s2+s15], $0x20, s8, s15, $0xb8;
	[tilespmem:$0x17000] =	vst v63  }
0x2e: {  	s9 =	simm.s32 $0x300  }
0x2f: {  	[tilespmem:s24], [sflag:$0x2] =	stream.indirect.gather [hbm4b:s2+s15], $0x20, s9, s15, $0xb8;
	[tilespmem:$0x17000] =	vst v63  }
0x30: {  	s12 =	simm.s32 $0x380  }
0x31: {  	[tilespmem:s25], [sflag:$0x2] =	stream.indirect.gather [hbm4b:s2+s15], $0x20, s12, s15, $0xb8;
	[tilespmem:$0x17000] =	vst v63  }
0x32: {  	_ =	swait.ge [sflag:s26], $0x1000  }
0x33: {  	[sflag:s26] =	ssyncset.done $0x0  }
0x34: {  	[sflag:s26] =	ssyncadd.s32 $0xFFFFF000  }
0x35: {  	_ =	swait.ge [sflag:s26], $0x1000  }
0x36: {  	[sflag:s26] =	ssyncset.done $0x0  }
0x37: {  	[sflag:s26] =	ssyncadd.s32 $0xFFFFF000  }
0x38: {  	_ =	swait.ge [sflag:s26], $0x1000  }
0x39: {  	[sflag:s26] =	ssyncset.done $0x0  }
0x3a: {  	[sflag:s26] =	ssyncadd.s32 $0xFFFFF000  }
0x3b: {  	_ =	swait.ge [sflag:s26], $0x1000  }
0x3c: {  	[sflag:s26] =	ssyncset.done $0x0  }
0x3d: {  	s7 =	simm.s32 $0x400;
	[sflag:s26] =	ssyncadd.s32 $0xFFFFF000  }
0x3e: {  	[tilespmem:s16], [sflag:$0x1] =	stream.indirect.gather [hbm4b:s2+s15], $0x20, s7, s15, $0xb8;
	[tilespmem:$0x17000] =	vst v63  }
0x3f: {  	s8 =	simm.s32 $0x480  }
0x40: {  	[tilespmem:s17], [sflag:$0x1] =	stream.indirect.gather [hbm4b:s2+s15], $0x20, s8, s15, $0xb8;
	[tilespmem:$0x17000] =	vst v63  }
0x41: {  	s9 =	simm.s32 $0x500  }
0x42: {  	[tilespmem:s19], [sflag:$0x1] =	stream.indirect.gather [hbm4b:s2+s15], $0x20, s9, s15, $0xb8;
	[tilespmem:$0x17000] =	vst v63  }
0x43: {  	s12 =	simm.s32 $0x580  }
0x44: {  	[tilespmem:s21], [sflag:$0x1] =	stream.indirect.gather [hbm4b:s2+s15], $0x20, s12, s15, $0xb8;
	[tilespmem:$0x17000] =	vst v63  }
0x45: {  	_ =	swait.ge [sflag:s28], $0x1000  }
0x46: {  	[sflag:s28] =	ssyncset.done $0x0  }
0x47: {  	[sflag:s28] =	ssyncadd.s32 $0xFFFFF000  }
0x48: {  	_ =	swait.ge [sflag:s28], $0x1000  }
0x49: {  	[sflag:s28] =	ssyncset.done $0x0  }
0x4a: {  	[sflag:s28] =	ssyncadd.s32 $0xFFFFF000  }
0x4b: {  	_ =	swait.ge [sflag:s28], $0x1000  }
0x4c: {  	[sflag:s28] =	ssyncset.done $0x0  }
0x4d: {  	[sflag:s28] =	ssyncadd.s32 $0xFFFFF000  }
0x4e: {  	_ =	swait.ge [sflag:s28], $0x1000  }
0x4f: {  	s6 =	simm.s32 $0x2000;
	s12 =	simm.s32 $0x400;
	[sflag:s28] =	ssyncset.done $0x0  }
.LBB2_2:
0x50: {  	s9 =	sadd.s32 $0x200, s12  }
0x51: {  	[sflag:s28] =	ssyncadd.s32 $0xFFFFF000;
	s7 =	smov.u32 s6;
	s8 =	sadd.s32 $0x1000, s6  }
0x52: {  	[tilespmem:s22], [sflag:$0x2] =	stream.indirect.gather [hbm4b:s2+s15], $0x20, s9, s15, $0xb8;
	[tilespmem:$0x17000] =	vst v63  }
0x53: {  	p0 =	sne.s32 s6, $0x8000;
	s6 =	sadd.s32 $0x280, s12  }
0x54: {  	[tilespmem:s23], [sflag:$0x2] =	stream.indirect.gather [hbm4b:s2+s15], $0x20, s6, s15, $0xb8;
	[tilespmem:$0x17000] =	vst v63  }
0x55: {  	s6 =	sadd.s32 $0x300, s12  }
0x56: {  	[tilespmem:s24], [sflag:$0x2] =	stream.indirect.gather [hbm4b:s2+s15], $0x20, s6, s15, $0xb8;
	[tilespmem:$0x17000] =	vst v63  }
0x57: {  	s6 =	sadd.s32 $0x380, s12  }
0x58: {  	[tilespmem:s25], [sflag:$0x2] =	stream.indirect.gather [hbm4b:s2+s15], $0x20, s6, s15, $0xb8;
	[tilespmem:$0x17000] =	vst v63  }
0x59: {  	_ =	swait.ge [sflag:s26], $0x1000  }
0x5a: {  	[sflag:s26] =	ssyncset.done $0x0  }
0x5b: {  	[sflag:s26] =	ssyncadd.s32 $0xFFFFF000  }
0x5c: {  	_ =	swait.ge [sflag:s26], $0x1000  }
0x5d: {  	[sflag:s26] =	ssyncset.done $0x0  }
0x5e: {  	[sflag:s26] =	ssyncadd.s32 $0xFFFFF000  }
0x5f: {  	_ =	swait.ge [sflag:s26], $0x1000  }
0x60: {  	[sflag:s26] =	ssyncset.done $0x0  }
0x61: {  	[sflag:s26] =	ssyncadd.s32 $0xFFFFF000  }
0x62: {  	_ =	swait.ge [sflag:s26], $0x1000  }
0x63: {  	[sflag:s26] =	ssyncset.done $0x0  }
0x64: {  	s6 =	sadd.s32 $0x400, s12;
	[sflag:s26] =	ssyncadd.s32 $0xFFFFF000  }
0x65: {  	[tilespmem:s16], [sflag:$0x1] =	stream.indirect.gather [hbm4b:s2+s15], $0x20, s6, s15, $0xb8;
	[tilespmem:$0x17000] =	vst v63  }
0x66: {  	s6 =	sadd.s32 $0x480, s12  }
0x67: {  	[tilespmem:s17], [sflag:$0x1] =	stream.indirect.gather [hbm4b:s2+s15], $0x20, s6, s15, $0xb8;
	[tilespmem:$0x17000] =	vst v63  }
0x68: {  	s6 =	sadd.s32 $0x500, s12  }
0x69: {  	[tilespmem:s19], [sflag:$0x1] =	stream.indirect.gather [hbm4b:s2+s15], $0x20, s6, s15, $0xb8;
	[tilespmem:$0x17000] =	vst v63  }
0x6a: {  	s6 =	sadd.s32 $0x580, s12  }
0x6b: {  	[tilespmem:s21], [sflag:$0x1] =	stream.indirect.gather [hbm4b:s2+s15], $0x20, s6, s15, $0xb8;
	[tilespmem:$0x17000] =	vst v63  }
0x6c: {  	_ =	swait.ge [sflag:s28], $0x1000  }
0x6d: {  	[sflag:s28] =	ssyncset.done $0x0  }
0x6e: {  	[sflag:s28] =	ssyncadd.s32 $0xFFFFF000  }
0x6f: {  	_ =	swait.ge [sflag:s28], $0x1000  }
0x70: {  	[sflag:s28] =	ssyncset.done $0x0  }
0x71: {  	[sflag:s28] =	ssyncadd.s32 $0xFFFFF000  }
.Ltmp0:
0x72: {  	_ =	swait.ge [sflag:s28], $0x1000;
	(pc) =	sbr.rel @p0 .LBB2_2-.Ltmp0, $4  }
0x73: {  	[sflag:s28] =	ssyncset.done $0x0  }
0x74: {  	[sflag:s28] =	ssyncadd.s32 $0xFFFFF000  }
0x75: {  	_ =	swait.ge [sflag:s28], $0x1000  }
0x76: {  	s12 =	sshra.s32 s7, $0x2;
	s6 =	smov.u32 s8;
	[sflag:s28] =	ssyncset.done $0x0  }
0x77: {  	s6 =	sadd.s32 $0x200, s12;
	[sflag:s28] =	ssyncadd.s32 $0xFFFFF000  }
0x78: {  	[tilespmem:s22], [sflag:$0x2] =	stream.indirect.gather [hbm4b:s2+s15], $0x20, s6, s15, $0xb8;
	[tilespmem:$0x17000] =	vst v63  }
0x79: {  	s8 =	sadd.s32 $0x280, s12  }
0x7a: {  	[tilespmem:s23], [sflag:$0x2] =	stream.indirect.gather [hbm4b:s2+s15], $0x20, s8, s15, $0xb8;
	[tilespmem:$0x17000] =	vst v63  }
0x7b: {  	s9 =	sadd.s32 $0x300, s12  }
0x7c: {  	[tilespmem:s24], [sflag:$0x2] =	stream.indirect.gather [hbm4b:s2+s15], $0x20, s9, s15, $0xb8;
	[tilespmem:$0x17000] =	vst v63  }
0x7d: {  	s7 =	sadd.s32 $0x380, s12  }
0x7e: {  	[tilespmem:s25], [sflag:$0x2] =	stream.indirect.gather [hbm4b:s2+s15], $0x20, s7, s15, $0xb8;
	[tilespmem:$0x17000] =	vst v63  }
0x7f: {  	_ =	swait.ge [sflag:s26], $0x1000  }
0x80: {  	[sflag:s26] =	ssyncset.done $0x0  }
0x81: {  	[sflag:s26] =	ssyncadd.s32 $0xFFFFF000  }
0x82: {  	_ =	swait.ge [sflag:s26], $0x1000  }
0x83: {  	[sflag:s26] =	ssyncset.done $0x0  }
0x84: {  	[sflag:s26] =	ssyncadd.s32 $0xFFFFF000  }
0x85: {  	_ =	swait.ge [sflag:s26], $0x1000  }
0x86: {  	[sflag:s26] =	ssyncset.done $0x0  }
0x87: {  	[sflag:s26] =	ssyncadd.s32 $0xFFFFF000  }
0x88: {  	_ =	swait.ge [sflag:s26], $0x1000  }
0x89: {  	[sflag:s26] =	ssyncset.done $0x0  }
0x8a: {  	s8 =	sadd.s32 $0x400, s12;
	[sflag:s26] =	ssyncadd.s32 $0xFFFFF000  }
0x8b: {  	[tilespmem:s16], [sflag:$0x1] =	stream.indirect.gather [hbm4b:s2+s15], $0x20, s8, s15, $0xb8;
	[tilespmem:$0x17000] =	vst v63  }
0x8c: {  	s9 =	sadd.s32 $0x480, s12  }
0x8d: {  	[tilespmem:s17], [sflag:$0x1] =	stream.indirect.gather [hbm4b:s2+s15], $0x20, s9, s15, $0xb8;
	[tilespmem:$0x17000] =	vst v63  }
0x8e: {  	s7 =	sadd.s32 $0x500, s12  }
0x8f: {  	[tilespmem:s19], [sflag:$0x1] =	stream.indirect.gather [hbm4b:s2+s15], $0x20, s7, s15, $0xb8;
	[tilespmem:$0x17000] =	vst v63  }
0x90: {  	s8 =	sadd.s32 $0x580, s12  }
0x91: {  	[tilespmem:s21], [sflag:$0x1] =	stream.indirect.gather [hbm4b:s2+s15], $0x20, s8, s15, $0xb8;
	[tilespmem:$0x17000] =	vst v63  }
0x92: {  	_ =	swait.ge [sflag:s28], $0x1000  }
0x93: {  	[sflag:s28] =	ssyncset.done $0x0  }
0x94: {  	[sflag:s28] =	ssyncadd.s32 $0xFFFFF000  }
0x95: {  	_ =	swait.ge [sflag:s28], $0x1000  }
0x96: {  	[sflag:s28] =	ssyncset.done $0x0  }
0x97: {  	[sflag:s28] =	ssyncadd.s32 $0xFFFFF000  }
0x98: {  	_ =	swait.ge [sflag:s28], $0x1000  }
0x99: {  	[sflag:s28] =	ssyncset.done $0x0  }
0x9a: {  	[sflag:s28] =	ssyncadd.s32 $0xFFFFF000  }
0x9b: {  	_ =	swait.ge [sflag:s28], $0x1000  }
0x9c: {  	[sflag:s28] =	ssyncset.done $0x0  }
0x9d: {  	[sflag:s28] =	ssyncadd.s32 $0xFFFFF000  }
0x9e: {  	[tilespmem:s22], [sflag:$0x2] =	stream.indirect.gather [hbm4b:s2+s15], $0x20, s29, s15, $0xb8;
	[tilespmem:$0x17000] =	vst v63  }
0x9f: {  	_ = 	snop  }
0xa0: {  	[tilespmem:s23], [sflag:$0x2] =	stream.indirect.gather [hbm4b:s2+s15], $0x20, s30, s15, $0xb8;
	[tilespmem:$0x17000] =	vst v63  }
0xa1: {  	_ = 	snop  }
0xa2: {  	[tilespmem:s24], [sflag:$0x2] =	stream.indirect.gather [hbm4b:s2+s15], $0x20, s31, s15, $0xb8;
	[tilespmem:$0x17000] =	vst v63  }
0xa3: {  	_ = 	snop  }
0xa4: {  	[tilespmem:s25], [sflag:$0x2] =	stream.indirect.gather [hbm4b:s2+s15], $0x20, s0, s15, $0xb8;
	[tilespmem:$0x17000] =	vst v63  }
0xa5: {  	_ =	swait.ge [sflag:s26], $0x1000  }
0xa6: {  	[sflag:s26] =	ssyncset.done $0x0  }
0xa7: {  	[sflag:s26] =	ssyncadd.s32 $0xFFFFF000  }
0xa8: {  	_ =	swait.ge [sflag:s26], $0x1000  }
0xa9: {  	[sflag:s26] =	ssyncset.done $0x0  }
0xaa: {  	[sflag:s26] =	ssyncadd.s32 $0xFFFFF000  }
0xab: {  	_ =	swait.ge [sflag:s26], $0x1000  }
0xac: {  	[sflag:s26] =	ssyncset.done $0x0  }
0xad: {  	[sflag:s26] =	ssyncadd.s32 $0xFFFFF000  }
0xae: {  	_ =	swait.ge [sflag:s26], $0x1000  }
0xaf: {  	[sflag:s26] =	ssyncset.done $0x0  }
0xb0: {  	[sflag:s26] =	ssyncadd.s32 $0xFFFFF000  }
0xb1: {  	_ =	swait.ge [sflag:s28], $0x1000  }
0xb2: {  	[sflag:s28] =	ssyncset.done $0x0  }
0xb3: {  	[sflag:s28] =	ssyncadd.s32 $0xFFFFF000  }
0xb4: {  	_ =	swait.ge [sflag:s28], $0x1000  }
0xb5: {  	[sflag:s28] =	ssyncset.done $0x0  }
0xb6: {  	[sflag:s28] =	ssyncadd.s32 $0xFFFFF000  }
0xb7: {  	_ =	swait.ge [sflag:s28], $0x1000  }
0xb8: {  	[sflag:s28] =	ssyncset.done $0x0  }
0xb9: {  	[sflag:s28] =	ssyncadd.s32 $0xFFFFF000  }
0xba: {  	_ =	swait.ge [sflag:s28], $0x1000  }
0xbb: {  	[sflag:s28] =	ssyncset.done $0x0  }
0xbc: {  	[sflag:s28] =	ssyncadd.s32 $0xFFFFF000  }
0xbd: {  	[bflag:$0x0] =	sbarrier.arrive $0xFFFF  }
0xbe: {  	s9 =	rddreg [dreg:$0x6]  }
0xbf: {  	[hbm:s9], [sflag:s13] =	dma.local [spmem:s14], $0x1400  }
0xc0: {  	_ =	swait.ge [sflag:s11], $0x1400  }
0xc1: {  	[sflag:s11] =	ssyncset.done $0x0  }
0xc2: {  	[sflag:s11] =	ssyncadd.s32 $0xFFFFEC00  }
0xc3: {  	[spmem:s14], [sflag:s13] =	dma.local [hbm:s5], $0x1400  }
0xc4: {  	_ =	swait.ge [sflag:s11], $0x1400  }
0xc5: {  	[sflag:s11] =	ssyncset.done $0x0  }
0xc6: {  	[sflag:s11] =	ssyncadd.s32 $0xFFFFEC00  }
0xc7: {  	s12 =	simm.s32 $0x0;
	[bflag:$0x0] =	sbarrier.arrive $0xFFFF  }
0xc8: {  	[tilespmem:s16], [sflag:$0x1] =	stream.indirect.gather [hbm4b:s4+s15], $0x20, s12, s15, $0xb8;
	[tilespmem:$0x17000] =	vst v63  }
0xc9: {  	_ = 	snop  }
0xca: {  	[tilespmem:s17], [sflag:$0x1] =	stream.indirect.gather [hbm4b:s4+s15], $0x20, s15, s15, $0xb8;
	[tilespmem:$0x17000] =	vst v63  }
0xcb: {  	_ = 	snop  }
0xcc: {  	[tilespmem:s19], [sflag:$0x1] =	stream.indirect.gather [hbm4b:s4+s15], $0x20, s18, s15, $0xb8;
	[tilespmem:$0x17000] =	vst v63  }
0xcd: {  	_ = 	snop  }
0xce: {  	[tilespmem:s21], [sflag:$0x1] =	stream.indirect.gather [hbm4b:s4+s15], $0x20, s20, s15, $0xb8;
	[tilespmem:$0x17000] =	vst v63  }
0xcf: {  	s7 =	simm.s32 $0x200  }
0xd0: {  	[tilespmem:s22], [sflag:$0x2] =	stream.indirect.gather [hbm4b:s4+s15], $0x20, s7, s15, $0xb8;
	[tilespmem:$0x17000] =	vst v63  }
0xd1: {  	s8 =	simm.s32 $0x280  }
0xd2: {  	[tilespmem:s23], [sflag:$0x2] =	stream.indirect.gather [hbm4b:s4+s15], $0x20, s8, s15, $0xb8;
	[tilespmem:$0x17000] =	vst v63  }
0xd3: {  	s9 =	simm.s32 $0x300  }
0xd4: {  	[tilespmem:s24], [sflag:$0x2] =	stream.indirect.gather [hbm4b:s4+s15], $0x20, s9, s15, $0xb8;
	[tilespmem:$0x17000] =	vst v63  }
0xd5: {  	s12 =	simm.s32 $0x380  }
0xd6: {  	[tilespmem:s25], [sflag:$0x2] =	stream.indirect.gather [hbm4b:s4+s15], $0x20, s12, s15, $0xb8;
	[tilespmem:$0x17000] =	vst v63  }
0xd7: {  	_ =	swait.ge [sflag:s26], $0x1000  }
0xd8: {  	[sflag:s26] =	ssyncset.done $0x0  }
0xd9: {  	[sflag:s26] =	ssyncadd.s32 $0xFFFFF000  }
0xda: {  	_ =	swait.ge [sflag:s26], $0x1000  }
0xdb: {  	[sflag:s26] =	ssyncset.done $0x0  }
0xdc: {  	[sflag:s26] =	ssyncadd.s32 $0xFFFFF000  }
0xdd: {  	_ =	swait.ge [sflag:s26], $0x1000  }
0xde: {  	[sflag:s26] =	ssyncset.done $0x0  }
0xdf: {  	[sflag:s26] =	ssyncadd.s32 $0xFFFFF000  }
0xe0: {  	_ =	swait.ge [sflag:s26], $0x1000  }
0xe1: {  	[sflag:s26] =	ssyncset.done $0x0  }
0xe2: {  	s7 =	simm.s32 $0x400;
	[sflag:s26] =	ssyncadd.s32 $0xFFFFF000  }
0xe3: {  	[tilespmem:s16], [sflag:$0x1] =	stream.indirect.gather [hbm4b:s4+s15], $0x20, s7, s15, $0xb8;
	[tilespmem:$0x17000] =	vst v63  }
0xe4: {  	s8 =	simm.s32 $0x480  }
0xe5: {  	[tilespmem:s17], [sflag:$0x1] =	stream.indirect.gather [hbm4b:s4+s15], $0x20, s8, s15, $0xb8;
	[tilespmem:$0x17000] =	vst v63  }
0xe6: {  	s9 =	simm.s32 $0x500  }
0xe7: {  	[tilespmem:s19], [sflag:$0x1] =	stream.indirect.gather [hbm4b:s4+s15], $0x20, s9, s15, $0xb8;
	[tilespmem:$0x17000] =	vst v63  }
0xe8: {  	s12 =	simm.s32 $0x580  }
0xe9: {  	[tilespmem:s21], [sflag:$0x1] =	stream.indirect.gather [hbm4b:s4+s15], $0x20, s12, s15, $0xb8;
	[tilespmem:$0x17000] =	vst v63  }
0xea: {  	_ =	swait.ge [sflag:s28], $0x1000  }
0xeb: {  	[sflag:s28] =	ssyncset.done $0x0  }
0xec: {  	[sflag:s28] =	ssyncadd.s32 $0xFFFFF000  }
0xed: {  	_ =	swait.ge [sflag:s28], $0x1000  }
0xee: {  	[sflag:s28] =	ssyncset.done $0x0  }
0xef: {  	[sflag:s28] =	ssyncadd.s32 $0xFFFFF000  }
0xf0: {  	_ =	swait.ge [sflag:s28], $0x1000  }
0xf1: {  	[sflag:s28] =	ssyncset.done $0x0  }
0xf2: {  	[sflag:s28] =	ssyncadd.s32 $0xFFFFF000  }
0xf3: {  	_ =	swait.ge [sflag:s28], $0x1000  }
0xf4: {  	s8 =	simm.s32 $0x2000;
	s12 =	simm.s32 $0x400;
	[sflag:s28] =	ssyncset.done $0x0  }
.LBB2_4:
0xf5: {  	s9 =	sadd.s32 $0x200, s12  }
0xf6: {  	[sflag:s28] =	ssyncadd.s32 $0xFFFFF000;
	s7 =	smov.u32 s8;
	s6 =	sadd.s32 $0x1000, s8  }
0xf7: {  	[tilespmem:s22], [sflag:$0x2] =	stream.indirect.gather [hbm4b:s4+s15], $0x20, s9, s15, $0xb8;
	[tilespmem:$0x17000] =	vst v63  }
0xf8: {  	p0 =	sne.s32 s8, $0x8000;
	s8 =	sadd.s32 $0x280, s12  }
0xf9: {  	[tilespmem:s23], [sflag:$0x2] =	stream.indirect.gather [hbm4b:s4+s15], $0x20, s8, s15, $0xb8;
	[tilespmem:$0x17000] =	vst v63  }
0xfa: {  	s8 =	sadd.s32 $0x300, s12  }
0xfb: {  	[tilespmem:s24], [sflag:$0x2] =	stream.indirect.gather [hbm4b:s4+s15], $0x20, s8, s15, $0xb8;
	[tilespmem:$0x17000] =	vst v63  }
0xfc: {  	s8 =	sadd.s32 $0x380, s12  }
0xfd: {  	[tilespmem:s25], [sflag:$0x2] =	stream.indirect.gather [hbm4b:s4+s15], $0x20, s8, s15, $0xb8;
	[tilespmem:$0x17000] =	vst v63  }
0xfe: {  	_ =	swait.ge [sflag:s26], $0x1000  }
0xff: {  	[sflag:s26] =	ssyncset.done $0x0  }
0x100: {  	[sflag:s26] =	ssyncadd.s32 $0xFFFFF000  }
0x101: {  	_ =	swait.ge [sflag:s26], $0x1000  }
0x102: {  	[sflag:s26] =	ssyncset.done $0x0  }
0x103: {  	[sflag:s26] =	ssyncadd.s32 $0xFFFFF000  }
0x104: {  	_ =	swait.ge [sflag:s26], $0x1000  }
0x105: {  	[sflag:s26] =	ssyncset.done $0x0  }
0x106: {  	[sflag:s26] =	ssyncadd.s32 $0xFFFFF000  }
0x107: {  	_ =	swait.ge [sflag:s26], $0x1000  }
0x108: {  	[sflag:s26] =	ssyncset.done $0x0  }
0x109: {  	s8 =	sadd.s32 $0x400, s12;
	[sflag:s26] =	ssyncadd.s32 $0xFFFFF000  }
0x10a: {  	[tilespmem:s16], [sflag:$0x1] =	stream.indirect.gather [hbm4b:s4+s15], $0x20, s8, s15, $0xb8;
	[tilespmem:$0x17000] =	vst v63  }
0x10b: {  	s8 =	sadd.s32 $0x480, s12  }
0x10c: {  	[tilespmem:s17], [sflag:$0x1] =	stream.indirect.gather [hbm4b:s4+s15], $0x20, s8, s15, $0xb8;
	[tilespmem:$0x17000] =	vst v63  }
0x10d: {  	s8 =	sadd.s32 $0x500, s12  }
0x10e: {  	[tilespmem:s19], [sflag:$0x1] =	stream.indirect.gather [hbm4b:s4+s15], $0x20, s8, s15, $0xb8;
	[tilespmem:$0x17000] =	vst v63  }
0x10f: {  	s8 =	sadd.s32 $0x580, s12  }
0x110: {  	[tilespmem:s21], [sflag:$0x1] =	stream.indirect.gather [hbm4b:s4+s15], $0x20, s8, s15, $0xb8;
	[tilespmem:$0x17000] =	vst v63  }
0x111: {  	_ =	swait.ge [sflag:s28], $0x1000  }
0x112: {  	[sflag:s28] =	ssyncset.done $0x0  }
0x113: {  	[sflag:s28] =	ssyncadd.s32 $0xFFFFF000  }
0x114: {  	_ =	swait.ge [sflag:s28], $0x1000  }
0x115: {  	[sflag:s28] =	ssyncset.done $0x0  }
0x116: {  	[sflag:s28] =	ssyncadd.s32 $0xFFFFF000  }
.Ltmp1:
0x117: {  	_ =	swait.ge [sflag:s28], $0x1000;
	(pc) =	sbr.rel @p0 .LBB2_4-.Ltmp1, $4  }
0x118: {  	[sflag:s28] =	ssyncset.done $0x0  }
0x119: {  	[sflag:s28] =	ssyncadd.s32 $0xFFFFF000  }
0x11a: {  	_ =	swait.ge [sflag:s28], $0x1000  }
0x11b: {  	s12 =	sshra.s32 s7, $0x2;
	s8 =	smov.u32 s6;
	[sflag:s28] =	ssyncset.done $0x0  }
0x11c: {  	s6 =	sadd.s32 $0x200, s12;
	[sflag:s28] =	ssyncadd.s32 $0xFFFFF000  }
0x11d: {  	[tilespmem:s22], [sflag:$0x2] =	stream.indirect.gather [hbm4b:s4+s15], $0x20, s6, s15, $0xb8;
	[tilespmem:$0x17000] =	vst v63  }
0x11e: {  	s9 =	sadd.s32 $0x280, s12  }
0x11f: {  	[tilespmem:s23], [sflag:$0x2] =	stream.indirect.gather [hbm4b:s4+s15], $0x20, s9, s15, $0xb8;
	[tilespmem:$0x17000] =	vst v63  }
0x120: {  	s7 =	sadd.s32 $0x300, s12  }
0x121: {  	[tilespmem:s24], [sflag:$0x2] =	stream.indirect.gather [hbm4b:s4+s15], $0x20, s7, s15, $0xb8;
	[tilespmem:$0x17000] =	vst v63  }
0x122: {  	s8 =	sadd.s32 $0x380, s12  }
0x123: {  	[tilespmem:s25], [sflag:$0x2] =	stream.indirect.gather [hbm4b:s4+s15], $0x20, s8, s15, $0xb8;
	[tilespmem:$0x17000] =	vst v63  }
0x124: {  	_ =	swait.ge [sflag:s26], $0x1000  }
0x125: {  	[sflag:s26] =	ssyncset.done $0x0  }
0x126: {  	[sflag:s26] =	ssyncadd.s32 $0xFFFFF000  }
0x127: {  	_ =	swait.ge [sflag:s26], $0x1000  }
0x128: {  	[sflag:s26] =	ssyncset.done $0x0  }
0x129: {  	[sflag:s26] =	ssyncadd.s32 $0xFFFFF000  }
0x12a: {  	_ =	swait.ge [sflag:s26], $0x1000  }
0x12b: {  	[sflag:s26] =	ssyncset.done $0x0  }
0x12c: {  	[sflag:s26] =	ssyncadd.s32 $0xFFFFF000  }
0x12d: {  	_ =	swait.ge [sflag:s26], $0x1000  }
0x12e: {  	[sflag:s26] =	ssyncset.done $0x0  }
0x12f: {  	s9 =	sadd.s32 $0x400, s12;
	[sflag:s26] =	ssyncadd.s32 $0xFFFFF000  }
0x130: {  	[tilespmem:s16], [sflag:$0x1] =	stream.indirect.gather [hbm4b:s4+s15], $0x20, s9, s15, $0xb8;
	[tilespmem:$0x17000] =	vst v63  }
0x131: {  	s7 =	sadd.s32 $0x480, s12  }
0x132: {  	[tilespmem:s17], [sflag:$0x1] =	stream.indirect.gather [hbm4b:s4+s15], $0x20, s7, s15, $0xb8;
	[tilespmem:$0x17000] =	vst v63  }
0x133: {  	s8 =	sadd.s32 $0x500, s12  }
0x134: {  	[tilespmem:s19], [sflag:$0x1] =	stream.indirect.gather [hbm4b:s4+s15], $0x20, s8, s15, $0xb8;
	[tilespmem:$0x17000] =	vst v63  }
0x135: {  	s9 =	sadd.s32 $0x580, s12  }
0x136: {  	[tilespmem:s21], [sflag:$0x1] =	stream.indirect.gather [hbm4b:s4+s15], $0x20, s9, s15, $0xb8;
	[tilespmem:$0x17000] =	vst v63  }
0x137: {  	_ =	swait.ge [sflag:s28], $0x1000  }
0x138: {  	[sflag:s28] =	ssyncset.done $0x0  }
0x139: {  	[sflag:s28] =	ssyncadd.s32 $0xFFFFF000  }
0x13a: {  	_ =	swait.ge [sflag:s28], $0x1000  }
0x13b: {  	[sflag:s28] =	ssyncset.done $0x0  }
0x13c: {  	[sflag:s28] =	ssyncadd.s32 $0xFFFFF000  }
0x13d: {  	_ =	swait.ge [sflag:s28], $0x1000  }
0x13e: {  	[sflag:s28] =	ssyncset.done $0x0  }
0x13f: {  	[sflag:s28] =	ssyncadd.s32 $0xFFFFF000  }
0x140: {  	_ =	swait.ge [sflag:s28], $0x1000  }
0x141: {  	[sflag:s28] =	ssyncset.done $0x0  }
0x142: {  	[sflag:s28] =	ssyncadd.s32 $0xFFFFF000  }
0x143: {  	[tilespmem:s22], [sflag:$0x2] =	stream.indirect.gather [hbm4b:s4+s15], $0x20, s29, s15, $0xb8;
	[tilespmem:$0x17000] =	vst v63  }
0x144: {  	_ = 	snop  }
0x145: {  	[tilespmem:s23], [sflag:$0x2] =	stream.indirect.gather [hbm4b:s4+s15], $0x20, s30, s15, $0xb8;
	[tilespmem:$0x17000] =	vst v63  }
0x146: {  	_ = 	snop  }
0x147: {  	[tilespmem:s24], [sflag:$0x2] =	stream.indirect.gather [hbm4b:s4+s15], $0x20, s31, s15, $0xb8;
	[tilespmem:$0x17000] =	vst v63  }
0x148: {  	_ = 	snop  }
0x149: {  	[tilespmem:s25], [sflag:$0x2] =	stream.indirect.gather [hbm4b:s4+s15], $0x20, s0, s15, $0xb8;
	[tilespmem:$0x17000] =	vst v63  }
0x14a: {  	_ =	swait.ge [sflag:s26], $0x1000  }
0x14b: {  	[sflag:s26] =	ssyncset.done $0x0  }
0x14c: {  	[sflag:s26] =	ssyncadd.s32 $0xFFFFF000  }
0x14d: {  	_ =	swait.ge [sflag:s26], $0x1000  }
0x14e: {  	[sflag:s26] =	ssyncset.done $0x0  }
0x14f: {  	[sflag:s26] =	ssyncadd.s32 $0xFFFFF000  }
0x150: {  	_ =	swait.ge [sflag:s26], $0x1000  }
0x151: {  	[sflag:s26] =	ssyncset.done $0x0  }
0x152: {  	[sflag:s26] =	ssyncadd.s32 $0xFFFFF000  }
0x153: {  	_ =	swait.ge [sflag:s26], $0x1000  }
0x154: {  	[sflag:s26] =	ssyncset.done $0x0  }
0x155: {  	[sflag:s26] =	ssyncadd.s32 $0xFFFFF000  }
0x156: {  	_ =	swait.ge [sflag:s28], $0x1000  }
0x157: {  	[sflag:s28] =	ssyncset.done $0x0  }
0x158: {  	[sflag:s28] =	ssyncadd.s32 $0xFFFFF000  }
0x159: {  	_ =	swait.ge [sflag:s28], $0x1000  }
0x15a: {  	[sflag:s28] =	ssyncset.done $0x0  }
0x15b: {  	[sflag:s28] =	ssyncadd.s32 $0xFFFFF000  }
0x15c: {  	_ =	swait.ge [sflag:s28], $0x1000  }
0x15d: {  	[sflag:s28] =	ssyncset.done $0x0  }
0x15e: {  	[sflag:s28] =	ssyncadd.s32 $0xFFFFF000  }
0x15f: {  	_ =	swait.ge [sflag:s28], $0x1000  }
0x160: {  	[sflag:s28] =	ssyncset.done $0x0  }
0x161: {  	s1 =	sadd.s32 $0x1, s1;
	[sflag:s28] =	ssyncadd.s32 $0xFFFFF000  }
0x162: {  	p0 =	sne.s32 s1, s10;
	[bflag:$0x0] =	sbarrier.arrive $0xFFFF  }
.Ltmp2:
0x163: {  	s12 =	rddreg [dreg:$0x7];
	(pc) =	sbr.rel @p0 .LBB2_1-.Ltmp2, $4  }
0x164: {  	[hbm:s12], [sflag:s13] =	dma.local [spmem:s14], $0x1400  }
0x165: {  	_ =	swait.ge [sflag:s11], $0x1400  }
0x166: {  	[sflag:s11] =	ssyncset.done $0x0  }
0x167: {  	[sflag:s11] =	ssyncadd.s32 $0xFFFFEC00  }
0x168: {  	_ =	sfence.sel $0x180000  }
0x169: {  	[bflag:$0x0] =	sbarrier.arrive $0xFFFF  }
0x16a: {  	_ =	strace $0x9000004D  }
0x16b: {  	s0 =	stileid.u32;
	[bflag:$0x2] =	sbarrier.arrive $0xFFFF  }
0x16c: {  	p0 =	sne.s32 s0, $0x0;
	s0 =	rddreg [dreg:$0x3]  }
0x16d: {  	s0 =	sadd.s32 @!p0 $0x100000, s0  }
0x16e: {  	[sflag:s0] =	ssyncadd.tile.s32 @!p0 $0x1;
	_ =	shalt  }
.Lfunc_end2:
_tile_overlayer_lowered:
.L_overlay_start_2:
0x16f: {  	(tag) =	ssettag $0x2  }
0x170: {  	s0 =	rddreg [dreg:$0x0];
	s2 =	stileid.u32  }
0x171: {  	s1 =	rddreg [dreg:$0x1];
	p0 =	sne.s32 s2, $0x0  }
0x172: {  	s3 =	rddreg [dreg:$0x2];
	[bflag:$0x3] =	sbarrier.arrive $0xFFFF;
	s2 =	simm.s32 @!p0 $0x1C03  }
0x173: {  	[timem:s3], [sflag:s2] =	dma.local @!p0 [hbm:s0], s1  }
0x174: {  	s0 =	simm.s32 @!p0 $0x3  }
0x175: {  	_ =	swait.ge @!p0 [sflag:s0], s1  }
0x176: {  	s1 =	ssub.s32 @!p0 $0x0, s1;
	[sflag:s0] =	ssyncset.done @!p0 $0x0  }
0x177: {  	[sflag:s0] =	ssyncadd.s32 @!p0 s1  }
0x178: {  	[bflag:$0x3] =	sbarrier.arrive $0xFFFF  }
0x179: {  	_ =	shalt  }

// kernel: kernel.7.cloned.1.call-start
scs
__scs_entry_jumppad:
0x0: {  	(pc) =	sbr.rel $0x88, $3  }
0x1: {  	(tag) =	ssettag $0x0;
	lr =	simm.s32 $0x1  }
0x2: {  	[smem:$0x3F99] =	sst lr;
	_ =	strace $0xD0000000  }
0x3: {  	_ = 	snop  }
0x4: {  	_ = 	snop  }
0x5: {  	_ = 	snop  }
0x6: {  	_ = 	snop  }
0x7: {  	_ = 	snop  }
__scs_overlays_trampoline_lowered:
0x8: {  	[smem:$0x3FA8] =	sst s0  }
0x9: {  	[smem:$0x3FA9] =	sst s1  }
0xa: {  	[smem:$0x3FAA] =	sst s2  }
0xb: {  	[smem:$0x3FAB] =	sst s3  }
0xc: {  	[smem:$0x3FAC] =	sst s4  }
0xd: {  	[smem:$0x3FAD] =	sst s5  }
0xe: {  	[smem:$0x3FAE] =	sst s6  }
0xf: {  	[smem:$0x3FAF] =	sst s7  }
0x10: {  	[smem:$0x3FB0] =	sst s8  }
0x11: {  	[smem:$0x3FB1] =	sst s9;
	s0 =	simm.s32 @!p0 $0x0  }
0x12: {  	s1 =	sld [smem:$0x3F97];
	s0 =	simm.s32 @p0 $0x1  }
0x13: {  	[smem:$0x3FB2] =	sst s0;
	s0 =	simm.s32 @!p1 $0x0  }
0x14: {  	s2 =	sld [smem:$0x3F96];
	s0 =	simm.s32 @p1 $0x1  }
0x15: {  	[smem:$0x3FB3] =	sst s0;
	s0 =	simm.s32 @!p2 $0x0  }
0x16: {  	s3 =	sld [smem:$0x3FDB];
	s0 =	simm.s32 @p2 $0x1  }
0x17: {  	s4 =	simm.s32 $0x1BF5;
	[smem:$0x3FB5] =	sst s0  }
0x18: {  	s0 =	sld [smem:$0x3F98];
	_ =	swait.ge [sflag:s4], $0x0  }
0x19: {  	s7 =	sld [smem:$0x3F99]  }
0x1a: {  	s8 =	sadd.s32 $0xFFFFE003, lr  }
0x1b: {  	s9 =	sadd.s32 $0xFFFFFEF7, lr;
	s5 =	simm.s32 $0xFFFFFFFF;
	p2 =	slt.u32 s8, $0xFFFFF086  }
0x1c: {  	p1 =	slt.u32 s9, $0xF7A;
	s5 =	simm.s32 @!p2 $0x0  }
0x1d: {  	s5 =	simm.s32 @p1 $0x1;
	p0 =	seq.s32 s7, s2  }
0x1e: {  	s7 =	smul.u32 @!p0 $0xF7A, s2;
	p2 =	seq.s32 @!p0 s5, $0x0  }
0x1f: {  	s9 =	smul.u32 $0xF7A, s1;
	s8 =	simm.s32 @!p0 $0x1BF5;
	p2 =	por !p2, p0  }
0x20: {  	[sflag:s8] =	ssyncset.s32 @!p0 $0xFFFFF086;
	s6 =	sadd.s32 @!p0 s3, s7;
	s7 =	simm.s32 @!p0 $0x108  }
0x21: {  	s3 =	sadd.s32 s3, s9;
	s6 =	sadd.s32 @!p0 $0x88, s6;
	s7 =	simm.s32 @p2 $0x1082  }
0x22: {  	[simem:s7], [sflag:s8] =	dma.local @!p0 [hbm:s6], $0xF7A  }
0x23: {  	s9 =	sor.u32 $0xD0000000, s2;
	s6 =	simm.s32 $0x108;
	_ =	swait.ge @!p0 [sflag:s8], $0x0  }
0x24: {  	s3 =	sadd.s32 $0x88, s3;
	s6 =	simm.s32 @!p1 $0x1082;
	[sflag:s4] =	ssyncset.s32 $0xFFFFF086  }
0x25: {  	[simem:s6], [sflag:s4] =	dma.local [hbm:s3], $0xF7A  }
0x26: {  	[smem:$0x3F99] =	sst s1;
	(tag) =	ssettag s2;
	_ =	strace s9  }
0x27: {  	s1 =	sld [smem:$0x3FA9]  }
0x28: {  	s2 =	sld [smem:$0x3FAA]  }
0x29: {  	s4 =	sld [smem:$0x3FAC]  }
0x2a: {  	p0 =	seq.s32 s5, $0x0;
	s5 =	sld [smem:$0x3FAD]  }
0x2b: {  	s6 =	sld [smem:$0x3FAE]  }
0x2c: {  	s7 =	sld [smem:$0x3FAF]  }
0x2d: {  	s3 =	simm.s32 $0x108;
	s8 =	sld [smem:$0x3FB0]  }
0x2e: {  	s3 =	simm.s32 @!p0 $0x1082;
	s9 =	sld [smem:$0x3FB1]  }
0x2f: {  	lr =	sadd.s32 s0, s3;
	s0 =	sld [smem:$0x3FA8]  }
0x30: {  	s3 =	sld [smem:$0x3FAB]  }
0x31: {  	[smem:$0x3FB4] =	sst s10  }
0x32: {  	s10 =	sld [smem:$0x3FB2];
	_ =	sdelay $0x3  }
0x33: {  	p0 =	seq.s32 s10, $0x1;
	s10 =	sld [smem:$0x3FB4];
	_ =	sdelay $0x3  }
0x34: {  	[smem:$0x3FB4] =	sst s10  }
0x35: {  	s10 =	sld [smem:$0x3FB3];
	_ =	sdelay $0x3  }
0x36: {  	p1 =	seq.s32 s10, $0x1;
	s10 =	sld [smem:$0x3FB4];
	_ =	sdelay $0x3  }
0x37: {  	[smem:$0x3FB4] =	sst s10  }
0x38: {  	s10 =	sld [smem:$0x3FB5]  }
0x39: {  	_ = 	snop;
	(pc) =	sbr.ind lr, $3  }
0x3a: {  	_ = 	snop  }
0x3b: {  	_ = 	snop  }
0x3c: {  	p2 =	seq.s32 s10, $0x1;
	s10 =	sld [smem:$0x3FB4]  }
0x3d: {  	_ =	shalt  }
0x3e: {  	_ =	shalt  }
0x3f: {  	_ =	shalt  }
0x40: {  	_ =	shalt  }
0x41: {  	_ =	shalt  }
0x42: {  	_ =	shalt  }
0x43: {  	_ =	shalt  }
0x44: {  	_ =	shalt  }
0x45: {  	_ =	shalt  }
0x46: {  	_ =	shalt  }
0x47: {  	_ =	shalt  }
0x48: {  	_ =	shalt  }
0x49: {  	_ =	shalt  }
0x4a: {  	_ =	shalt  }
0x4b: {  	_ =	shalt  }
0x4c: {  	_ =	shalt  }
0x4d: {  	_ =	shalt  }
0x4e: {  	_ =	shalt  }
0x4f: {  	_ =	shalt  }
0x50: {  	_ =	shalt  }
0x51: {  	_ =	shalt  }
0x52: {  	_ =	shalt  }
0x53: {  	_ =	shalt  }
0x54: {  	_ =	shalt  }
0x55: {  	_ =	shalt  }
0x56: {  	_ =	shalt  }
0x57: {  	_ =	shalt  }
0x58: {  	_ =	shalt  }
0x59: {  	_ =	shalt  }
0x5a: {  	_ =	shalt  }
0x5b: {  	_ =	shalt  }
0x5c: {  	_ =	shalt  }
0x5d: {  	_ =	shalt  }
0x5e: {  	_ =	shalt  }
0x5f: {  	_ =	shalt  }
0x60: {  	_ =	shalt  }
0x61: {  	_ =	shalt  }
0x62: {  	_ =	shalt  }
0x63: {  	_ =	shalt  }
0x64: {  	_ =	shalt  }
0x65: {  	_ =	shalt  }
0x66: {  	_ =	shalt  }
0x67: {  	_ =	shalt  }
0x68: {  	_ =	shalt  }
0x69: {  	_ =	shalt  }
0x6a: {  	_ =	shalt  }
0x6b: {  	_ =	shalt  }
0x6c: {  	_ =	shalt  }
0x6d: {  	_ =	shalt  }
0x6e: {  	_ =	shalt  }
0x6f: {  	_ =	shalt  }
0x70: {  	_ =	shalt  }
0x71: {  	_ =	shalt  }
0x72: {  	_ =	shalt  }
0x73: {  	_ =	shalt  }
0x74: {  	_ =	shalt  }
0x75: {  	_ =	shalt  }
0x76: {  	_ =	shalt  }
0x77: {  	_ =	shalt  }
0x78: {  	_ =	shalt  }
0x79: {  	_ =	shalt  }
0x7a: {  	_ =	shalt  }
0x7b: {  	_ =	shalt  }
0x7c: {  	_ =	shalt  }
0x7d: {  	_ =	shalt  }
0x7e: {  	_ =	shalt  }
0x7f: {  	_ =	shalt  }
0x80: {  	_ =	shalt  }
0x81: {  	_ =	shalt  }
0x82: {  	_ =	shalt  }
0x83: {  	_ =	shalt  }
0x84: {  	_ =	shalt  }
0x85: {  	_ =	shalt  }
0x86: {  	_ =	shalt  }
0x87: {  	_ =	shalt  }
.Lfunc_end0:
.L_simem_size_0:
called_computation_lowered:
.L_overlay_start_0:
0x88: {  	s2 =	sld [smem:$0x3FD9]  }
0x89: {  	s3 =	sld [smem:$0x3FFE];
	_ =	sdelay $0x1  }
0x8a: {  	s1 =	srdreg.scid  }
0x8b: {  	s0 =	sand.u32 $0x1, s1  }
0x8c: {  	s17 =	sshll.u32 s0, $0xA;
	s2 =	sadd.s32 s3, s2  }
0x8d: {  	s2 =	sadd.s32 s2, s17  }
0x8e: {  	[smem:$0x3FC0] =	sst s2  }
0x8f: {  	_ = 	snop  }
0x90: {  	(tm) =	ssettm $0x1  }
0x91: {  	s18 =	sld [smem:$0x3FFB];
	_ =	sdelay $0x3  }
0x92: {  	_ =	strace s18  }
0x93: {  	s2 =	sld [smem:$0x3FFC];
	_ =	sdelay $0x3  }
0x94: {  	_ =	strace s2  }
0x95: {  	s2 =	sld [smem:$0x3FFD];
	_ =	sdelay $0x3  }
0x96: {  	_ =	strace s2  }
0x97: {  	_ =	strace $0x8FFFFFFF  }
0x98: {  	s19 =	sld [smem:$0x3FDB];
	_ =	sdelay $0x1  }
0x99: {  	s20 =	simm.s32 $_scs_section_size  }
0x9a: {  	s4 =	simm.s32 $_size__tile_overlayer_lowered;
	s5 =	simm.s32 $_tile_overlayer_lowered  }
0x9b: {  	s6 =	simm.s32 $0x1BFF;
	s21 =	sshll.u32 s5, $0x1;
	s3 =	sadd.s32 s20, s19  }
0x9c: {  	s22 =	simm.s32 $0x0;
	s4 =	sshll.u32 s4, $0x1;
	s5 =	sadd.s32 s21, s3  }
0x9d: {  	[timem:s22], [sflag:s6] =	dma.local [hbm:s5], s4  }
0x9e: {  	_ =	swait.ge [sflag:s6], s4  }
0x9f: {  	s4 =	ssub.s32 $0x0, s4;
	[sflag:s6] =	ssyncset.done $0x0  }
0xa0: {  	[sflag:s6] =	ssyncadd.s32 s4;
	_ =	sdelay $0x1  }
0xa1: {  	s23 =	simm.s32 $0x1B8B  }
0xa2: {  	_ =	swait.ge [sflag:s23], $0x1  }
0xa3: {  	[sflag:s23] =	ssyncset.done $0x0  }
0xa4: {  	[sflag:s23] =	ssyncadd.s32 $0xFFFFFFFF  }
0xa5: {  	s4 =	sld [smem:$0x0]  }
0xa6: {  	s5 =	sand.u32 $0xFFFFFFFE, s1  }
0xa7: {  	p0 =	sne.s32 s1, s5  }
0xa8: {  	s5 =	sshll.u32 @p0 s5, $0xE  }
0xa9: {  	s5 =	sadd.s32 @p0 $0x11B8D, s5;
	s6 =	sshll.u32 @p0 s4, $0x11  }
0xaa: {  	s5 =	sor.u32 @p0 s6, s5  }
0xab: {  	[sflag:s5] =	ssyncadd.remote.s32 @p0 $0x1;
	_ =	sdelay $0x1  }
0xac: {  	s5 =	simm.s32 @p0 $0x1B8D  }
0xad: {  	_ =	swait.eq @p0 [sflag:s5], $0x1  }
0xae: {  	[sflag:s5] =	ssyncadd.s32 @p0 $0xFFFFFFFF  }
0xaf: {  	s6 =	sshll.u32 @!p0 s1, $0xE  }
0xb0: {  	s6 =	sor.u32 @!p0 $0x4000, s6;
	s5 =	simm.s32 @!p0 $0x1B8D  }
0xb1: {  	s4 =	sshll.u32 @!p0 s4, $0x11;
	s6 =	sadd.s32 @!p0 $0x11B8D, s6;
	_ =	swait.eq @!p0 [sflag:s5], $0x1  }
0xb2: {  	s4 =	sor.u32 @!p0 s4, s6;
	[sflag:s5] =	ssyncadd.s32 @!p0 $0xFFFFFFFF  }
0xb3: {  	s25 =	simm.s32 $0x1B8E;
	s24 =	sld [smem:$0x3FFE];
	[sflag:s4] =	ssyncadd.remote.s32 @!p0 $0x1  }
0xb4: {  	s26 =	simm.s32 $execute0_lowered;
	[smem:$0x3FD2] =	sst s25  }
0xb5: {  	s5 =	sshll.u32 s26, $0x1;
	_ =	strace $0x80000049;
	[dreg:$0x1] =	wrdreg $0xFFFFFFFF  }
0xb6: {  	s28 =	simm.s32 $_size_execute0_lowered;
	s3 =	sadd.s32 s3, s5;
	[dreg:$0x0] =	wrdreg $0x0  }
0xb7: {  	s5 =	sshll.u32 s28, $0x1;
	[dreg:$0x2] =	wrdreg s3  }
0xb8: {  	[dreg:$0x3] =	wrdreg s5  }
0xb9: {  	[dreg:$0x4] =	wrdreg $0xC0  }
0xba: {  	_ =	task [dreg:s22], $0x5FFFF  }
0xbb: {  	[dreg:$0x1] =	wrdreg $0xFFFFFFFF  }
0xbc: {  	[dreg:$0x0] =	wrdreg $0x60  }
0xbd: {  	[dreg:$0x2] =	wrdreg s24  }
0xbe: {  	[dreg:$0x3] =	wrdreg $0x2C000  }
0xbf: {  	[dreg:$0x4] =	wrdreg $0x9  }
0xc0: {  	_ =	task.clear_ibuf [dreg:s22], $0x5FFFF;
	_ =	strace $0x90000049  }
0xc1: {  	s29 =	simm.s32 $0x9;
	_ =	strace $0x8000004B  }
0xc2: {  	_ =	swait.ge [sflag:s29], $0x1  }
0xc3: {  	[sflag:s29] =	ssyncadd.s32 $0xFFFFFFFF  }
0xc4: {  	_ =	strace $0x9000004B  }
0xc5: {  	_ =	sfence  }
0xc6: {  	s30 =	sld [smem:$0x0];
	_ =	sdelay $0x2  }
0xc7: {  	s31 =	sshll.u32 s1, $0xD;
	s1 =	sshrl.u32 s1, $0x2  }
0xc8: {  	s4 =	sand.u32 $0x4000, s31;
	s1 =	sadd.s32 s1, s30  }
0xc9: {  	s0 =	sor.u32 s4, s0;
	s1 =	sshll.u32 s1, $0x11  }
0xca: {  	s0 =	sor.u32 s1, s0  }
0xcb: {  	s0 =	sadd.s32 $0x8F2B, s0  }
0xcc: {  	[sflag:s0] =	ssyncadd.remote.s32 $0x1  }
0xcd: {  	_ =	sfence.sel $0xFFFF  }
0xce: {  	[dreg:$0x0] =	wrdreg $0xFFFFFFFF;
	(pc) =	sbr.abs _section_cstart, $3  }
0xcf: {  	[dreg:$0x1] =	wrdreg $0xFFFFFFFF  }
0xd0: {  	_ =	task.clear_ibuf [dreg:s22], $0x2FFFF;
	_ =	strace $0x9FFFFFFF  }
0xd1: {  	(tm) =	ssettm $0x7FFFFFFF  }
tec
execute0_lowered:
.L_overlay_start_1:
0x0: {  	(tag) =	ssettag $0x1  }
0x1: {  	s0 =	srdreg.scid;
	s6 =	rddreg [dreg:$0x0]  }
0x2: {  	s2 =	rddreg [dreg:$0x1];
	s3 =	simm.s32 $0x0;
	s13 =	simm.s32 $0x80  }
0x3: {  	s14 =	simm.s32 $0x1;
	s4 =	sand.u32 $0x1, s0;
	s0 =	stileid.u32  }
0x4: {  	s15 =	simm.s32 $0x0;
	[smem:$0x7FF] =	sst s3;
	s7 =	smul.u32 $0x1400, s0  }
0x5: {  	s1 =	sshll.u32 s4, $0x4;
	s8 =	smul.u32 $0x14000, s4;
	s30 =	ssub.s32 $0x2, s4  }
0x6: {  	s4 =	sadd.s32 $0x70C00, s6;
	s31 =	sshll.u32 s0, $0x6;
	s1 =	sor.u32 s0, s1  }
0x7: {  	s11 =	sshrl.u32 s30, $0x1;
	s5 =	smul.u32 $0x500, s1;
	s1 =	rddreg [dreg:$0x2]  }
0x8: {  	_ =	strace $0x8000004A;
	s29 =	sadd.s32 s7, s8;
	s8 =	ssub.s32 s30, s11  }
0x9: {  	s12 =	sadd.s32 s7, s2;
	s11 =	sor.u32 $0x1C02, s31;
	s10 =	sshrl.u32 s29, $0x3  }
0xa: {  	s8 =	smax.u32 s8, $0x1;
	s12 =	sshrl.u32 s12, $0x3;
	s9 =	sadd.s32 s5, s6  }
0xb: {  	s5 =	sadd.s32 $0x71000, s6;
	s10 =	sadd.s32 s10, s6;
	s6 =	sadd.s32 $0xB800, s9  }
0xc: {  	s7 =	sadd.s32 $0x71200, s10;
	s9 =	simm.s32 $0x2;
	s10 =	simm.s32 $0x2800  }
.LBB2_1:
0xd: {  	[tilespmem:s3], [sflag:$0x2] =	stream.linear.gather [hbm4b:s6+s3], $0x2800, $0x38;
	[tilespmem:$0x4000] =	vst v63  }
0xe: {  	_ =	swait.ge [sflag:s9], $0x2800  }
0xf: {  	[sflag:s9] =	ssyncset.done $0x0  }
0x10: {  	[sflag:s9] =	ssyncadd.s32 $0xFFFFD800  }
0x11: {  	[tilespmem:s10], [sflag:$0x2] =	stream.linear.gather [hbm4b:s5+s3], $0x400, $0x38;
	[tilespmem:$0x4000] =	vst v63  }
0x12: {  	_ =	swait.ge [sflag:s9], $0x400  }
0x13: {  	[sflag:s9] =	ssyncset.done $0x0  }
0x14: {  	[sflag:s9] =	ssyncadd.s32 $0xFFFFFC00  }
0x15: {  	[spmem:s12], [sflag:s11] =	dma.local [hbm:s4], $0x280  }
0x16: {  	_ =	swait.ge [sflag:s9], $0x280  }
0x17: {  	[sflag:s9] =	ssyncset.done $0x0  }
0x18: {  	[sflag:s9] =	ssyncadd.s32 $0xFFFFFD80  }
0x19: {  	s16 =	simm.s32 $0x0;
	[bflag:$0x0] =	sbarrier.arrive $0xFFFF  }
0x1a: {  	[spmem:s2] =	stream.indirect.scatter.add.f32 [tilespmem:s10], [sflag:$0x1], $0x8, s16, s13, $0xb8;
	[tilespmem:$0x4000] =	vst v63  }
0x1b: {  	_ =	swait.ge [sflag:s14], $0x400  }
0x1c: {  	s16 =	simm.s32 $0x200;
	[sflag:s14] =	ssyncset.done $0x0  }
.LBB2_2:
0x1d: {  	s17 =	sshra.s32 s16, $0x2;
	[sflag:s14] =	ssyncadd.s32 $0xFFFFFC00;
	p0 =	sne.s32 s16, $0x9E00  }
0x1e: {  	[spmem:s2] =	stream.indirect.scatter.add.f32 [tilespmem:s10], [sflag:$0x1], $0x8, s17, s13, $0xb8;
	[tilespmem:$0x4000] =	vst v63  }
.Ltmp0:
0x1f: {  	_ = 	snop;
	(pc) =	sbr.rel @p0 .LBB2_2-.Ltmp0, $4  }
0x20: {  	_ = 	snop  }
0x21: {  	s16 =	sadd.s32 $0x200, s16  }
0x22: {  	_ =	swait.ge [sflag:s14], $0x400  }
0x23: {  	[sflag:s14] =	ssyncset.done $0x0  }
0x24: {  	s15 =	sadd.s32 $0x1, s15  }
0x25: {  	[sflag:s14] =	ssyncadd.s32 $0xFFFFFC00;
	p0 =	sne.s32 s15, s8  }
.Ltmp1:
0x26: {  	[bflag:$0x0] =	sbarrier.arrive $0xFFFF;
	(pc) =	sbr.rel @p0 .LBB2_1-.Ltmp1, $4  }
0x27: {  	[hbm:s7], [sflag:s11] =	dma.local [spmem:s12], $0x280  }
0x28: {  	_ =	swait.ge [sflag:s9], $0x280  }
0x29: {  	[sflag:s9] =	ssyncset.done $0x0  }
0x2a: {  	[sflag:s9] =	ssyncadd.s32 $0xFFFFFD80  }
0x2b: {  	_ =	sfence.sel $0x180000  }
0x2c: {  	[bflag:$0x0] =	sbarrier.arrive $0xFFFF  }
0x2d: {  	p0 =	sne.s32 s0, $0x0;
	_ =	strace $0x9000004A  }
0x2e: {  	s0 =	sadd.s32 @!p0 $0x100000, s1;
	[bflag:$0x2] =	sbarrier.arrive $0xFFFF  }
0x2f: {  	[sflag:s0] =	ssyncadd.tile.s32 @!p0 $0x1;
	_ =	shalt  }
.Lfunc_end2:
_tile_overlayer_lowered:
.L_overlay_start_2:
0x30: {  	(tag) =	ssettag $0x2  }
0x31: {  	s0 =	rddreg [dreg:$0x0];
	s2 =	stileid.u32  }
0x32: {  	s1 =	rddreg [dreg:$0x1];
	p0 =	sne.s32 s2, $0x0  }
0x33: {  	s3 =	rddreg [dreg:$0x2];
	[bflag:$0x3] =	sbarrier.arrive $0xFFFF;
	s2 =	simm.s32 @!p0 $0x1C02  }
0x34: {  	[timem:s3], [sflag:s2] =	dma.local @!p0 [hbm:s0], s1  }
0x35: {  	s0 =	simm.s32 @!p0 $0x2  }
0x36: {  	_ =	swait.ge @!p0 [sflag:s0], s1  }
0x37: {  	s1 =	ssub.s32 @!p0 $0x0, s1;
	[sflag:s0] =	ssyncset.done @!p0 $0x0  }
0x38: {  	[sflag:s0] =	ssyncadd.s32 @!p0 s1  }
0x39: {  	[bflag:$0x3] =	sbarrier.arrive $0xFFFF  }
0x3a: {  	_ =	shalt  }

</sc_bundles>
